<compile_context>
chip_gen: v7x
topology: tpu7x:2x2x1
jax: 0.10.2.dev20260603
libtpu: 0.0.44.dev20260713+nightly
codegen_flags: <defaults>
</compile_context>

<pallas_src>
import functools

import jax
import jax.numpy as jnp
from jax import lax
from jax.experimental import pallas as pl
from jax.experimental.pallas import tpu as pltpu
from jax.experimental.pallas import tpu_sc as plsc

BATCH = 4096
SEQ = 200
DIM = 64
NUM_CORES = 2
NUM_SUBCORES = 16
NW = NUM_CORES * NUM_SUBCORES
BPW = BATCH // NW
XPAD = 1024
YSTRIDE = 208
XPW = XPAD // NW
TROWS = XPAD * YSTRIDE


def _build_body(x_pad, y_pad, t_xy, xchunk, ybuf, bbuf, sem_b0, sem_b1):
    cid = lax.axis_index("c")
    sid = lax.axis_index("s")
    wid = sid * NUM_CORES + cid

    sem_b = [sem_b0, sem_b1]
    pltpu.sync_copy(x_pad.at[pl.ds(wid * XPW, XPW)], xchunk)
    pltpu.sync_copy(y_pad, ybuf)

    def out_desc(k, slot):
        row0 = pl.multiple_of((wid * XPW + k) * YSTRIDE, 8)
        return pltpu.make_async_copy(bbuf.at[slot],
                                     t_xy.at[pl.ds(row0, YSTRIDE)],
                                     sem_b[slot])

    def k_body(k, carry):
        xv = [xchunk[k, pl.ds(q * 16, 16)] for q in range(4)]
        for slot in range(2):
            @pl.when(lax.rem(k, 2) == slot)
            def _():
                @pl.when(k >= 2)
                def _():
                    out_desc(k - 2, slot).wait()

                @plsc.parallel_loop(0, YSTRIDE, unroll=2)
                def _(yr):
                    for q in range(4):
                        sl = pl.ds(q * 16, 16)
                        bbuf[slot, yr, sl] = ybuf[yr, sl] + xv[q]

                out_desc(k, slot).start()
        return carry

    lax.fori_loop(0, XPW, k_body, 0)
    out_desc(XPW - 2, 0).wait()
    out_desc(XPW - 1, 1).wait()


_build_call = functools.partial(
    pl.kernel,
    mesh=plsc.VectorSubcoreMesh(core_axis_name="c", subcore_axis_name="s"),
    out_type=jax.ShapeDtypeStruct((TROWS, DIM), jnp.float32),
    scratch_types=[
        pltpu.VMEM((XPW, DIM), jnp.float32),
        pltpu.VMEM((YSTRIDE, DIM), jnp.float32),
        pltpu.VMEM((2, YSTRIDE, DIM), jnp.float32),
        pltpu.SemaphoreType.DMA,
        pltpu.SemaphoreType.DMA,
    ],
    compiler_params=pltpu.CompilerParams(use_tc_tiling_on_sc=False),
)(_build_body)


def _main_body(idx_flat, lane_idx_hbm, t_xy, p_tab, l_tab, out_hbm,
               it_ring, lane_idx, lane_rows, pos_v, obuf,
               sem_x0, sem_x1,
               sem_o0, sem_o1, sem_o2, sem_o3,
               sem_t0, sem_t1, sem_t2, sem_t3):
    cid = lax.axis_index("c")
    sid = lax.axis_index("s")
    wid = sid * NUM_CORES + cid
    base_b = wid * BPW

    sem_x = [sem_x0, sem_x1]
    sem_o = [sem_o0, sem_o1, sem_o2, sem_o3]
    sem_t = [sem_t0, sem_t1, sem_t2, sem_t3]

    pltpu.sync_copy(p_tab, pos_v)
    pltpu.sync_copy(lane_idx_hbm.at[pl.ds(base_b, BPW)], lane_idx)
    pltpu.async_copy(l_tab.at[lane_idx], lane_rows, sem_x0).wait()

    def tok_desc(j, t):
        off = pl.multiple_of((base_b + j) * SEQ, 8)
        return pltpu.make_async_copy(idx_flat.at[pl.ds(off, SEQ)],
                                     it_ring.at[t], sem_t[t])

    def x_desc(t, p4):
        return pltpu.make_async_copy(t_xy.at[it_ring.at[t]],
                                     obuf.at[p4], sem_x[p4 % 2])

    def out_desc(j, p4):
        return pltpu.make_async_copy(obuf.at[p4], out_hbm.at[base_b + j],
                                     sem_o[p4])

    for t in range(4):
        tok_desc(t, t).start()
    for t in range(2):
        tok_desc(t, t).wait()
        x_desc(t, t).start()

    def batch_body(j, carry):
        jm4 = lax.rem(j, 4)
        for ps in range(4):
            @pl.when(jm4 == ps)
            def _():
                x_desc(0, ps).wait()

                lane_vecs = [lane_rows[j, pl.ds(q * 16, 16)] * 10.0
                             for q in range(4)]

                @plsc.parallel_loop(0, SEQ, unroll=2)
                def _(r):
                    for q in range(4):
                        sl = pl.ds(q * 16, 16)
                        plsc.addupdate(obuf.at[ps, r, sl],
                                       pos_v[r, sl] + lane_vecs[q])

                out_desc(j, ps).start()

                ns = (ps + 2) % 4
                @pl.when(j + 2 < BPW)
                def _():
                    tok_desc(j + 2, ns).wait()

                    @pl.when(j >= 2)
                    def _():
                        out_desc(j - 2, ns).wait()

                    x_desc(ns, ns).start()

                @pl.when(j + 4 < BPW)
                def _():
                    tok_desc(j + 4, ps).start()
        return carry

    lax.fori_loop(0, BPW, batch_body, 0)

    for j in range(BPW - 4, BPW):
        out_desc(j, j % 4).wait()


_main_call = functools.partial(
    pl.kernel,
    mesh=plsc.VectorSubcoreMesh(core_axis_name="c", subcore_axis_name="s"),
    out_type=jax.ShapeDtypeStruct((BATCH, SEQ, DIM), jnp.float32),
    scratch_types=[
        pltpu.VMEM((4, SEQ), jnp.int32),
        pltpu.VMEM((BPW,), jnp.int32),
        pltpu.VMEM((BPW, DIM), jnp.float32),
        pltpu.VMEM((SEQ, DIM), jnp.float32),
        pltpu.VMEM((4, SEQ, DIM), jnp.float32),
        pltpu.SemaphoreType.DMA,
        pltpu.SemaphoreType.DMA,
        pltpu.SemaphoreType.DMA,
        pltpu.SemaphoreType.DMA,
        pltpu.SemaphoreType.DMA,
        pltpu.SemaphoreType.DMA,
        pltpu.SemaphoreType.DMA,
        pltpu.SemaphoreType.DMA,
        pltpu.SemaphoreType.DMA,
        pltpu.SemaphoreType.DMA,
    ],
    compiler_params=pltpu.CompilerParams(use_tc_tiling_on_sc=False),
)(_main_body)


@jax.jit
def kernel(x_tokens, y_tokens, lane_indices, x_table, y_table, pos_table,
           lane_table):
    x_tokens = x_tokens.astype(jnp.int32)
    y_tokens = y_tokens.astype(jnp.int32)
    lane_indices = lane_indices.astype(jnp.int32)
    idx_flat = (x_tokens * YSTRIDE + y_tokens).reshape(BATCH * SEQ)
    x_pad = jnp.pad(x_table, ((0, XPAD - x_table.shape[0]), (0, 0)))
    y_pad = jnp.pad(y_table, ((0, YSTRIDE - y_table.shape[0]), (0, 0)))
    t_xy = _build_call(x_pad, y_pad)
    return _main_call(idx_flat, lane_indices, t_xy, pos_table, lane_table)

# --- scband reference (transcript-rebuilt; emitter-appended) ---
"""Pipeline reference for scband-keypoint-embedding-32676111188593 (READ-ONLY COPY).

The authoritative reference and input builder live on the scoring server;
editing this copy changes nothing except your own understanding.
"""

import jax, jax.numpy as jnp
import numpy as np

NBINS_X = 1000
MAX_Y_TOKENS = 201
EMBED_DIM = 64
MAX_LEN = 200
BATCH = 4096
SEQ_LEN = 200


def setup_inputs(seed: int = 0) -> dict:
    key = jax.random.key(seed)
    k1, k2, k3, k4, k5, k6, k7 = jax.random.split(key, 7)
    x_tokens = jax.random.randint(k1, (BATCH, SEQ_LEN), 0, NBINS_X, dtype=jnp.int64 if jax.config.jax_enable_x64 else jnp.int32)
    y_tokens = jax.random.randint(k2, (BATCH, SEQ_LEN), 0, MAX_Y_TOKENS, dtype=jnp.int64 if jax.config.jax_enable_x64 else jnp.int32)
    lane_indices = jax.random.randint(k3, (BATCH,), 0, 8, dtype=jnp.int64 if jax.config.jax_enable_x64 else jnp.int32)
    x_table = jax.random.normal(k4, (NBINS_X, EMBED_DIM), dtype=jnp.float32)
    y_table = jax.random.normal(k5, (MAX_Y_TOKENS, EMBED_DIM), dtype=jnp.float32)
    pos_table = jax.random.normal(k6, (MAX_LEN, EMBED_DIM), dtype=jnp.float32)
    lane_table = jax.random.normal(k7, (8, EMBED_DIM), dtype=jnp.float32)
    return {
        "x_tokens": x_tokens,
        "y_tokens": y_tokens,
        "lane_indices": lane_indices,
        "x_table": x_table,
        "y_table": y_table,
        "pos_table": pos_table,
        "lane_table": lane_table,
    }


def reference(x_tokens, y_tokens, lane_indices, x_table, y_table, pos_table, lane_table):
    batch_size, seq_len = x_tokens.shape
    pos_ids = jnp.broadcast_to(jnp.arange(seq_len)[None, :], (batch_size, seq_len))
    x_emb = jnp.take(x_table, x_tokens, axis=0)
    y_emb = jnp.take(y_table, y_tokens, axis=0)
    pos_emb = jnp.take(pos_table, pos_ids, axis=0)
    out = x_emb + y_emb + pos_emb
    lane_ids = jnp.broadcast_to(lane_indices[:, None], (batch_size, seq_len))
    lane_emb = jnp.take(lane_table, lane_ids, axis=0)
    out = out + lane_emb * 10.0
    return out

if __name__ == "__main__":
    import jax
    _d = setup_inputs()
    print(jax.jit(kernel)(*tuple(_d.values())))

</pallas_src>

<mosaic_0001>
#map = affine_map<(d0, d1) -> (0, 0)>
module attributes {stable_mosaic.version = 14 : i64} {
  func.func @_build_body(%arg0: i32, %arg1: i32, %arg2: memref<1024x64xf32, #tpu.memory_space<hbm>>, %arg3: memref<208x64xf32, #tpu.memory_space<hbm>>, %arg4: memref<212992x64xf32, #tpu.memory_space<hbm>>, %arg5: memref<32x64xf32, #tpu.memory_space<vmem>>, %arg6: memref<208x64xf32, #tpu.memory_space<vmem>>, %arg7: memref<2x208x64xf32, #tpu.memory_space<vmem>>, %arg8: memref<!tpu.dma_semaphore, #tpu.memory_space<semaphore_mem>>, %arg9: memref<!tpu.dma_semaphore, #tpu.memory_space<semaphore_mem>>) attributes {dimension_semantics = [#tpu.dimension_semantics<core_parallel>, #tpu.dimension_semantics<subcore_parallel>], iteration_bounds = array<i64: 2, 16>, scalar_prefetch = 0 : i64, scratch_operands = 5 : i64, tpu.core_type = #tpu.core_type<sc_vector_subcore>, window_params = [{transform_indices = #map}, {transform_indices = #map}, {transform_indices = #map}]} {
    %mul3A = arith.constant 2 : i32
    %mul3A_0 = arith.muli %arg1, %mul3A : i32
    %add3A = arith.addi %mul3A_0, %arg0 : i32
    %mul3A_1 = arith.constant 32 : i32
    %mul3A_2 = arith.muli %add3A, %mul3A_1 : i32
    "tpu.region"() ({
      %run_scoped3A = tpu.sem_alloc : memref<!tpu.dma_semaphore, #tpu.memory_space<semaphore_mem>>
      %dma_start3A = arith.constant 0 : i32
      %dma_start3A_46 = tpu.memref_slice %arg2[%mul3A_2, %dma_start3A] : memref<1024x64xf32, #tpu.memory_space<hbm>> -> memref<32x64xf32, #tpu.memory_space<hbm>>
      %dma_start3A_47 = arith.constant 0 : i32
      %dma_start3A_48 = tpu.memref_slice %arg2[%mul3A_2, %dma_start3A_47] : memref<1024x64xf32, #tpu.memory_space<hbm>> -> memref<32x64xf32, #tpu.memory_space<hbm>>
      tpu.enqueue_dma source(%dma_start3A_48 : memref<32x64xf32, #tpu.memory_space<hbm>>) target(%arg5 : memref<32x64xf32, #tpu.memory_space<vmem>>) target_semaphore(%run_scoped3A : memref<!tpu.dma_semaphore, #tpu.memory_space<semaphore_mem>>)
      %dma_wait3A_49 = arith.constant 0 : i32
      %dma_wait3A_50 = tpu.memref_slice %arg2[%mul3A_2, %dma_wait3A_49] : memref<1024x64xf32, #tpu.memory_space<hbm>> -> memref<32x64xf32, #tpu.memory_space<hbm>>
      %dma_wait3A_51 = arith.constant 0 : i32
      %dma_wait3A_52 = tpu.memref_slice %arg2[%mul3A_2, %dma_wait3A_51] : memref<1024x64xf32, #tpu.memory_space<hbm>> -> memref<32x64xf32, #tpu.memory_space<hbm>>
      tpu.wait_dma2 semaphore(%run_scoped3A : memref<!tpu.dma_semaphore, #tpu.memory_space<semaphore_mem>>) src(%dma_wait3A_52 : memref<32x64xf32, #tpu.memory_space<hbm>>) dst(%arg5 : memref<32x64xf32, #tpu.memory_space<vmem>>)
      tpu.yield
    }) : () -> ()
    "tpu.region"() ({
      %run_scoped3A = tpu.sem_alloc : memref<!tpu.dma_semaphore, #tpu.memory_space<semaphore_mem>>
      tpu.enqueue_dma source(%arg3 : memref<208x64xf32, #tpu.memory_space<hbm>>) target(%arg6 : memref<208x64xf32, #tpu.memory_space<vmem>>) target_semaphore(%run_scoped3A : memref<!tpu.dma_semaphore, #tpu.memory_space<semaphore_mem>>)
      tpu.wait_dma2 semaphore(%run_scoped3A : memref<!tpu.dma_semaphore, #tpu.memory_space<semaphore_mem>>) src(%arg3 : memref<208x64xf32, #tpu.memory_space<hbm>>) dst(%arg6 : memref<208x64xf32, #tpu.memory_space<vmem>>)
      tpu.yield
    }) : () -> ()
    %scan3A = arith.constant 0 : i32
    %scan3A_3 = arith.constant 0 : i32
    %scan3A_4 = arith.constant 32 : i32
    %scan3A_5 = arith.addi %scan3A_3, %scan3A_4 : i32
    %scan3A_6 = arith.constant 1 : i32
    scf.for %scan3A_46 = %scan3A_3 to %scan3A_5 step %scan3A_6  : i32 {
      %get3A = arith.index_cast %scan3A_46 : i32 to index
      %get3A_47 = arith.constant 0 : index
      %get3A_48 = tpu.vector_load %arg5[%get3A, %get3A_47] {strides = array<i32>} : memref<32x64xf32, #tpu.memory_space<vmem>>, vector<1x16xf32>,
      %get3A_49 = vector.shape_cast %get3A_48 : vector<1x16xf32> to vector<16xf32>
      %get3A_50 = arith.index_cast %scan3A_46 : i32 to index
      %get3A_51 = arith.constant 16 : index
      %get3A_52 = tpu.vector_load %arg5[%get3A_50, %get3A_51] {strides = array<i32>} : memref<32x64xf32, #tpu.memory_space<vmem>>, vector<1x16xf32>,
      %get3A_53 = vector.shape_cast %get3A_52 : vector<1x16xf32> to vector<16xf32>
      %get3A_54 = arith.index_cast %scan3A_46 : i32 to index
      %get3A_55 = arith.constant 32 : index
      %get3A_56 = tpu.vector_load %arg5[%get3A_54, %get3A_55] {strides = array<i32>} : memref<32x64xf32, #tpu.memory_space<vmem>>, vector<1x16xf32>,
      %get3A_57 = vector.shape_cast %get3A_56 : vector<1x16xf32> to vector<16xf32>
      %get3A_58 = arith.index_cast %scan3A_46 : i32 to index
      %get3A_59 = arith.constant 48 : index
      %get3A_60 = tpu.vector_load %arg5[%get3A_58, %get3A_59] {strides = array<i32>} : memref<32x64xf32, #tpu.memory_space<vmem>>, vector<1x16xf32>,
      %get3A_61 = vector.shape_cast %get3A_60 : vector<1x16xf32> to vector<16xf32>
      %rem3A = arith.constant 2 : i32
      %rem3A_62 = arith.remsi %scan3A_46, %rem3A : i32
      %eq3A = arith.constant 0 : i32
      %eq3A_63 = arith.cmpi eq, %rem3A_62, %eq3A : i32
      %convert_element_type3A = arith.extui %eq3A_63 : i1 to i32
      %cond3A = arith.constant 0 : i32
      %cond3A_64 = arith.cmpi ne, %convert_element_type3A, %cond3A : i32
      scf.if %cond3A_64 {
        %ge3A = arith.constant 2 : i32
        %ge3A_72 = arith.cmpi sge, %scan3A_46, %ge3A : i32
        %convert_element_type3A_73 = arith.extui %ge3A_72 : i1 to i32
        %cond3A_74 = arith.constant 0 : i32
        %cond3A_75 = arith.cmpi ne, %convert_element_type3A_73, %cond3A_74 : i32
        scf.if %cond3A_75 {
          %sub3A = arith.constant 2 : i32
          %sub3A_96 = arith.subi %scan3A_46, %sub3A : i32
          %mul3A_97 = arith.constant 32 : i32
          %mul3A_98 = arith.muli %add3A, %mul3A_97 : i32
          %add3A_99 = arith.addi %mul3A_98, %sub3A_96 : i32
          %mul3A_100 = arith.constant 208 : i32
          %mul3A_101 = arith.muli %add3A_99, %mul3A_100 : i32
          %multiple_of3A_102 = tpu.assume_multiple %mul3A_101, 8 : i32
          %dma_wait3A_103 = arith.constant 0 : i32
          %dma_wait3A_104 = arith.constant 0 : i32
          %dma_wait3A_105 = arith.constant 0 : i32
          %dma_wait3A_106 = tpu.memref_slice %arg7[%dma_wait3A_103, %dma_wait3A_104, %dma_wait3A_105] : memref<2x208x64xf32, #tpu.memory_space<vmem>> -> memref<1x208x64xf32, #tpu.memory_space<vmem>>
          %dma_wait3A_107 = tpu.memref_squeeze %dma_wait3A_106 : memref<1x208x64xf32, #tpu.memory_space<vmem>> -> memref<208x64xf32, #tpu.memory_space<vmem>>
          %dma_wait3A_108 = arith.constant 0 : i32
          %dma_wait3A_109 = tpu.memref_slice %arg4[%multiple_of3A_102, %dma_wait3A_108] : memref<212992x64xf32, #tpu.memory_space<hbm>> -> memref<208x64xf32, #tpu.memory_space<hbm>>
          %dma_wait3A_110 = arith.constant 0 : i32
          %dma_wait3A_111 = tpu.memref_slice %arg4[%multiple_of3A_102, %dma_wait3A_110] : memref<212992x64xf32, #tpu.memory_space<hbm>> -> memref<208x64xf32, #tpu.memory_space<hbm>>
          %dma_wait3A_112 = arith.constant 0 : i32
          %dma_wait3A_113 = arith.constant 0 : i32
          %dma_wait3A_114 = tpu.memref_slice %arg7[%dma_wait3A_103, %dma_wait3A_112, %dma_wait3A_113] : memref<2x208x64xf32, #tpu.memory_space<vmem>> -> memref<1x208x64xf32, #tpu.memory_space<vmem>>
          %dma_wait3A_115 = tpu.memref_squeeze %dma_wait3A_114 : memref<1x208x64xf32, #tpu.memory_space<vmem>> -> memref<208x64xf32, #tpu.memory_space<vmem>>
          tpu.wait_dma2 semaphore(%arg8 : memref<!tpu.dma_semaphore, #tpu.memory_space<semaphore_mem>>) src(%dma_wait3A_115 : memref<208x64xf32, #tpu.memory_space<vmem>>) dst(%dma_wait3A_111 : memref<208x64xf32, #tpu.memory_space<hbm>>)
        } else {
        }
        %parallel_loop3A = arith.constant 0 : i32
        %parallel_loop3A_76 = arith.constant 208 : i32
        %parallel_loop3A_77 = arith.constant 1 : i32
        scf.for %parallel_loop3A_96 = %parallel_loop3A to %parallel_loop3A_76 step %parallel_loop3A_77  : i32 {
          %parallel_loop3A_97 = arith.index_cast %parallel_loop3A_96 : i32 to index
          %parallel_loop3A_98 = arith.constant 0 : index
          %parallel_loop3A_99 = tpu.vector_load %arg6[%parallel_loop3A_97, %parallel_loop3A_98] {strides = array<i32>} : memref<208x64xf32, #tpu.memory_space<vmem>>, vector<1x16xf32>,
          %parallel_loop3A_100 = vector.shape_cast %parallel_loop3A_99 : vector<1x16xf32> to vector<16xf32>
          %parallel_loop3A_101 = arith.addf %parallel_loop3A_100, %get3A_49 : vector<16xf32>
          %parallel_loop3A_102 = arith.constant 0 : i32
          %parallel_loop3A_103 = arith.index_cast %parallel_loop3A_102 : i32 to index
          %parallel_loop3A_104 = arith.index_cast %parallel_loop3A_96 : i32 to index
          %parallel_loop3A_105 = arith.constant 0 : index
          %parallel_loop3A_106 = tpu.vector_load %arg7[%parallel_loop3A_103, %parallel_loop3A_104, %parallel_loop3A_105] {strides = array<i32>} : memref<2x208x64xf32, #tpu.memory_space<vmem>>, vector<1x1x16xf32>,
          %parallel_loop3A_107 = vector.shape_cast %parallel_loop3A_106 : vector<1x1x16xf32> to vector<16xf32>
          %parallel_loop3A_108 = vector.shape_cast %parallel_loop3A_101 : vector<16xf32> to vector<1x1x16xf32>
          tpu.vector_store %arg7[%parallel_loop3A_103, %parallel_loop3A_104, %parallel_loop3A_105], %parallel_loop3A_108 {strides = array<i32>} : memref<2x208x64xf32, #tpu.memory_space<vmem>>, vector<1x1x16xf32>,
          %parallel_loop3A_109 = arith.index_cast %parallel_loop3A_96 : i32 to index
          %parallel_loop3A_110 = arith.constant 16 : index
          %parallel_loop3A_111 = tpu.vector_load %arg6[%parallel_loop3A_109, %parallel_loop3A_110] {strides = array<i32>} : memref<208x64xf32, #tpu.memory_space<vmem>>, vector<1x16xf32>,
          %parallel_loop3A_112 = vector.shape_cast %parallel_loop3A_111 : vector<1x16xf32> to vector<16xf32>
          %parallel_loop3A_113 = arith.addf %parallel_loop3A_112, %get3A_53 : vector<16xf32>
          %parallel_loop3A_114 = arith.constant 0 : i32
          %parallel_loop3A_115 = arith.index_cast %parallel_loop3A_114 : i32 to index
          %parallel_loop3A_116 = arith.index_cast %parallel_loop3A_96 : i32 to index
          %parallel_loop3A_117 = arith.constant 16 : index
          %parallel_loop3A_118 = tpu.vector_load %arg7[%parallel_loop3A_115, %parallel_loop3A_116, %parallel_loop3A_117] {strides = array<i32>} : memref<2x208x64xf32, #tpu.memory_space<vmem>>, vector<1x1x16xf32>,
          %parallel_loop3A_119 = vector.shape_cast %parallel_loop3A_118 : vector<1x1x16xf32> to vector<16xf32>
          %parallel_loop3A_120 = vector.shape_cast %parallel_loop3A_113 : vector<16xf32> to vector<1x1x16xf32>
          tpu.vector_store %arg7[%parallel_loop3A_115, %parallel_loop3A_116, %parallel_loop3A_117], %parallel_loop3A_120 {strides = array<i32>} : memref<2x208x64xf32, #tpu.memory_space<vmem>>, vector<1x1x16xf32>,
          %parallel_loop3A_121 = arith.index_cast %parallel_loop3A_96 : i32 to index
          %parallel_loop3A_122 = arith.constant 32 : index
          %parallel_loop3A_123 = tpu.vector_load %arg6[%parallel_loop3A_121, %parallel_loop3A_122] {strides = array<i32>} : memref<208x64xf32, #tpu.memory_space<vmem>>, vector<1x16xf32>,
          %parallel_loop3A_124 = vector.shape_cast %parallel_loop3A_123 : vector<1x16xf32> to vector<16xf32>
          %parallel_loop3A_125 = arith.addf %parallel_loop3A_124, %get3A_57 : vector<16xf32>
          %parallel_loop3A_126 = arith.constant 0 : i32
          %parallel_loop3A_127 = arith.index_cast %parallel_loop3A_126 : i32 to index
          %parallel_loop3A_128 = arith.index_cast %parallel_loop3A_96 : i32 to index
          %parallel_loop3A_129 = arith.constant 32 : index
          %parallel_loop3A_130 = tpu.vector_load %arg7[%parallel_loop3A_127, %parallel_loop3A_128, %parallel_loop3A_129] {strides = array<i32>} : memref<2x208x64xf32, #tpu.memory_space<vmem>>, vector<1x1x16xf32>,
          %parallel_loop3A_131 = vector.shape_cast %parallel_loop3A_130 : vector<1x1x16xf32> to vector<16xf32>
          %parallel_loop3A_132 = vector.shape_cast %parallel_loop3A_125 : vector<16xf32> to vector<1x1x16xf32>
          tpu.vector_store %arg7[%parallel_loop3A_127, %parallel_loop3A_128, %parallel_loop3A_129], %parallel_loop3A_132 {strides = array<i32>} : memref<2x208x64xf32, #tpu.memory_space<vmem>>, vector<1x1x16xf32>,
          %parallel_loop3A_133 = arith.index_cast %parallel_loop3A_96 : i32 to index
          %parallel_loop3A_134 = arith.constant 48 : index
          %parallel_loop3A_135 = tpu.vector_load %arg6[%parallel_loop3A_133, %parallel_loop3A_134] {strides = array<i32>} : memref<208x64xf32, #tpu.memory_space<vmem>>, vector<1x16xf32>,
          %parallel_loop3A_136 = vector.shape_cast %parallel_loop3A_135 : vector<1x16xf32> to vector<16xf32>
          %parallel_loop3A_137 = arith.addf %parallel_loop3A_136, %get3A_61 : vector<16xf32>
          %parallel_loop3A_138 = arith.constant 0 : i32
          %parallel_loop3A_139 = arith.index_cast %parallel_loop3A_138 : i32 to index
          %parallel_loop3A_140 = arith.index_cast %parallel_loop3A_96 : i32 to index
          %parallel_loop3A_141 = arith.constant 48 : index
          %parallel_loop3A_142 = tpu.vector_load %arg7[%parallel_loop3A_139, %parallel_loop3A_140, %parallel_loop3A_141] {strides = array<i32>} : memref<2x208x64xf32, #tpu.memory_space<vmem>>, vector<1x1x16xf32>,
          %parallel_loop3A_143 = vector.shape_cast %parallel_loop3A_142 : vector<1x1x16xf32> to vector<16xf32>
          %parallel_loop3A_144 = vector.shape_cast %parallel_loop3A_137 : vector<16xf32> to vector<1x1x16xf32>
          tpu.vector_store %arg7[%parallel_loop3A_139, %parallel_loop3A_140, %parallel_loop3A_141], %parallel_loop3A_144 {strides = array<i32>} : memref<2x208x64xf32, #tpu.memory_space<vmem>>, vector<1x1x16xf32>,
        } {sc.loop_unroll_factor = 2 : i64, sc.parallel_access}
        %mul3A_78 = arith.constant 32 : i32
        %mul3A_79 = arith.muli %add3A, %mul3A_78 : i32
        %add3A_80 = arith.addi %mul3A_79, %scan3A_46 : i32
        %mul3A_81 = arith.constant 208 : i32
        %mul3A_82 = arith.muli %add3A_80, %mul3A_81 : i32
        %multiple_of3A_83 = tpu.assume_multiple %mul3A_82, 8 : i32
        %dma_start3A = arith.constant 0 : i32
        %dma_start3A_84 = arith.constant 0 : i32
        %dma_start3A_85 = arith.constant 0 : i32
        %dma_start3A_86 = tpu.memref_slice %arg7[%dma_start3A, %dma_start3A_84, %dma_start3A_85] : memref<2x208x64xf32, #tpu.memory_space<vmem>> -> memref<1x208x64xf32, #tpu.memory_space<vmem>>
        %dma_start3A_87 = tpu.memref_squeeze %dma_start3A_86 : memref<1x208x64xf32, #tpu.memory_space<vmem>> -> memref<208x64xf32, #tpu.memory_space<vmem>>
        %dma_start3A_88 = arith.constant 0 : i32
        %dma_start3A_89 = tpu.memref_slice %arg4[%multiple_of3A_83, %dma_start3A_88] : memref<212992x64xf32, #tpu.memory_space<hbm>> -> memref<208x64xf32, #tpu.memory_space<hbm>>
        %dma_start3A_90 = arith.constant 0 : i32
        %dma_start3A_91 = tpu.memref_slice %arg4[%multiple_of3A_83, %dma_start3A_90] : memref<212992x64xf32, #tpu.memory_space<hbm>> -> memref<208x64xf32, #tpu.memory_space<hbm>>
        %dma_start3A_92 = arith.constant 0 : i32
        %dma_start3A_93 = arith.constant 0 : i32
        %dma_start3A_94 = tpu.memref_slice %arg7[%dma_start3A, %dma_start3A_92, %dma_start3A_93] : memref<2x208x64xf32, #tpu.memory_space<vmem>> -> memref<1x208x64xf32, #tpu.memory_space<vmem>>
        %dma_start3A_95 = tpu.memref_squeeze %dma_start3A_94 : memref<1x208x64xf32, #tpu.memory_space<vmem>> -> memref<208x64xf32, #tpu.memory_space<vmem>>
        tpu.enqueue_dma source(%dma_start3A_95 : memref<208x64xf32, #tpu.memory_space<vmem>>) target(%dma_start3A_91 : memref<208x64xf32, #tpu.memory_space<hbm>>) target_semaphore(%arg8 : memref<!tpu.dma_semaphore, #tpu.memory_space<semaphore_mem>>)
      } else {
      }
      %rem3A_65 = arith.constant 2 : i32
      %rem3A_66 = arith.remsi %scan3A_46, %rem3A_65 : i32
      %eq3A_67 = arith.constant 1 : i32
      %eq3A_68 = arith.cmpi eq, %rem3A_66, %eq3A_67 : i32
      %convert_element_type3A_69 = arith.extui %eq3A_68 : i1 to i32
      %cond3A_70 = arith.constant 0 : i32
      %cond3A_71 = arith.cmpi ne, %convert_element_type3A_69, %cond3A_70 : i32
      scf.if %cond3A_71 {
        %ge3A = arith.constant 2 : i32
        %ge3A_72 = arith.cmpi sge, %scan3A_46, %ge3A : i32
        %convert_element_type3A_73 = arith.extui %ge3A_72 : i1 to i32
        %cond3A_74 = arith.constant 0 : i32
        %cond3A_75 = arith.cmpi ne, %convert_element_type3A_73, %cond3A_74 : i32
        scf.if %cond3A_75 {
          %sub3A = arith.constant 2 : i32
          %sub3A_96 = arith.subi %scan3A_46, %sub3A : i32
          %mul3A_97 = arith.constant 32 : i32
          %mul3A_98 = arith.muli %add3A, %mul3A_97 : i32
          %add3A_99 = arith.addi %mul3A_98, %sub3A_96 : i32
          %mul3A_100 = arith.constant 208 : i32
          %mul3A_101 = arith.muli %add3A_99, %mul3A_100 : i32
          %multiple_of3A_102 = tpu.assume_multiple %mul3A_101, 8 : i32
          %dma_wait3A_103 = arith.constant 1 : i32
          %dma_wait3A_104 = arith.constant 0 : i32
          %dma_wait3A_105 = arith.constant 0 : i32
          %dma_wait3A_106 = tpu.memref_slice %arg7[%dma_wait3A_103, %dma_wait3A_104, %dma_wait3A_105] : memref<2x208x64xf32, #tpu.memory_space<vmem>> -> memref<1x208x64xf32, #tpu.memory_space<vmem>>
          %dma_wait3A_107 = tpu.memref_squeeze %dma_wait3A_106 : memref<1x208x64xf32, #tpu.memory_space<vmem>> -> memref<208x64xf32, #tpu.memory_space<vmem>>
          %dma_wait3A_108 = arith.constant 0 : i32
          %dma_wait3A_109 = tpu.memref_slice %arg4[%multiple_of3A_102, %dma_wait3A_108] : memref<212992x64xf32, #tpu.memory_space<hbm>> -> memref<208x64xf32, #tpu.memory_space<hbm>>
          %dma_wait3A_110 = arith.constant 0 : i32
          %dma_wait3A_111 = tpu.memref_slice %arg4[%multiple_of3A_102, %dma_wait3A_110] : memref<212992x64xf32, #tpu.memory_space<hbm>> -> memref<208x64xf32, #tpu.memory_space<hbm>>
          %dma_wait3A_112 = arith.constant 0 : i32
          %dma_wait3A_113 = arith.constant 0 : i32
          %dma_wait3A_114 = tpu.memref_slice %arg7[%dma_wait3A_103, %dma_wait3A_112, %dma_wait3A_113] : memref<2x208x64xf32, #tpu.memory_space<vmem>> -> memref<1x208x64xf32, #tpu.memory_space<vmem>>
          %dma_wait3A_115 = tpu.memref_squeeze %dma_wait3A_114 : memref<1x208x64xf32, #tpu.memory_space<vmem>> -> memref<208x64xf32, #tpu.memory_space<vmem>>
          tpu.wait_dma2 semaphore(%arg9 : memref<!tpu.dma_semaphore, #tpu.memory_space<semaphore_mem>>) src(%dma_wait3A_115 : memref<208x64xf32, #tpu.memory_space<vmem>>) dst(%dma_wait3A_111 : memref<208x64xf32, #tpu.memory_space<hbm>>)
        } else {
        }
        %parallel_loop3A = arith.constant 0 : i32
        %parallel_loop3A_76 = arith.constant 208 : i32
        %parallel_loop3A_77 = arith.constant 1 : i32
        scf.for %parallel_loop3A_96 = %parallel_loop3A to %parallel_loop3A_76 step %parallel_loop3A_77  : i32 {
          %parallel_loop3A_97 = arith.index_cast %parallel_loop3A_96 : i32 to index
          %parallel_loop3A_98 = arith.constant 0 : index
          %parallel_loop3A_99 = tpu.vector_load %arg6[%parallel_loop3A_97, %parallel_loop3A_98] {strides = array<i32>} : memref<208x64xf32, #tpu.memory_space<vmem>>, vector<1x16xf32>,
          %parallel_loop3A_100 = vector.shape_cast %parallel_loop3A_99 : vector<1x16xf32> to vector<16xf32>
          %parallel_loop3A_101 = arith.addf %parallel_loop3A_100, %get3A_49 : vector<16xf32>
          %parallel_loop3A_102 = arith.constant 1 : i32
          %parallel_loop3A_103 = arith.index_cast %parallel_loop3A_102 : i32 to index
          %parallel_loop3A_104 = arith.index_cast %parallel_loop3A_96 : i32 to index
          %parallel_loop3A_105 = arith.constant 0 : index
          %parallel_loop3A_106 = tpu.vector_load %arg7[%parallel_loop3A_103, %parallel_loop3A_104, %parallel_loop3A_105] {strides = array<i32>} : memref<2x208x64xf32, #tpu.memory_space<vmem>>, vector<1x1x16xf32>,
          %parallel_loop3A_107 = vector.shape_cast %parallel_loop3A_106 : vector<1x1x16xf32> to vector<16xf32>
          %parallel_loop3A_108 = vector.shape_cast %parallel_loop3A_101 : vector<16xf32> to vector<1x1x16xf32>
          tpu.vector_store %arg7[%parallel_loop3A_103, %parallel_loop3A_104, %parallel_loop3A_105], %parallel_loop3A_108 {strides = array<i32>} : memref<2x208x64xf32, #tpu.memory_space<vmem>>, vector<1x1x16xf32>,
          %parallel_loop3A_109 = arith.index_cast %parallel_loop3A_96 : i32 to index
          %parallel_loop3A_110 = arith.constant 16 : index
          %parallel_loop3A_111 = tpu.vector_load %arg6[%parallel_loop3A_109, %parallel_loop3A_110] {strides = array<i32>} : memref<208x64xf32, #tpu.memory_space<vmem>>, vector<1x16xf32>,
          %parallel_loop3A_112 = vector.shape_cast %parallel_loop3A_111 : vector<1x16xf32> to vector<16xf32>
          %parallel_loop3A_113 = arith.addf %parallel_loop3A_112, %get3A_53 : vector<16xf32>
          %parallel_loop3A_114 = arith.constant 1 : i32
          %parallel_loop3A_115 = arith.index_cast %parallel_loop3A_114 : i32 to index
          %parallel_loop3A_116 = arith.index_cast %parallel_loop3A_96 : i32 to index
          %parallel_loop3A_117 = arith.constant 16 : index
          %parallel_loop3A_118 = tpu.vector_load %arg7[%parallel_loop3A_115, %parallel_loop3A_116, %parallel_loop3A_117] {strides = array<i32>} : memref<2x208x64xf32, #tpu.memory_space<vmem>>, vector<1x1x16xf32>,
          %parallel_loop3A_119 = vector.shape_cast %parallel_loop3A_118 : vector<1x1x16xf32> to vector<16xf32>
          %parallel_loop3A_120 = vector.shape_cast %parallel_loop3A_113 : vector<16xf32> to vector<1x1x16xf32>
          tpu.vector_store %arg7[%parallel_loop3A_115, %parallel_loop3A_116, %parallel_loop3A_117], %parallel_loop3A_120 {strides = array<i32>} : memref<2x208x64xf32, #tpu.memory_space<vmem>>, vector<1x1x16xf32>,
          %parallel_loop3A_121 = arith.index_cast %parallel_loop3A_96 : i32 to index
          %parallel_loop3A_122 = arith.constant 32 : index
          %parallel_loop3A_123 = tpu.vector_load %arg6[%parallel_loop3A_121, %parallel_loop3A_122] {strides = array<i32>} : memref<208x64xf32, #tpu.memory_space<vmem>>, vector<1x16xf32>,
          %parallel_loop3A_124 = vector.shape_cast %parallel_loop3A_123 : vector<1x16xf32> to vector<16xf32>
          %parallel_loop3A_125 = arith.addf %parallel_loop3A_124, %get3A_57 : vector<16xf32>
          %parallel_loop3A_126 = arith.constant 1 : i32
          %parallel_loop3A_127 = arith.index_cast %parallel_loop3A_126 : i32 to index
          %parallel_loop3A_128 = arith.index_cast %parallel_loop3A_96 : i32 to index
          %parallel_loop3A_129 = arith.constant 32 : index
          %parallel_loop3A_130 = tpu.vector_load %arg7[%parallel_loop3A_127, %parallel_loop3A_128, %parallel_loop3A_129] {strides = array<i32>} : memref<2x208x64xf32, #tpu.memory_space<vmem>>, vector<1x1x16xf32>,
          %parallel_loop3A_131 = vector.shape_cast %parallel_loop3A_130 : vector<1x1x16xf32> to vector<16xf32>
          %parallel_loop3A_132 = vector.shape_cast %parallel_loop3A_125 : vector<16xf32> to vector<1x1x16xf32>
          tpu.vector_store %arg7[%parallel_loop3A_127, %parallel_loop3A_128, %parallel_loop3A_129], %parallel_loop3A_132 {strides = array<i32>} : memref<2x208x64xf32, #tpu.memory_space<vmem>>, vector<1x1x16xf32>,
          %parallel_loop3A_133 = arith.index_cast %parallel_loop3A_96 : i32 to index
          %parallel_loop3A_134 = arith.constant 48 : index
          %parallel_loop3A_135 = tpu.vector_load %arg6[%parallel_loop3A_133, %parallel_loop3A_134] {strides = array<i32>} : memref<208x64xf32, #tpu.memory_space<vmem>>, vector<1x16xf32>,
          %parallel_loop3A_136 = vector.shape_cast %parallel_loop3A_135 : vector<1x16xf32> to vector<16xf32>
          %parallel_loop3A_137 = arith.addf %parallel_loop3A_136, %get3A_61 : vector<16xf32>
          %parallel_loop3A_138 = arith.constant 1 : i32
          %parallel_loop3A_139 = arith.index_cast %parallel_loop3A_138 : i32 to index
          %parallel_loop3A_140 = arith.index_cast %parallel_loop3A_96 : i32 to index
          %parallel_loop3A_141 = arith.constant 48 : index
          %parallel_loop3A_142 = tpu.vector_load %arg7[%parallel_loop3A_139, %parallel_loop3A_140, %parallel_loop3A_141] {strides = array<i32>} : memref<2x208x64xf32, #tpu.memory_space<vmem>>, vector<1x1x16xf32>,
          %parallel_loop3A_143 = vector.shape_cast %parallel_loop3A_142 : vector<1x1x16xf32> to vector<16xf32>
          %parallel_loop3A_144 = vector.shape_cast %parallel_loop3A_137 : vector<16xf32> to vector<1x1x16xf32>
          tpu.vector_store %arg7[%parallel_loop3A_139, %parallel_loop3A_140, %parallel_loop3A_141], %parallel_loop3A_144 {strides = array<i32>} : memref<2x208x64xf32, #tpu.memory_space<vmem>>, vector<1x1x16xf32>,
        } {sc.loop_unroll_factor = 2 : i64, sc.parallel_access}
        %mul3A_78 = arith.constant 32 : i32
        %mul3A_79 = arith.muli %add3A, %mul3A_78 : i32
        %add3A_80 = arith.addi %mul3A_79, %scan3A_46 : i32
        %mul3A_81 = arith.constant 208 : i32
        %mul3A_82 = arith.muli %add3A_80, %mul3A_81 : i32
        %multiple_of3A_83 = tpu.assume_multiple %mul3A_82, 8 : i32
        %dma_start3A = arith.constant 1 : i32
        %dma_start3A_84 = arith.constant 0 : i32
        %dma_start3A_85 = arith.constant 0 : i32
        %dma_start3A_86 = tpu.memref_slice %arg7[%dma_start3A, %dma_start3A_84, %dma_start3A_85] : memref<2x208x64xf32, #tpu.memory_space<vmem>> -> memref<1x208x64xf32, #tpu.memory_space<vmem>>
        %dma_start3A_87 = tpu.memref_squeeze %dma_start3A_86 : memref<1x208x64xf32, #tpu.memory_space<vmem>> -> memref<208x64xf32, #tpu.memory_space<vmem>>
        %dma_start3A_88 = arith.constant 0 : i32
        %dma_start3A_89 = tpu.memref_slice %arg4[%multiple_of3A_83, %dma_start3A_88] : memref<212992x64xf32, #tpu.memory_space<hbm>> -> memref<208x64xf32, #tpu.memory_space<hbm>>
        %dma_start3A_90 = arith.constant 0 : i32
        %dma_start3A_91 = tpu.memref_slice %arg4[%multiple_of3A_83, %dma_start3A_90] : memref<212992x64xf32, #tpu.memory_space<hbm>> -> memref<208x64xf32, #tpu.memory_space<hbm>>
        %dma_start3A_92 = arith.constant 0 : i32
        %dma_start3A_93 = arith.constant 0 : i32
        %dma_start3A_94 = tpu.memref_slice %arg7[%dma_start3A, %dma_start3A_92, %dma_start3A_93] : memref<2x208x64xf32, #tpu.memory_space<vmem>> -> memref<1x208x64xf32, #tpu.memory_space<vmem>>
        %dma_start3A_95 = tpu.memref_squeeze %dma_start3A_94 : memref<1x208x64xf32, #tpu.memory_space<vmem>> -> memref<208x64xf32, #tpu.memory_space<vmem>>
        tpu.enqueue_dma source(%dma_start3A_95 : memref<208x64xf32, #tpu.memory_space<vmem>>) target(%dma_start3A_91 : memref<208x64xf32, #tpu.memory_space<hbm>>) target_semaphore(%arg9 : memref<!tpu.dma_semaphore, #tpu.memory_space<semaphore_mem>>)
      } else {
      }
    }
    %scan3A_7 = arith.constant 32 : i32
    %mul3A_8 = arith.constant 32 : i32
    %mul3A_9 = arith.muli %add3A, %mul3A_8 : i32
    %add3A_10 = arith.constant 30 : i32
    %add3A_11 = arith.addi %mul3A_9, %add3A_10 : i32
    %mul3A_12 = arith.constant 208 : i32
    %mul3A_13 = arith.muli %add3A_11, %mul3A_12 : i32
    %multiple_of3A = tpu.assume_multiple %mul3A_13, 8 : i32
    %dma_wait3A = arith.constant 0 : i32
    %dma_wait3A_14 = arith.constant 0 : i32
    %dma_wait3A_15 = arith.constant 0 : i32
    %dma_wait3A_16 = tpu.memref_slice %arg7[%dma_wait3A, %dma_wait3A_14, %dma_wait3A_15] : memref<2x208x64xf32, #tpu.memory_space<vmem>> -> memref<1x208x64xf32, #tpu.memory_space<vmem>>
    %dma_wait3A_17 = tpu.memref_squeeze %dma_wait3A_16 : memref<1x208x64xf32, #tpu.memory_space<vmem>> -> memref<208x64xf32, #tpu.memory_space<vmem>>
    %dma_wait3A_18 = arith.constant 0 : i32
    %dma_wait3A_19 = tpu.memref_slice %arg4[%multiple_of3A, %dma_wait3A_18] : memref<212992x64xf32, #tpu.memory_space<hbm>> -> memref<208x64xf32, #tpu.memory_space<hbm>>
    %dma_wait3A_20 = arith.constant 0 : i32
    %dma_wait3A_21 = tpu.memref_slice %arg4[%multiple_of3A, %dma_wait3A_20] : memref<212992x64xf32, #tpu.memory_space<hbm>> -> memref<208x64xf32, #tpu.memory_space<hbm>>
    %dma_wait3A_22 = arith.constant 0 : i32
    %dma_wait3A_23 = arith.constant 0 : i32
    %dma_wait3A_24 = tpu.memref_slice %arg7[%dma_wait3A, %dma_wait3A_22, %dma_wait3A_23] : memref<2x208x64xf32, #tpu.memory_space<vmem>> -> memref<1x208x64xf32, #tpu.memory_space<vmem>>
    %dma_wait3A_25 = tpu.memref_squeeze %dma_wait3A_24 : memref<1x208x64xf32, #tpu.memory_space<vmem>> -> memref<208x64xf32, #tpu.memory_space<vmem>>
    tpu.wait_dma2 semaphore(%arg8 : memref<!tpu.dma_semaphore, #tpu.memory_space<semaphore_mem>>) src(%dma_wait3A_25 : memref<208x64xf32, #tpu.memory_space<vmem>>) dst(%dma_wait3A_21 : memref<208x64xf32, #tpu.memory_space<hbm>>)
    %mul3A_26 = arith.constant 32 : i32
    %mul3A_27 = arith.muli %add3A, %mul3A_26 : i32
    %add3A_28 = arith.constant 31 : i32
    %add3A_29 = arith.addi %mul3A_27, %add3A_28 : i32
    %mul3A_30 = arith.constant 208 : i32
    %mul3A_31 = arith.muli %add3A_29, %mul3A_30 : i32
    %multiple_of3A_32 = tpu.assume_multiple %mul3A_31, 8 : i32
    %dma_wait3A_33 = arith.constant 1 : i32
    %dma_wait3A_34 = arith.constant 0 : i32
    %dma_wait3A_35 = arith.constant 0 : i32
    %dma_wait3A_36 = tpu.memref_slice %arg7[%dma_wait3A_33, %dma_wait3A_34, %dma_wait3A_35] : memref<2x208x64xf32, #tpu.memory_space<vmem>> -> memref<1x208x64xf32, #tpu.memory_space<vmem>>
    %dma_wait3A_37 = tpu.memref_squeeze %dma_wait3A_36 : memref<1x208x64xf32, #tpu.memory_space<vmem>> -> memref<208x64xf32, #tpu.memory_space<vmem>>
    %dma_wait3A_38 = arith.constant 0 : i32
    %dma_wait3A_39 = tpu.memref_slice %arg4[%multiple_of3A_32, %dma_wait3A_38] : memref<212992x64xf32, #tpu.memory_space<hbm>> -> memref<208x64xf32, #tpu.memory_space<hbm>>
    %dma_wait3A_40 = arith.constant 0 : i32
    %dma_wait3A_41 = tpu.memref_slice %arg4[%multiple_of3A_32, %dma_wait3A_40] : memref<212992x64xf32, #tpu.memory_space<hbm>> -> memref<208x64xf32, #tpu.memory_space<hbm>>
    %dma_wait3A_42 = arith.constant 0 : i32
    %dma_wait3A_43 = arith.constant 0 : i32
    %dma_wait3A_44 = tpu.memref_slice %arg7[%dma_wait3A_33, %dma_wait3A_42, %dma_wait3A_43] : memref<2x208x64xf32, #tpu.memory_space<vmem>> -> memref<1x208x64xf32, #tpu.memory_space<vmem>>
    %dma_wait3A_45 = tpu.memref_squeeze %dma_wait3A_44 : memref<1x208x64xf32, #tpu.memory_space<vmem>> -> memref<208x64xf32, #tpu.memory_space<vmem>>
    tpu.wait_dma2 semaphore(%arg9 : memref<!tpu.dma_semaphore, #tpu.memory_space<semaphore_mem>>) src(%dma_wait3A_45 : memref<208x64xf32, #tpu.memory_space<vmem>>) dst(%dma_wait3A_41 : memref<208x64xf32, #tpu.memory_space<hbm>>)
    return
  }
}

#map = affine_map<(d0, d1) -> (0)>
#map1 = affine_map<(d0, d1) -> (0, 0)>
#map2 = affine_map<(d0, d1) -> (0, 0, 0)>
module attributes {stable_mosaic.version = 14 : i64} {
  func.func @_main_body(%arg0: i32, %arg1: i32, %arg2: memref<819200xi32, #tpu.memory_space<hbm>>, %arg3: memref<4096xi32, #tpu.memory_space<hbm>>, %arg4: memref<212992x64xf32, #tpu.memory_space<hbm>>, %arg5: memref<200x64xf32, #tpu.memory_space<hbm>>, %arg6: memref<8x64xf32, #tpu.memory_space<hbm>>, %arg7: memref<4096x200x64xf32, #tpu.memory_space<hbm>>, %arg8: memref<4x200xi32, #tpu.memory_space<vmem>>, %arg9: memref<128xi32, #tpu.memory_space<vmem>>, %arg10: memref<128x64xf32, #tpu.memory_space<vmem>>, %arg11: memref<200x64xf32, #tpu.memory_space<vmem>>, %arg12: memref<4x200x64xf32, #tpu.memory_space<vmem>>, %arg13: memref<!tpu.dma_semaphore, #tpu.memory_space<semaphore_mem>>, %arg14: memref<!tpu.dma_semaphore, #tpu.memory_space<semaphore_mem>>, %arg15: memref<!tpu.dma_semaphore, #tpu.memory_space<semaphore_mem>>, %arg16: memref<!tpu.dma_semaphore, #tpu.memory_space<semaphore_mem>>, %arg17: memref<!tpu.dma_semaphore, #tpu.memory_space<semaphore_mem>>, %arg18: memref<!tpu.dma_semaphore, #tpu.memory_space<semaphore_mem>>, %arg19: memref<!tpu.dma_semaphore, #tpu.memory_space<semaphore_mem>>, %arg20: memref<!tpu.dma_semaphore, #tpu.memory_space<semaphore_mem>>, %arg21: memref<!tpu.dma_semaphore, #tpu.memory_space<semaphore_mem>>, %arg22: memref<!tpu.dma_semaphore, #tpu.memory_space<semaphore_mem>>) attributes {dimension_semantics = [#tpu.dimension_semantics<core_parallel>, #tpu.dimension_semantics<subcore_parallel>], iteration_bounds = array<i64: 2, 16>, scalar_prefetch = 0 : i64, scratch_operands = 15 : i64, tpu.core_type = #tpu.core_type<sc_vector_subcore>, window_params = [{transform_indices = #map}, {transform_indices = #map}, {transform_indices = #map1}, {transform_indices = #map1}, {transform_indices = #map1}, {transform_indices = #map2}]} {
    %mul3A = arith.constant 2 : i32
    %mul3A_0 = arith.muli %arg1, %mul3A : i32
    %add3A = arith.addi %mul3A_0, %arg0 : i32
    %mul3A_1 = arith.constant 128 : i32
    %mul3A_2 = arith.muli %add3A, %mul3A_1 : i32
    "tpu.region"() ({
      %run_scoped3A = tpu.sem_alloc : memref<!tpu.dma_semaphore, #tpu.memory_space<semaphore_mem>>
      tpu.enqueue_dma source(%arg5 : memref<200x64xf32, #tpu.memory_space<hbm>>) target(%arg11 : memref<200x64xf32, #tpu.memory_space<vmem>>) target_semaphore(%run_scoped3A : memref<!tpu.dma_semaphore, #tpu.memory_space<semaphore_mem>>)
      tpu.wait_dma2 semaphore(%run_scoped3A : memref<!tpu.dma_semaphore, #tpu.memory_space<semaphore_mem>>) src(%arg5 : memref<200x64xf32, #tpu.memory_space<hbm>>) dst(%arg11 : memref<200x64xf32, #tpu.memory_space<vmem>>)
      tpu.yield
    }) : () -> ()
    "tpu.region"() ({
      %run_scoped3A = tpu.sem_alloc : memref<!tpu.dma_semaphore, #tpu.memory_space<semaphore_mem>>
      %dma_start3A_195 = tpu.memref_slice %arg3[%mul3A_2] : memref<4096xi32, #tpu.memory_space<hbm>> -> memref<128xi32, #tpu.memory_space<hbm>>
      %dma_start3A_196 = tpu.memref_slice %arg3[%mul3A_2] : memref<4096xi32, #tpu.memory_space<hbm>> -> memref<128xi32, #tpu.memory_space<hbm>>
      tpu.enqueue_dma source(%dma_start3A_196 : memref<128xi32, #tpu.memory_space<hbm>>) target(%arg9 : memref<128xi32, #tpu.memory_space<vmem>>) target_semaphore(%run_scoped3A : memref<!tpu.dma_semaphore, #tpu.memory_space<semaphore_mem>>)
      %dma_wait3A_197 = tpu.memref_slice %arg3[%mul3A_2] : memref<4096xi32, #tpu.memory_space<hbm>> -> memref<128xi32, #tpu.memory_space<hbm>>
      %dma_wait3A_198 = tpu.memref_slice %arg3[%mul3A_2] : memref<4096xi32, #tpu.memory_space<hbm>> -> memref<128xi32, #tpu.memory_space<hbm>>
      tpu.wait_dma2 semaphore(%run_scoped3A : memref<!tpu.dma_semaphore, #tpu.memory_space<semaphore_mem>>) src(%dma_wait3A_198 : memref<128xi32, #tpu.memory_space<hbm>>) dst(%arg9 : memref<128xi32, #tpu.memory_space<vmem>>)
      tpu.yield
    }) : () -> ()
    %dma_start3A = arith.constant 0 : i32
    %dma_start3A_3 = arith.constant 0 : i32
    %dma_start3A_4 = tpu.memref_slice %arg6[%dma_start3A, %dma_start3A_3] : memref<8x64xf32, #tpu.memory_space<hbm>> -> memref<8x64xf32, #tpu.memory_space<hbm>>
    tpu.enqueue_indirect_dma source(%dma_start3A_4 : memref<8x64xf32, #tpu.memory_space<hbm>>) target(%arg10 : memref<128x64xf32, #tpu.memory_space<vmem>>) offsets(%arg9 : memref<128xi32, #tpu.memory_space<vmem>>) semaphore(%arg13 : memref<!tpu.dma_semaphore, #tpu.memory_space<semaphore_mem>>)
    %dma_wait3A = arith.constant 0 : i32
    %dma_wait3A_5 = arith.constant 0 : i32
    %dma_wait3A_6 = tpu.memref_slice %arg6[%dma_wait3A, %dma_wait3A_5] : memref<8x64xf32, #tpu.memory_space<hbm>> -> memref<8x64xf32, #tpu.memory_space<hbm>>
    tpu.wait_indirect_dma semaphore(%arg13 : memref<!tpu.dma_semaphore, #tpu.memory_space<semaphore_mem>>) src(%dma_wait3A_6 : memref<8x64xf32, #tpu.memory_space<hbm>>) dst(%arg10 : memref<128x64xf32, #tpu.memory_space<vmem>>)
    %add3A_7 = arith.constant 0 : i32
    %add3A_8 = arith.addi %mul3A_2, %add3A_7 : i32
    %mul3A_9 = arith.constant 200 : i32
    %mul3A_10 = arith.muli %add3A_8, %mul3A_9 : i32
    %multiple_of3A = tpu.assume_multiple %mul3A_10, 8 : i32
    %dma_start3A_11 = arith.constant 0 : i32
    %dma_start3A_12 = arith.constant 0 : i32
    %dma_start3A_13 = tpu.memref_slice %arg8[%dma_start3A_11, %dma_start3A_12] : memref<4x200xi32, #tpu.memory_space<vmem>> -> memref<1x200xi32, #tpu.memory_space<vmem>>
    %dma_start3A_14 = tpu.memref_squeeze %dma_start3A_13 : memref<1x200xi32, #tpu.memory_space<vmem>> -> memref<200xi32, #tpu.memory_space<vmem>>
    %dma_start3A_15 = tpu.memref_slice %arg2[%multiple_of3A] : memref<819200xi32, #tpu.memory_space<hbm>> -> memref<200xi32, #tpu.memory_space<hbm>>
    %dma_start3A_16 = arith.constant 0 : i32
    %dma_start3A_17 = tpu.memref_slice %arg8[%dma_start3A_11, %dma_start3A_16] : memref<4x200xi32, #tpu.memory_space<vmem>> -> memref<1x200xi32, #tpu.memory_space<vmem>>
    %dma_start3A_18 = tpu.memref_squeeze %dma_start3A_17 : memref<1x200xi32, #tpu.memory_space<vmem>> -> memref<200xi32, #tpu.memory_space<vmem>>
    %dma_start3A_19 = tpu.memref_slice %arg2[%multiple_of3A] : memref<819200xi32, #tpu.memory_space<hbm>> -> memref<200xi32, #tpu.memory_space<hbm>>
    tpu.enqueue_dma source(%dma_start3A_19 : memref<200xi32, #tpu.memory_space<hbm>>) target(%dma_start3A_18 : memref<200xi32, #tpu.memory_space<vmem>>) target_semaphore(%arg19 : memref<!tpu.dma_semaphore, #tpu.memory_space<semaphore_mem>>)
    %add3A_20 = arith.constant 1 : i32
    %add3A_21 = arith.addi %mul3A_2, %add3A_20 : i32
    %mul3A_22 = arith.constant 200 : i32
    %mul3A_23 = arith.muli %add3A_21, %mul3A_22 : i32
    %multiple_of3A_24 = tpu.assume_multiple %mul3A_23, 8 : i32
    %dma_start3A_25 = arith.constant 1 : i32
    %dma_start3A_26 = arith.constant 0 : i32
    %dma_start3A_27 = tpu.memref_slice %arg8[%dma_start3A_25, %dma_start3A_26] : memref<4x200xi32, #tpu.memory_space<vmem>> -> memref<1x200xi32, #tpu.memory_space<vmem>>
    %dma_start3A_28 = tpu.memref_squeeze %dma_start3A_27 : memref<1x200xi32, #tpu.memory_space<vmem>> -> memref<200xi32, #tpu.memory_space<vmem>>
    %dma_start3A_29 = tpu.memref_slice %arg2[%multiple_of3A_24] : memref<819200xi32, #tpu.memory_space<hbm>> -> memref<200xi32, #tpu.memory_space<hbm>>
    %dma_start3A_30 = arith.constant 0 : i32
    %dma_start3A_31 = tpu.memref_slice %arg8[%dma_start3A_25, %dma_start3A_30] : memref<4x200xi32, #tpu.memory_space<vmem>> -> memref<1x200xi32, #tpu.memory_space<vmem>>
    %dma_start3A_32 = tpu.memref_squeeze %dma_start3A_31 : memref<1x200xi32, #tpu.memory_space<vmem>> -> memref<200xi32, #tpu.memory_space<vmem>>
    %dma_start3A_33 = tpu.memref_slice %arg2[%multiple_of3A_24] : memref<819200xi32, #tpu.memory_space<hbm>> -> memref<200xi32, #tpu.memory_space<hbm>>
    tpu.enqueue_dma source(%dma_start3A_33 : memref<200xi32, #tpu.memory_space<hbm>>) target(%dma_start3A_32 : memref<200xi32, #tpu.memory_space<vmem>>) target_semaphore(%arg20 : memref<!tpu.dma_semaphore, #tpu.memory_space<semaphore_mem>>)
    %add3A_34 = arith.constant 2 : i32
    %add3A_35 = arith.addi %mul3A_2, %add3A_34 : i32
    %mul3A_36 = arith.constant 200 : i32
    %mul3A_37 = arith.muli %add3A_35, %mul3A_36 : i32
    %multiple_of3A_38 = tpu.assume_multiple %mul3A_37, 8 : i32
    %dma_start3A_39 = arith.constant 2 : i32
    %dma_start3A_40 = arith.constant 0 : i32
    %dma_start3A_41 = tpu.memref_slice %arg8[%dma_start3A_39, %dma_start3A_40] : memref<4x200xi32, #tpu.memory_space<vmem>> -> memref<1x200xi32, #tpu.memory_space<vmem>>
    %dma_start3A_42 = tpu.memref_squeeze %dma_start3A_41 : memref<1x200xi32, #tpu.memory_space<vmem>> -> memref<200xi32, #tpu.memory_space<vmem>>
    %dma_start3A_43 = tpu.memref_slice %arg2[%multiple_of3A_38] : memref<819200xi32, #tpu.memory_space<hbm>> -> memref<200xi32, #tpu.memory_space<hbm>>
    %dma_start3A_44 = arith.constant 0 : i32
    %dma_start3A_45 = tpu.memref_slice %arg8[%dma_start3A_39, %dma_start3A_44] : memref<4x200xi32, #tpu.memory_space<vmem>> -> memref<1x200xi32, #tpu.memory_space<vmem>>
    %dma_start3A_46 = tpu.memref_squeeze %dma_start3A_45 : memref<1x200xi32, #tpu.memory_space<vmem>> -> memref<200xi32, #tpu.memory_space<vmem>>
    %dma_start3A_47 = tpu.memref_slice %arg2[%multiple_of3A_38] : memref<819200xi32, #tpu.memory_space<hbm>> -> memref<200xi32, #tpu.memory_space<hbm>>
    tpu.enqueue_dma source(%dma_start3A_47 : memref<200xi32, #tpu.memory_space<hbm>>) target(%dma_start3A_46 : memref<200xi32, #tpu.memory_space<vmem>>) target_semaphore(%arg21 : memref<!tpu.dma_semaphore, #tpu.memory_space<semaphore_mem>>)
    %add3A_48 = arith.constant 3 : i32
    %add3A_49 = arith.addi %mul3A_2, %add3A_48 : i32
    %mul3A_50 = arith.constant 200 : i32
    %mul3A_51 = arith.muli %add3A_49, %mul3A_50 : i32
    %multiple_of3A_52 = tpu.assume_multiple %mul3A_51, 8 : i32
    %dma_start3A_53 = arith.constant 3 : i32
    %dma_start3A_54 = arith.constant 0 : i32
    %dma_start3A_55 = tpu.memref_slice %arg8[%dma_start3A_53, %dma_start3A_54] : memref<4x200xi32, #tpu.memory_space<vmem>> -> memref<1x200xi32, #tpu.memory_space<vmem>>
    %dma_start3A_56 = tpu.memref_squeeze %dma_start3A_55 : memref<1x200xi32, #tpu.memory_space<vmem>> -> memref<200xi32, #tpu.memory_space<vmem>>
    %dma_start3A_57 = tpu.memref_slice %arg2[%multiple_of3A_52] : memref<819200xi32, #tpu.memory_space<hbm>> -> memref<200xi32, #tpu.memory_space<hbm>>
    %dma_start3A_58 = arith.constant 0 : i32
    %dma_start3A_59 = tpu.memref_slice %arg8[%dma_start3A_53, %dma_start3A_58] : memref<4x200xi32, #tpu.memory_space<vmem>> -> memref<1x200xi32, #tpu.memory_space<vmem>>
    %dma_start3A_60 = tpu.memref_squeeze %dma_start3A_59 : memref<1x200xi32, #tpu.memory_space<vmem>> -> memref<200xi32, #tpu.memory_space<vmem>>
    %dma_start3A_61 = tpu.memref_slice %arg2[%multiple_of3A_52] : memref<819200xi32, #tpu.memory_space<hbm>> -> memref<200xi32, #tpu.memory_space<hbm>>
    tpu.enqueue_dma source(%dma_start3A_61 : memref<200xi32, #tpu.memory_space<hbm>>) target(%dma_start3A_60 : memref<200xi32, #tpu.memory_space<vmem>>) target_semaphore(%arg22 : memref<!tpu.dma_semaphore, #tpu.memory_space<semaphore_mem>>)
    %add3A_62 = arith.constant 0 : i32
    %add3A_63 = arith.addi %mul3A_2, %add3A_62 : i32
    %mul3A_64 = arith.constant 200 : i32
    %mul3A_65 = arith.muli %add3A_63, %mul3A_64 : i32
    %multiple_of3A_66 = tpu.assume_multiple %mul3A_65, 8 : i32
    %dma_wait3A_67 = arith.constant 0 : i32
    %dma_wait3A_68 = arith.constant 0 : i32
    %dma_wait3A_69 = tpu.memref_slice %arg8[%dma_wait3A_67, %dma_wait3A_68] : memref<4x200xi32, #tpu.memory_space<vmem>> -> memref<1x200xi32, #tpu.memory_space<vmem>>
    %dma_wait3A_70 = tpu.memref_squeeze %dma_wait3A_69 : memref<1x200xi32, #tpu.memory_space<vmem>> -> memref<200xi32, #tpu.memory_space<vmem>>
    %dma_wait3A_71 = tpu.memref_slice %arg2[%multiple_of3A_66] : memref<819200xi32, #tpu.memory_space<hbm>> -> memref<200xi32, #tpu.memory_space<hbm>>
    %dma_wait3A_72 = arith.constant 0 : i32
    %dma_wait3A_73 = tpu.memref_slice %arg8[%dma_wait3A_67, %dma_wait3A_72] : memref<4x200xi32, #tpu.memory_space<vmem>> -> memref<1x200xi32, #tpu.memory_space<vmem>>
    %dma_wait3A_74 = tpu.memref_squeeze %dma_wait3A_73 : memref<1x200xi32, #tpu.memory_space<vmem>> -> memref<200xi32, #tpu.memory_space<vmem>>
    %dma_wait3A_75 = tpu.memref_slice %arg2[%multiple_of3A_66] : memref<819200xi32, #tpu.memory_space<hbm>> -> memref<200xi32, #tpu.memory_space<hbm>>
    tpu.wait_dma2 semaphore(%arg19 : memref<!tpu.dma_semaphore, #tpu.memory_space<semaphore_mem>>) src(%dma_wait3A_75 : memref<200xi32, #tpu.memory_space<hbm>>) dst(%dma_wait3A_74 : memref<200xi32, #tpu.memory_space<vmem>>)
    %dma_start3A_76 = arith.constant 0 : i32
    %dma_start3A_77 = arith.constant 0 : i32
    %dma_start3A_78 = arith.constant 0 : i32
    %dma_start3A_79 = arith.constant 0 : i32
    %dma_start3A_80 = tpu.memref_slice %arg12[%dma_start3A_77, %dma_start3A_78, %dma_start3A_79] : memref<4x200x64xf32, #tpu.memory_space<vmem>> -> memref<1x200x64xf32, #tpu.memory_space<vmem>>
    %dma_start3A_81 = tpu.memref_squeeze %dma_start3A_80 : memref<1x200x64xf32, #tpu.memory_space<vmem>> -> memref<200x64xf32, #tpu.memory_space<vmem>>
    %dma_start3A_82 = arith.constant 0 : i32
    %dma_start3A_83 = tpu.memref_slice %arg8[%dma_start3A_76, %dma_start3A_82] : memref<4x200xi32, #tpu.memory_space<vmem>> -> memref<1x200xi32, #tpu.memory_space<vmem>>
    %dma_start3A_84 = tpu.memref_squeeze %dma_start3A_83 : memref<1x200xi32, #tpu.memory_space<vmem>> -> memref<200xi32, #tpu.memory_space<vmem>>
    %dma_start3A_85 = arith.constant 0 : i32
    %dma_start3A_86 = arith.constant 0 : i32
    %dma_start3A_87 = tpu.memref_slice %arg4[%dma_start3A_85, %dma_start3A_86] : memref<212992x64xf32, #tpu.memory_space<hbm>> -> memref<212992x64xf32, #tpu.memory_space<hbm>>
    tpu.enqueue_indirect_dma source(%dma_start3A_87 : memref<212992x64xf32, #tpu.memory_space<hbm>>) target(%dma_start3A_81 : memref<200x64xf32, #tpu.memory_space<vmem>>) offsets(%dma_start3A_84 : memref<200xi32, #tpu.memory_space<vmem>>) semaphore(%arg13 : memref<!tpu.dma_semaphore, #tpu.memory_space<semaphore_mem>>)
    %add3A_88 = arith.constant 1 : i32
    %add3A_89 = arith.addi %mul3A_2, %add3A_88 : i32
    %mul3A_90 = arith.constant 200 : i32
    %mul3A_91 = arith.muli %add3A_89, %mul3A_90 : i32
    %multiple_of3A_92 = tpu.assume_multiple %mul3A_91, 8 : i32
    %dma_wait3A_93 = arith.constant 1 : i32
    %dma_wait3A_94 = arith.constant 0 : i32
    %dma_wait3A_95 = tpu.memref_slice %arg8[%dma_wait3A_93, %dma_wait3A_94] : memref<4x200xi32, #tpu.memory_space<vmem>> -> memref<1x200xi32, #tpu.memory_space<vmem>>
    %dma_wait3A_96 = tpu.memref_squeeze %dma_wait3A_95 : memref<1x200xi32, #tpu.memory_space<vmem>> -> memref<200xi32, #tpu.memory_space<vmem>>
    %dma_wait3A_97 = tpu.memref_slice %arg2[%multiple_of3A_92] : memref<819200xi32, #tpu.memory_space<hbm>> -> memref<200xi32, #tpu.memory_space<hbm>>
    %dma_wait3A_98 = arith.constant 0 : i32
    %dma_wait3A_99 = tpu.memref_slice %arg8[%dma_wait3A_93, %dma_wait3A_98] : memref<4x200xi32, #tpu.memory_space<vmem>> -> memref<1x200xi32, #tpu.memory_space<vmem>>
    %dma_wait3A_100 = tpu.memref_squeeze %dma_wait3A_99 : memref<1x200xi32, #tpu.memory_space<vmem>> -> memref<200xi32, #tpu.memory_space<vmem>>
    %dma_wait3A_101 = tpu.memref_slice %arg2[%multiple_of3A_92] : memref<819200xi32, #tpu.memory_space<hbm>> -> memref<200xi32, #tpu.memory_space<hbm>>
    tpu.wait_dma2 semaphore(%arg20 : memref<!tpu.dma_semaphore, #tpu.memory_space<semaphore_mem>>) src(%dma_wait3A_101 : memref<200xi32, #tpu.memory_space<hbm>>) dst(%dma_wait3A_100 : memref<200xi32, #tpu.memory_space<vmem>>)
    %dma_start3A_102 = arith.constant 1 : i32
    %dma_start3A_103 = arith.constant 1 : i32
    %dma_start3A_104 = arith.constant 0 : i32
    %dma_start3A_105 = arith.constant 0 : i32
    %dma_start3A_106 = tpu.memref_slice %arg12[%dma_start3A_103, %dma_start3A_104, %dma_start3A_105] : memref<4x200x64xf32, #tpu.memory_space<vmem>> -> memref<1x200x64xf32, #tpu.memory_space<vmem>>
    %dma_start3A_107 = tpu.memref_squeeze %dma_start3A_106 : memref<1x200x64xf32, #tpu.memory_space<vmem>> -> memref<200x64xf32, #tpu.memory_space<vmem>>
    %dma_start3A_108 = arith.constant 0 : i32
    %dma_start3A_109 = tpu.memref_slice %arg8[%dma_start3A_102, %dma_start3A_108] : memref<4x200xi32, #tpu.memory_space<vmem>> -> memref<1x200xi32, #tpu.memory_space<vmem>>
    %dma_start3A_110 = tpu.memref_squeeze %dma_start3A_109 : memref<1x200xi32, #tpu.memory_space<vmem>> -> memref<200xi32, #tpu.memory_space<vmem>>
    %dma_start3A_111 = arith.constant 0 : i32
    %dma_start3A_112 = arith.constant 0 : i32
    %dma_start3A_113 = tpu.memref_slice %arg4[%dma_start3A_111, %dma_start3A_112] : memref<212992x64xf32, #tpu.memory_space<hbm>> -> memref<212992x64xf32, #tpu.memory_space<hbm>>
    tpu.enqueue_indirect_dma source(%dma_start3A_113 : memref<212992x64xf32, #tpu.memory_space<hbm>>) target(%dma_start3A_107 : memref<200x64xf32, #tpu.memory_space<vmem>>) offsets(%dma_start3A_110 : memref<200xi32, #tpu.memory_space<vmem>>) semaphore(%arg14 : memref<!tpu.dma_semaphore, #tpu.memory_space<semaphore_mem>>)
    %scan3A = arith.constant 0 : i32
    %scan3A_114 = arith.constant 0 : i32
    %scan3A_115 = arith.constant 128 : i32
    %scan3A_116 = arith.addi %scan3A_114, %scan3A_115 : i32
    %scan3A_117 = arith.constant 1 : i32
    scf.for %scan3A_195 = %scan3A_114 to %scan3A_116 step %scan3A_117  : i32 {
      %rem3A = arith.constant 4 : i32
      %rem3A_196 = arith.remsi %scan3A_195, %rem3A : i32
      %eq3A = arith.constant 0 : i32
      %eq3A_197 = arith.cmpi eq, %rem3A_196, %eq3A : i32
      %convert_element_type3A = arith.extui %eq3A_197 : i1 to i32
      %cond3A = arith.constant 0 : i32
      %cond3A_198 = arith.cmpi ne, %convert_element_type3A, %cond3A : i32
      scf.if %cond3A_198 {
        %dma_wait3A_214 = arith.constant 0 : i32
        %dma_wait3A_215 = arith.constant 0 : i32
        %dma_wait3A_216 = arith.constant 0 : i32
        %dma_wait3A_217 = arith.constant 0 : i32
        %dma_wait3A_218 = tpu.memref_slice %arg12[%dma_wait3A_215, %dma_wait3A_216, %dma_wait3A_217] : memref<4x200x64xf32, #tpu.memory_space<vmem>> -> memref<1x200x64xf32, #tpu.memory_space<vmem>>
        %dma_wait3A_219 = tpu.memref_squeeze %dma_wait3A_218 : memref<1x200x64xf32, #tpu.memory_space<vmem>> -> memref<200x64xf32, #tpu.memory_space<vmem>>
        %dma_wait3A_220 = arith.constant 0 : i32
        %dma_wait3A_221 = tpu.memref_slice %arg8[%dma_wait3A_214, %dma_wait3A_220] : memref<4x200xi32, #tpu.memory_space<vmem>> -> memref<1x200xi32, #tpu.memory_space<vmem>>
        %dma_wait3A_222 = tpu.memref_squeeze %dma_wait3A_221 : memref<1x200xi32, #tpu.memory_space<vmem>> -> memref<200xi32, #tpu.memory_space<vmem>>
        %dma_wait3A_223 = arith.constant 0 : i32
        %dma_wait3A_224 = arith.constant 0 : i32
        %dma_wait3A_225 = tpu.memref_slice %arg4[%dma_wait3A_223, %dma_wait3A_224] : memref<212992x64xf32, #tpu.memory_space<hbm>> -> memref<212992x64xf32, #tpu.memory_space<hbm>>
        tpu.wait_indirect_dma semaphore(%arg13 : memref<!tpu.dma_semaphore, #tpu.memory_space<semaphore_mem>>) src(%dma_wait3A_225 : memref<212992x64xf32, #tpu.memory_space<hbm>>) dst(%dma_wait3A_219 : memref<200x64xf32, #tpu.memory_space<vmem>>)
        %get3A = arith.index_cast %scan3A_195 : i32 to index
        %get3A_226 = arith.constant 0 : index
        %get3A_227 = tpu.vector_load %arg10[%get3A, %get3A_226] {strides = array<i32>} : memref<128x64xf32, #tpu.memory_space<vmem>>, vector<1x16xf32>,
        %get3A_228 = vector.shape_cast %get3A_227 : vector<1x16xf32> to vector<16xf32>
        %mul3A_229 = arith.constant 1.000000e+01 : f32
        %mul3A_230 = vector.broadcast %mul3A_229 : f32 to vector<16xf32>
        %mul3A_231 = arith.mulf %get3A_228, %mul3A_230 : vector<16xf32>
        %get3A_232 = arith.index_cast %scan3A_195 : i32 to index
        %get3A_233 = arith.constant 16 : index
        %get3A_234 = tpu.vector_load %arg10[%get3A_232, %get3A_233] {strides = array<i32>} : memref<128x64xf32, #tpu.memory_space<vmem>>, vector<1x16xf32>,
        %get3A_235 = vector.shape_cast %get3A_234 : vector<1x16xf32> to vector<16xf32>
        %mul3A_236 = arith.constant 1.000000e+01 : f32
        %mul3A_237 = vector.broadcast %mul3A_236 : f32 to vector<16xf32>
        %mul3A_238 = arith.mulf %get3A_235, %mul3A_237 : vector<16xf32>
        %get3A_239 = arith.index_cast %scan3A_195 : i32 to index
        %get3A_240 = arith.constant 32 : index
        %get3A_241 = tpu.vector_load %arg10[%get3A_239, %get3A_240] {strides = array<i32>} : memref<128x64xf32, #tpu.memory_space<vmem>>, vector<1x16xf32>,
        %get3A_242 = vector.shape_cast %get3A_241 : vector<1x16xf32> to vector<16xf32>
        %mul3A_243 = arith.constant 1.000000e+01 : f32
        %mul3A_244 = vector.broadcast %mul3A_243 : f32 to vector<16xf32>
        %mul3A_245 = arith.mulf %get3A_242, %mul3A_244 : vector<16xf32>
        %get3A_246 = arith.index_cast %scan3A_195 : i32 to index
        %get3A_247 = arith.constant 48 : index
        %get3A_248 = tpu.vector_load %arg10[%get3A_246, %get3A_247] {strides = array<i32>} : memref<128x64xf32, #tpu.memory_space<vmem>>, vector<1x16xf32>,
        %get3A_249 = vector.shape_cast %get3A_248 : vector<1x16xf32> to vector<16xf32>
        %mul3A_250 = arith.constant 1.000000e+01 : f32
        %mul3A_251 = vector.broadcast %mul3A_250 : f32 to vector<16xf32>
        %mul3A_252 = arith.mulf %get3A_249, %mul3A_251 : vector<16xf32>
        %parallel_loop3A = arith.constant 0 : i32
        %parallel_loop3A_253 = arith.constant 200 : i32
        %parallel_loop3A_254 = arith.constant 1 : i32
        scf.for %parallel_loop3A_286 = %parallel_loop3A to %parallel_loop3A_253 step %parallel_loop3A_254  : i32 {
          %parallel_loop3A_287 = arith.index_cast %parallel_loop3A_286 : i32 to index
          %parallel_loop3A_288 = arith.constant 0 : index
          %parallel_loop3A_289 = tpu.vector_load %arg11[%parallel_loop3A_287, %parallel_loop3A_288] {strides = array<i32>} : memref<200x64xf32, #tpu.memory_space<vmem>>, vector<1x16xf32>,
          %parallel_loop3A_290 = vector.shape_cast %parallel_loop3A_289 : vector<1x16xf32> to vector<16xf32>
          %parallel_loop3A_291 = arith.addf %parallel_loop3A_290, %mul3A_231 : vector<16xf32>
          %parallel_loop3A_292 = arith.constant 0 : i32
          %parallel_loop3A_293 = arith.index_cast %parallel_loop3A_292 : i32 to index
          %parallel_loop3A_294 = arith.index_cast %parallel_loop3A_286 : i32 to index
          %parallel_loop3A_295 = arith.constant 0 : index
          %parallel_loop3A_296 = tpu.vector_load %arg12[%parallel_loop3A_293, %parallel_loop3A_294, %parallel_loop3A_295] {strides = array<i32>} : memref<4x200x64xf32, #tpu.memory_space<vmem>>, vector<1x1x16xf32>,
          %parallel_loop3A_297 = vector.shape_cast %parallel_loop3A_296 : vector<1x1x16xf32> to vector<16xf32>
          %parallel_loop3A_298 = vector.shape_cast %parallel_loop3A_291 : vector<16xf32> to vector<1x1x16xf32>
          tpu.vector_store %arg12[%parallel_loop3A_293, %parallel_loop3A_294, %parallel_loop3A_295], %parallel_loop3A_298 {add = true, strides = array<i32>} : memref<4x200x64xf32, #tpu.memory_space<vmem>>, vector<1x1x16xf32>,
          %parallel_loop3A_299 = arith.index_cast %parallel_loop3A_286 : i32 to index
          %parallel_loop3A_300 = arith.constant 16 : index
          %parallel_loop3A_301 = tpu.vector_load %arg11[%parallel_loop3A_299, %parallel_loop3A_300] {strides = array<i32>} : memref<200x64xf32, #tpu.memory_space<vmem>>, vector<1x16xf32>,
          %parallel_loop3A_302 = vector.shape_cast %parallel_loop3A_301 : vector<1x16xf32> to vector<16xf32>
          %parallel_loop3A_303 = arith.addf %parallel_loop3A_302, %mul3A_238 : vector<16xf32>
          %parallel_loop3A_304 = arith.constant 0 : i32
          %parallel_loop3A_305 = arith.index_cast %parallel_loop3A_304 : i32 to index
          %parallel_loop3A_306 = arith.index_cast %parallel_loop3A_286 : i32 to index
          %parallel_loop3A_307 = arith.constant 16 : index
          %parallel_loop3A_308 = tpu.vector_load %arg12[%parallel_loop3A_305, %parallel_loop3A_306, %parallel_loop3A_307] {strides = array<i32>} : memref<4x200x64xf32, #tpu.memory_space<vmem>>, vector<1x1x16xf32>,
          %parallel_loop3A_309 = vector.shape_cast %parallel_loop3A_308 : vector<1x1x16xf32> to vector<16xf32>
          %parallel_loop3A_310 = vector.shape_cast %parallel_loop3A_303 : vector<16xf32> to vector<1x1x16xf32>
          tpu.vector_store %arg12[%parallel_loop3A_305, %parallel_loop3A_306, %parallel_loop3A_307], %parallel_loop3A_310 {add = true, strides = array<i32>} : memref<4x200x64xf32, #tpu.memory_space<vmem>>, vector<1x1x16xf32>,
          %parallel_loop3A_311 = arith.index_cast %parallel_loop3A_286 : i32 to index
          %parallel_loop3A_312 = arith.constant 32 : index
          %parallel_loop3A_313 = tpu.vector_load %arg11[%parallel_loop3A_311, %parallel_loop3A_312] {strides = array<i32>} : memref<200x64xf32, #tpu.memory_space<vmem>>, vector<1x16xf32>,
          %parallel_loop3A_314 = vector.shape_cast %parallel_loop3A_313 : vector<1x16xf32> to vector<16xf32>
          %parallel_loop3A_315 = arith.addf %parallel_loop3A_314, %mul3A_245 : vector<16xf32>
          %parallel_loop3A_316 = arith.constant 0 : i32
          %parallel_loop3A_317 = arith.index_cast %parallel_loop3A_316 : i32 to index
          %parallel_loop3A_318 = arith.index_cast %parallel_loop3A_286 : i32 to index
          %parallel_loop3A_319 = arith.constant 32 : index
          %parallel_loop3A_320 = tpu.vector_load %arg12[%parallel_loop3A_317, %parallel_loop3A_318, %parallel_loop3A_319] {strides = array<i32>} : memref<4x200x64xf32, #tpu.memory_space<vmem>>, vector<1x1x16xf32>,
          %parallel_loop3A_321 = vector.shape_cast %parallel_loop3A_320 : vector<1x1x16xf32> to vector<16xf32>
          %parallel_loop3A_322 = vector.shape_cast %parallel_loop3A_315 : vector<16xf32> to vector<1x1x16xf32>
          tpu.vector_store %arg12[%parallel_loop3A_317, %parallel_loop3A_318, %parallel_loop3A_319], %parallel_loop3A_322 {add = true, strides = array<i32>} : memref<4x200x64xf32, #tpu.memory_space<vmem>>, vector<1x1x16xf32>,
          %parallel_loop3A_323 = arith.index_cast %parallel_loop3A_286 : i32 to index
          %parallel_loop3A_324 = arith.constant 48 : index
          %parallel_loop3A_325 = tpu.vector_load %arg11[%parallel_loop3A_323, %parallel_loop3A_324] {strides = array<i32>} : memref<200x64xf32, #tpu.memory_space<vmem>>, vector<1x16xf32>,
          %parallel_loop3A_326 = vector.shape_cast %parallel_loop3A_325 : vector<1x16xf32> to vector<16xf32>
          %parallel_loop3A_327 = arith.addf %parallel_loop3A_326, %mul3A_252 : vector<16xf32>
          %parallel_loop3A_328 = arith.constant 0 : i32
          %parallel_loop3A_329 = arith.index_cast %parallel_loop3A_328 : i32 to index
          %parallel_loop3A_330 = arith.index_cast %parallel_loop3A_286 : i32 to index
          %parallel_loop3A_331 = arith.constant 48 : index
          %parallel_loop3A_332 = tpu.vector_load %arg12[%parallel_loop3A_329, %parallel_loop3A_330, %parallel_loop3A_331] {strides = array<i32>} : memref<4x200x64xf32, #tpu.memory_space<vmem>>, vector<1x1x16xf32>,
          %parallel_loop3A_333 = vector.shape_cast %parallel_loop3A_332 : vector<1x1x16xf32> to vector<16xf32>
          %parallel_loop3A_334 = vector.shape_cast %parallel_loop3A_327 : vector<16xf32> to vector<1x1x16xf32>
          tpu.vector_store %arg12[%parallel_loop3A_329, %parallel_loop3A_330, %parallel_loop3A_331], %parallel_loop3A_334 {add = true, strides = array<i32>} : memref<4x200x64xf32, #tpu.memory_space<vmem>>, vector<1x1x16xf32>,
        } {sc.loop_unroll_factor = 2 : i64, sc.parallel_access}
        %add3A_255 = arith.addi %mul3A_2, %scan3A_195 : i32
        %dma_start3A_256 = arith.constant 0 : i32
        %dma_start3A_257 = arith.constant 0 : i32
        %dma_start3A_258 = arith.constant 0 : i32
        %dma_start3A_259 = tpu.memref_slice %arg12[%dma_start3A_256, %dma_start3A_257, %dma_start3A_258] : memref<4x200x64xf32, #tpu.memory_space<vmem>> -> memref<1x200x64xf32, #tpu.memory_space<vmem>>
        %dma_start3A_260 = tpu.memref_squeeze %dma_start3A_259 : memref<1x200x64xf32, #tpu.memory_space<vmem>> -> memref<200x64xf32, #tpu.memory_space<vmem>>
        %dma_start3A_261 = arith.constant 0 : i32
        %dma_start3A_262 = arith.constant 0 : i32
        %dma_start3A_263 = tpu.memref_slice %arg7[%add3A_255, %dma_start3A_261, %dma_start3A_262] : memref<4096x200x64xf32, #tpu.memory_space<hbm>> -> memref<1x200x64xf32, #tpu.memory_space<hbm>>
        %dma_start3A_264 = tpu.memref_squeeze %dma_start3A_263 : memref<1x200x64xf32, #tpu.memory_space<hbm>> -> memref<200x64xf32, #tpu.memory_space<hbm>>
        %dma_start3A_265 = arith.constant 0 : i32
        %dma_start3A_266 = arith.constant 0 : i32
        %dma_start3A_267 = tpu.memref_slice %arg7[%add3A_255, %dma_start3A_265, %dma_start3A_266] : memref<4096x200x64xf32, #tpu.memory_space<hbm>> -> memref<1x200x64xf32, #tpu.memory_space<hbm>>
        %dma_start3A_268 = tpu.memref_squeeze %dma_start3A_267 : memref<1x200x64xf32, #tpu.memory_space<hbm>> -> memref<200x64xf32, #tpu.memory_space<hbm>>
        %dma_start3A_269 = arith.constant 0 : i32
        %dma_start3A_270 = arith.constant 0 : i32
        %dma_start3A_271 = tpu.memref_slice %arg12[%dma_start3A_256, %dma_start3A_269, %dma_start3A_270] : memref<4x200x64xf32, #tpu.memory_space<vmem>> -> memref<1x200x64xf32, #tpu.memory_space<vmem>>
        %dma_start3A_272 = tpu.memref_squeeze %dma_start3A_271 : memref<1x200x64xf32, #tpu.memory_space<vmem>> -> memref<200x64xf32, #tpu.memory_space<vmem>>
        tpu.enqueue_dma source(%dma_start3A_272 : memref<200x64xf32, #tpu.memory_space<vmem>>) target(%dma_start3A_268 : memref<200x64xf32, #tpu.memory_space<hbm>>) target_semaphore(%arg15 : memref<!tpu.dma_semaphore, #tpu.memory_space<semaphore_mem>>)
        %add3A_273 = arith.constant 2 : i32
        %add3A_274 = arith.addi %scan3A_195, %add3A_273 : i32
        %lt3A = arith.constant 128 : i32
        %lt3A_275 = arith.cmpi slt, %add3A_274, %lt3A : i32
        %convert_element_type3A_276 = arith.extui %lt3A_275 : i1 to i32
        %cond3A_277 = arith.constant 0 : i32
        %cond3A_278 = arith.cmpi ne, %convert_element_type3A_276, %cond3A_277 : i32
        scf.if %cond3A_278 {
          %add3A_286 = arith.constant 2 : i32
          %add3A_287 = arith.addi %scan3A_195, %add3A_286 : i32
          %add3A_288 = arith.addi %mul3A_2, %add3A_287 : i32
          %mul3A_289 = arith.constant 200 : i32
          %mul3A_290 = arith.muli %add3A_288, %mul3A_289 : i32
          %multiple_of3A_291 = tpu.assume_multiple %mul3A_290, 8 : i32
          %dma_wait3A_292 = arith.constant 2 : i32
          %dma_wait3A_293 = arith.constant 0 : i32
          %dma_wait3A_294 = tpu.memref_slice %arg8[%dma_wait3A_292, %dma_wait3A_293] : memref<4x200xi32, #tpu.memory_space<vmem>> -> memref<1x200xi32, #tpu.memory_space<vmem>>
          %dma_wait3A_295 = tpu.memref_squeeze %dma_wait3A_294 : memref<1x200xi32, #tpu.memory_space<vmem>> -> memref<200xi32, #tpu.memory_space<vmem>>
          %dma_wait3A_296 = tpu.memref_slice %arg2[%multiple_of3A_291] : memref<819200xi32, #tpu.memory_space<hbm>> -> memref<200xi32, #tpu.memory_space<hbm>>
          %dma_wait3A_297 = arith.constant 0 : i32
          %dma_wait3A_298 = tpu.memref_slice %arg8[%dma_wait3A_292, %dma_wait3A_297] : memref<4x200xi32, #tpu.memory_space<vmem>> -> memref<1x200xi32, #tpu.memory_space<vmem>>
          %dma_wait3A_299 = tpu.memref_squeeze %dma_wait3A_298 : memref<1x200xi32, #tpu.memory_space<vmem>> -> memref<200xi32, #tpu.memory_space<vmem>>
          %dma_wait3A_300 = tpu.memref_slice %arg2[%multiple_of3A_291] : memref<819200xi32, #tpu.memory_space<hbm>> -> memref<200xi32, #tpu.memory_space<hbm>>
          tpu.wait_dma2 semaphore(%arg21 : memref<!tpu.dma_semaphore, #tpu.memory_space<semaphore_mem>>) src(%dma_wait3A_300 : memref<200xi32, #tpu.memory_space<hbm>>) dst(%dma_wait3A_299 : memref<200xi32, #tpu.memory_space<vmem>>)
          %ge3A = arith.constant 2 : i32
          %ge3A_301 = arith.cmpi sge, %scan3A_195, %ge3A : i32
          %convert_element_type3A_302 = arith.extui %ge3A_301 : i1 to i32
          %cond3A_303 = arith.constant 0 : i32
          %cond3A_304 = arith.cmpi ne, %convert_element_type3A_302, %cond3A_303 : i32
          scf.if %cond3A_304 {
            %sub3A = arith.constant 2 : i32
            %sub3A_317 = arith.subi %scan3A_195, %sub3A : i32
            %add3A_318 = arith.addi %mul3A_2, %sub3A_317 : i32
            %dma_wait3A_319 = arith.constant 2 : i32
            %dma_wait3A_320 = arith.constant 0 : i32
            %dma_wait3A_321 = arith.constant 0 : i32
            %dma_wait3A_322 = tpu.memref_slice %arg12[%dma_wait3A_319, %dma_wait3A_320, %dma_wait3A_321] : memref<4x200x64xf32, #tpu.memory_space<vmem>> -> memref<1x200x64xf32, #tpu.memory_space<vmem>>
            %dma_wait3A_323 = tpu.memref_squeeze %dma_wait3A_322 : memref<1x200x64xf32, #tpu.memory_space<vmem>> -> memref<200x64xf32, #tpu.memory_space<vmem>>
            %dma_wait3A_324 = arith.constant 0 : i32
            %dma_wait3A_325 = arith.constant 0 : i32
            %dma_wait3A_326 = tpu.memref_slice %arg7[%add3A_318, %dma_wait3A_324, %dma_wait3A_325] : memref<4096x200x64xf32, #tpu.memory_space<hbm>> -> memref<1x200x64xf32, #tpu.memory_space<hbm>>
            %dma_wait3A_327 = tpu.memref_squeeze %dma_wait3A_326 : memref<1x200x64xf32, #tpu.memory_space<hbm>> -> memref<200x64xf32, #tpu.memory_space<hbm>>
            %dma_wait3A_328 = arith.constant 0 : i32
            %dma_wait3A_329 = arith.constant 0 : i32
            %dma_wait3A_330 = tpu.memref_slice %arg7[%add3A_318, %dma_wait3A_328, %dma_wait3A_329] : memref<4096x200x64xf32, #tpu.memory_space<hbm>> -> memref<1x200x64xf32, #tpu.memory_space<hbm>>
            %dma_wait3A_331 = tpu.memref_squeeze %dma_wait3A_330 : memref<1x200x64xf32, #tpu.memory_space<hbm>> -> memref<200x64xf32, #tpu.memory_space<hbm>>
            %dma_wait3A_332 = arith.constant 0 : i32
            %dma_wait3A_333 = arith.constant 0 : i32
            %dma_wait3A_334 = tpu.memref_slice %arg12[%dma_wait3A_319, %dma_wait3A_332, %dma_wait3A_333] : memref<4x200x64xf32, #tpu.memory_space<vmem>> -> memref<1x200x64xf32, #tpu.memory_space<vmem>>
            %dma_wait3A_335 = tpu.memref_squeeze %dma_wait3A_334 : memref<1x200x64xf32, #tpu.memory_space<vmem>> -> memref<200x64xf32, #tpu.memory_space<vmem>>
            tpu.wait_dma2 semaphore(%arg17 : memref<!tpu.dma_semaphore, #tpu.memory_space<semaphore_mem>>) src(%dma_wait3A_335 : memref<200x64xf32, #tpu.memory_space<vmem>>) dst(%dma_wait3A_331 : memref<200x64xf32, #tpu.memory_space<hbm>>)
          } else {
          }
          %dma_start3A_305 = arith.constant 2 : i32
          %dma_start3A_306 = arith.constant 2 : i32
          %dma_start3A_307 = arith.constant 0 : i32
          %dma_start3A_308 = arith.constant 0 : i32
          %dma_start3A_309 = tpu.memref_slice %arg12[%dma_start3A_306, %dma_start3A_307, %dma_start3A_308] : memref<4x200x64xf32, #tpu.memory_space<vmem>> -> memref<1x200x64xf32, #tpu.memory_space<vmem>>
          %dma_start3A_310 = tpu.memref_squeeze %dma_start3A_309 : memref<1x200x64xf32, #tpu.memory_space<vmem>> -> memref<200x64xf32, #tpu.memory_space<vmem>>
          %dma_start3A_311 = arith.constant 0 : i32
          %dma_start3A_312 = tpu.memref_slice %arg8[%dma_start3A_305, %dma_start3A_311] : memref<4x200xi32, #tpu.memory_space<vmem>> -> memref<1x200xi32, #tpu.memory_space<vmem>>
          %dma_start3A_313 = tpu.memref_squeeze %dma_start3A_312 : memref<1x200xi32, #tpu.memory_space<vmem>> -> memref<200xi32, #tpu.memory_space<vmem>>
          %dma_start3A_314 = arith.constant 0 : i32
          %dma_start3A_315 = arith.constant 0 : i32
          %dma_start3A_316 = tpu.memref_slice %arg4[%dma_start3A_314, %dma_start3A_315] : memref<212992x64xf32, #tpu.memory_space<hbm>> -> memref<212992x64xf32, #tpu.memory_space<hbm>>
          tpu.enqueue_indirect_dma source(%dma_start3A_316 : memref<212992x64xf32, #tpu.memory_space<hbm>>) target(%dma_start3A_310 : memref<200x64xf32, #tpu.memory_space<vmem>>) offsets(%dma_start3A_313 : memref<200xi32, #tpu.memory_space<vmem>>) semaphore(%arg13 : memref<!tpu.dma_semaphore, #tpu.memory_space<semaphore_mem>>)
        } else {
        }
        %add3A_279 = arith.constant 4 : i32
        %add3A_280 = arith.addi %scan3A_195, %add3A_279 : i32
        %lt3A_281 = arith.constant 128 : i32
        %lt3A_282 = arith.cmpi slt, %add3A_280, %lt3A_281 : i32
        %convert_element_type3A_283 = arith.extui %lt3A_282 : i1 to i32
        %cond3A_284 = arith.constant 0 : i32
        %cond3A_285 = arith.cmpi ne, %convert_element_type3A_283, %cond3A_284 : i32
        scf.if %cond3A_285 {
          %add3A_286 = arith.constant 4 : i32
          %add3A_287 = arith.addi %scan3A_195, %add3A_286 : i32
          %add3A_288 = arith.addi %mul3A_2, %add3A_287 : i32
          %mul3A_289 = arith.constant 200 : i32
          %mul3A_290 = arith.muli %add3A_288, %mul3A_289 : i32
          %multiple_of3A_291 = tpu.assume_multiple %mul3A_290, 8 : i32
          %dma_start3A_292 = arith.constant 0 : i32
          %dma_start3A_293 = arith.constant 0 : i32
          %dma_start3A_294 = tpu.memref_slice %arg8[%dma_start3A_292, %dma_start3A_293] : memref<4x200xi32, #tpu.memory_space<vmem>> -> memref<1x200xi32, #tpu.memory_space<vmem>>
          %dma_start3A_295 = tpu.memref_squeeze %dma_start3A_294 : memref<1x200xi32, #tpu.memory_space<vmem>> -> memref<200xi32, #tpu.memory_space<vmem>>
          %dma_start3A_296 = tpu.memref_slice %arg2[%multiple_of3A_291] : memref<819200xi32, #tpu.memory_space<hbm>> -> memref<200xi32, #tpu.memory_space<hbm>>
          %dma_start3A_297 = arith.constant 0 : i32
          %dma_start3A_298 = tpu.memref_slice %arg8[%dma_start3A_292, %dma_start3A_297] : memref<4x200xi32, #tpu.memory_space<vmem>> -> memref<1x200xi32, #tpu.memory_space<vmem>>
          %dma_start3A_299 = tpu.memref_squeeze %dma_start3A_298 : memref<1x200xi32, #tpu.memory_space<vmem>> -> memref<200xi32, #tpu.memory_space<vmem>>
          %dma_start3A_300 = tpu.memref_slice %arg2[%multiple_of3A_291] : memref<819200xi32, #tpu.memory_space<hbm>> -> memref<200xi32, #tpu.memory_space<hbm>>
          tpu.enqueue_dma source(%dma_start3A_300 : memref<200xi32, #tpu.memory_space<hbm>>) target(%dma_start3A_299 : memref<200xi32, #tpu.memory_space<vmem>>) target_semaphore(%arg19 : memref<!tpu.dma_semaphore, #tpu.memory_space<semaphore_mem>>)
        } else {
        }
      } else {
      }
      %eq3A_199 = arith.constant 1 : i32
      %eq3A_200 = arith.cmpi eq, %rem3A_196, %eq3A_199 : i32
      %convert_element_type3A_201 = arith.extui %eq3A_200 : i1 to i32
      %cond3A_202 = arith.constant 0 : i32
      %cond3A_203 = arith.cmpi ne, %convert_element_type3A_201, %cond3A_202 : i32
      scf.if %cond3A_203 {
        %dma_wait3A_214 = arith.constant 0 : i32
        %dma_wait3A_215 = arith.constant 1 : i32
        %dma_wait3A_216 = arith.constant 0 : i32
        %dma_wait3A_217 = arith.constant 0 : i32
        %dma_wait3A_218 = tpu.memref_slice %arg12[%dma_wait3A_215, %dma_wait3A_216, %dma_wait3A_217] : memref<4x200x64xf32, #tpu.memory_space<vmem>> -> memref<1x200x64xf32, #tpu.memory_space<vmem>>
        %dma_wait3A_219 = tpu.memref_squeeze %dma_wait3A_218 : memref<1x200x64xf32, #tpu.memory_space<vmem>> -> memref<200x64xf32, #tpu.memory_space<vmem>>
        %dma_wait3A_220 = arith.constant 0 : i32
        %dma_wait3A_221 = tpu.memref_slice %arg8[%dma_wait3A_214, %dma_wait3A_220] : memref<4x200xi32, #tpu.memory_space<vmem>> -> memref<1x200xi32, #tpu.memory_space<vmem>>
        %dma_wait3A_222 = tpu.memref_squeeze %dma_wait3A_221 : memref<1x200xi32, #tpu.memory_space<vmem>> -> memref<200xi32, #tpu.memory_space<vmem>>
        %dma_wait3A_223 = arith.constant 0 : i32
        %dma_wait3A_224 = arith.constant 0 : i32
        %dma_wait3A_225 = tpu.memref_slice %arg4[%dma_wait3A_223, %dma_wait3A_224] : memref<212992x64xf32, #tpu.memory_space<hbm>> -> memref<212992x64xf32, #tpu.memory_space<hbm>>
        tpu.wait_indirect_dma semaphore(%arg14 : memref<!tpu.dma_semaphore, #tpu.memory_space<semaphore_mem>>) src(%dma_wait3A_225 : memref<212992x64xf32, #tpu.memory_space<hbm>>) dst(%dma_wait3A_219 : memref<200x64xf32, #tpu.memory_space<vmem>>)
        %get3A = arith.index_cast %scan3A_195 : i32 to index
        %get3A_226 = arith.constant 0 : index
        %get3A_227 = tpu.vector_load %arg10[%get3A, %get3A_226] {strides = array<i32>} : memref<128x64xf32, #tpu.memory_space<vmem>>, vector<1x16xf32>,
        %get3A_228 = vector.shape_cast %get3A_227 : vector<1x16xf32> to vector<16xf32>
        %mul3A_229 = arith.constant 1.000000e+01 : f32
        %mul3A_230 = vector.broadcast %mul3A_229 : f32 to vector<16xf32>
        %mul3A_231 = arith.mulf %get3A_228, %mul3A_230 : vector<16xf32>
        %get3A_232 = arith.index_cast %scan3A_195 : i32 to index
        %get3A_233 = arith.constant 16 : index
        %get3A_234 = tpu.vector_load %arg10[%get3A_232, %get3A_233] {strides = array<i32>} : memref<128x64xf32, #tpu.memory_space<vmem>>, vector<1x16xf32>,
        %get3A_235 = vector.shape_cast %get3A_234 : vector<1x16xf32> to vector<16xf32>
        %mul3A_236 = arith.constant 1.000000e+01 : f32
        %mul3A_237 = vector.broadcast %mul3A_236 : f32 to vector<16xf32>
        %mul3A_238 = arith.mulf %get3A_235, %mul3A_237 : vector<16xf32>
        %get3A_239 = arith.index_cast %scan3A_195 : i32 to index
        %get3A_240 = arith.constant 32 : index
        %get3A_241 = tpu.vector_load %arg10[%get3A_239, %get3A_240] {strides = array<i32>} : memref<128x64xf32, #tpu.memory_space<vmem>>, vector<1x16xf32>,
        %get3A_242 = vector.shape_cast %get3A_241 : vector<1x16xf32> to vector<16xf32>
        %mul3A_243 = arith.constant 1.000000e+01 : f32
        %mul3A_244 = vector.broadcast %mul3A_243 : f32 to vector<16xf32>
        %mul3A_245 = arith.mulf %get3A_242, %mul3A_244 : vector<16xf32>
        %get3A_246 = arith.index_cast %scan3A_195 : i32 to index
        %get3A_247 = arith.constant 48 : index
        %get3A_248 = tpu.vector_load %arg10[%get3A_246, %get3A_247] {strides = array<i32>} : memref<128x64xf32, #tpu.memory_space<vmem>>, vector<1x16xf32>,
        %get3A_249 = vector.shape_cast %get3A_248 : vector<1x16xf32> to vector<16xf32>
        %mul3A_250 = arith.constant 1.000000e+01 : f32
        %mul3A_251 = vector.broadcast %mul3A_250 : f32 to vector<16xf32>
        %mul3A_252 = arith.mulf %get3A_249, %mul3A_251 : vector<16xf32>
        %parallel_loop3A = arith.constant 0 : i32
        %parallel_loop3A_253 = arith.constant 200 : i32
        %parallel_loop3A_254 = arith.constant 1 : i32
        scf.for %parallel_loop3A_286 = %parallel_loop3A to %parallel_loop3A_253 step %parallel_loop3A_254  : i32 {
          %parallel_loop3A_287 = arith.index_cast %parallel_loop3A_286 : i32 to index
          %parallel_loop3A_288 = arith.constant 0 : index
          %parallel_loop3A_289 = tpu.vector_load %arg11[%parallel_loop3A_287, %parallel_loop3A_288] {strides = array<i32>} : memref<200x64xf32, #tpu.memory_space<vmem>>, vector<1x16xf32>,
          %parallel_loop3A_290 = vector.shape_cast %parallel_loop3A_289 : vector<1x16xf32> to vector<16xf32>
          %parallel_loop3A_291 = arith.addf %parallel_loop3A_290, %mul3A_231 : vector<16xf32>
          %parallel_loop3A_292 = arith.constant 1 : i32
          %parallel_loop3A_293 = arith.index_cast %parallel_loop3A_292 : i32 to index
          %parallel_loop3A_294 = arith.index_cast %parallel_loop3A_286 : i32 to index
          %parallel_loop3A_295 = arith.constant 0 : index
          %parallel_loop3A_296 = tpu.vector_load %arg12[%parallel_loop3A_293, %parallel_loop3A_294, %parallel_loop3A_295] {strides = array<i32>} : memref<4x200x64xf32, #tpu.memory_space<vmem>>, vector<1x1x16xf32>,
          %parallel_loop3A_297 = vector.shape_cast %parallel_loop3A_296 : vector<1x1x16xf32> to vector<16xf32>
          %parallel_loop3A_298 = vector.shape_cast %parallel_loop3A_291 : vector<16xf32> to vector<1x1x16xf32>
          tpu.vector_store %arg12[%parallel_loop3A_293, %parallel_loop3A_294, %parallel_loop3A_295], %parallel_loop3A_298 {add = true, strides = array<i32>} : memref<4x200x64xf32, #tpu.memory_space<vmem>>, vector<1x1x16xf32>,
          %parallel_loop3A_299 = arith.index_cast %parallel_loop3A_286 : i32 to index
          %parallel_loop3A_300 = arith.constant 16 : index
          %parallel_loop3A_301 = tpu.vector_load %arg11[%parallel_loop3A_299, %parallel_loop3A_300] {strides = array<i32>} : memref<200x64xf32, #tpu.memory_space<vmem>>, vector<1x16xf32>,
          %parallel_loop3A_302 = vector.shape_cast %parallel_loop3A_301 : vector<1x16xf32> to vector<16xf32>
          %parallel_loop3A_303 = arith.addf %parallel_loop3A_302, %mul3A_238 : vector<16xf32>
          %parallel_loop3A_304 = arith.constant 1 : i32
          %parallel_loop3A_305 = arith.index_cast %parallel_loop3A_304 : i32 to index
          %parallel_loop3A_306 = arith.index_cast %parallel_loop3A_286 : i32 to index
          %parallel_loop3A_307 = arith.constant 16 : index
          %parallel_loop3A_308 = tpu.vector_load %arg12[%parallel_loop3A_305, %parallel_loop3A_306, %parallel_loop3A_307] {strides = array<i32>} : memref<4x200x64xf32, #tpu.memory_space<vmem>>, vector<1x1x16xf32>,
          %parallel_loop3A_309 = vector.shape_cast %parallel_loop3A_308 : vector<1x1x16xf32> to vector<16xf32>
          %parallel_loop3A_310 = vector.shape_cast %parallel_loop3A_303 : vector<16xf32> to vector<1x1x16xf32>
          tpu.vector_store %arg12[%parallel_loop3A_305, %parallel_loop3A_306, %parallel_loop3A_307], %parallel_loop3A_310 {add = true, strides = array<i32>} : memref<4x200x64xf32, #tpu.memory_space<vmem>>, vector<1x1x16xf32>,
          %parallel_loop3A_311 = arith.index_cast %parallel_loop3A_286 : i32 to index
          %parallel_loop3A_312 = arith.constant 32 : index
          %parallel_loop3A_313 = tpu.vector_load %arg11[%parallel_loop3A_311, %parallel_loop3A_312] {strides = array<i32>} : memref<200x64xf32, #tpu.memory_space<vmem>>, vector<1x16xf32>,
          %parallel_loop3A_314 = vector.shape_cast %parallel_loop3A_313 : vector<1x16xf32> to vector<16xf32>
          %parallel_loop3A_315 = arith.addf %parallel_loop3A_314, %mul3A_245 : vector<16xf32>
          %parallel_loop3A_316 = arith.constant 1 : i32
          %parallel_loop3A_317 = arith.index_cast %parallel_loop3A_316 : i32 to index
          %parallel_loop3A_318 = arith.index_cast %parallel_loop3A_286 : i32 to index
          %parallel_loop3A_319 = arith.constant 32 : index
          %parallel_loop3A_320 = tpu.vector_load %arg12[%parallel_loop3A_317, %parallel_loop3A_318, %parallel_loop3A_319] {strides = array<i32>} : memref<4x200x64xf32, #tpu.memory_space<vmem>>, vector<1x1x16xf32>,
          %parallel_loop3A_321 = vector.shape_cast %parallel_loop3A_320 : vector<1x1x16xf32> to vector<16xf32>
          %parallel_loop3A_322 = vector.shape_cast %parallel_loop3A_315 : vector<16xf32> to vector<1x1x16xf32>
          tpu.vector_store %arg12[%parallel_loop3A_317, %parallel_loop3A_318, %parallel_loop3A_319], %parallel_loop3A_322 {add = true, strides = array<i32>} : memref<4x200x64xf32, #tpu.memory_space<vmem>>, vector<1x1x16xf32>,
          %parallel_loop3A_323 = arith.index_cast %parallel_loop3A_286 : i32 to index
          %parallel_loop3A_324 = arith.constant 48 : index
          %parallel_loop3A_325 = tpu.vector_load %arg11[%parallel_loop3A_323, %parallel_loop3A_324] {strides = array<i32>} : memref<200x64xf32, #tpu.memory_space<vmem>>, vector<1x16xf32>,
          %parallel_loop3A_326 = vector.shape_cast %parallel_loop3A_325 : vector<1x16xf32> to vector<16xf32>
          %parallel_loop3A_327 = arith.addf %parallel_loop3A_326, %mul3A_252 : vector<16xf32>
          %parallel_loop3A_328 = arith.constant 1 : i32
          %parallel_loop3A_329 = arith.index_cast %parallel_loop3A_328 : i32 to index
          %parallel_loop3A_330 = arith.index_cast %parallel_loop3A_286 : i32 to index
          %parallel_loop3A_331 = arith.constant 48 : index
          %parallel_loop3A_332 = tpu.vector_load %arg12[%parallel_loop3A_329, %parallel_loop3A_330, %parallel_loop3A_331] {strides = array<i32>} : memref<4x200x64xf32, #tpu.memory_space<vmem>>, vector<1x1x16xf32>,
          %parallel_loop3A_333 = vector.shape_cast %parallel_loop3A_332 : vector<1x1x16xf32> to vector<16xf32>
          %parallel_loop3A_334 = vector.shape_cast %parallel_loop3A_327 : vector<16xf32> to vector<1x1x16xf32>
          tpu.vector_store %arg12[%parallel_loop3A_329, %parallel_loop3A_330, %parallel_loop3A_331], %parallel_loop3A_334 {add = true, strides = array<i32>} : memref<4x200x64xf32, #tpu.memory_space<vmem>>, vector<1x1x16xf32>,
        } {sc.loop_unroll_factor = 2 : i64, sc.parallel_access}
        %add3A_255 = arith.addi %mul3A_2, %scan3A_195 : i32
        %dma_start3A_256 = arith.constant 1 : i32
        %dma_start3A_257 = arith.constant 0 : i32
        %dma_start3A_258 = arith.constant 0 : i32
        %dma_start3A_259 = tpu.memref_slice %arg12[%dma_start3A_256, %dma_start3A_257, %dma_start3A_258] : memref<4x200x64xf32, #tpu.memory_space<vmem>> -> memref<1x200x64xf32, #tpu.memory_space<vmem>>
        %dma_start3A_260 = tpu.memref_squeeze %dma_start3A_259 : memref<1x200x64xf32, #tpu.memory_space<vmem>> -> memref<200x64xf32, #tpu.memory_space<vmem>>
        %dma_start3A_261 = arith.constant 0 : i32
        %dma_start3A_262 = arith.constant 0 : i32
        %dma_start3A_263 = tpu.memref_slice %arg7[%add3A_255, %dma_start3A_261, %dma_start3A_262] : memref<4096x200x64xf32, #tpu.memory_space<hbm>> -> memref<1x200x64xf32, #tpu.memory_space<hbm>>
        %dma_start3A_264 = tpu.memref_squeeze %dma_start3A_263 : memref<1x200x64xf32, #tpu.memory_space<hbm>> -> memref<200x64xf32, #tpu.memory_space<hbm>>
        %dma_start3A_265 = arith.constant 0 : i32
        %dma_start3A_266 = arith.constant 0 : i32
        %dma_start3A_267 = tpu.memref_slice %arg7[%add3A_255, %dma_start3A_265, %dma_start3A_266] : memref<4096x200x64xf32, #tpu.memory_space<hbm>> -> memref<1x200x64xf32, #tpu.memory_space<hbm>>
        %dma_start3A_268 = tpu.memref_squeeze %dma_start3A_267 : memref<1x200x64xf32, #tpu.memory_space<hbm>> -> memref<200x64xf32, #tpu.memory_space<hbm>>
        %dma_start3A_269 = arith.constant 0 : i32
        %dma_start3A_270 = arith.constant 0 : i32
        %dma_start3A_271 = tpu.memref_slice %arg12[%dma_start3A_256, %dma_start3A_269, %dma_start3A_270] : memref<4x200x64xf32, #tpu.memory_space<vmem>> -> memref<1x200x64xf32, #tpu.memory_space<vmem>>
        %dma_start3A_272 = tpu.memref_squeeze %dma_start3A_271 : memref<1x200x64xf32, #tpu.memory_space<vmem>> -> memref<200x64xf32, #tpu.memory_space<vmem>>
        tpu.enqueue_dma source(%dma_start3A_272 : memref<200x64xf32, #tpu.memory_space<vmem>>) target(%dma_start3A_268 : memref<200x64xf32, #tpu.memory_space<hbm>>) target_semaphore(%arg16 : memref<!tpu.dma_semaphore, #tpu.memory_space<semaphore_mem>>)
        %add3A_273 = arith.constant 2 : i32
        %add3A_274 = arith.addi %scan3A_195, %add3A_273 : i32
        %lt3A = arith.constant 128 : i32
        %lt3A_275 = arith.cmpi slt, %add3A_274, %lt3A : i32
        %convert_element_type3A_276 = arith.extui %lt3A_275 : i1 to i32
        %cond3A_277 = arith.constant 0 : i32
        %cond3A_278 = arith.cmpi ne, %convert_element_type3A_276, %cond3A_277 : i32
        scf.if %cond3A_278 {
          %add3A_286 = arith.constant 2 : i32
          %add3A_287 = arith.addi %scan3A_195, %add3A_286 : i32
          %add3A_288 = arith.addi %mul3A_2, %add3A_287 : i32
          %mul3A_289 = arith.constant 200 : i32
          %mul3A_290 = arith.muli %add3A_288, %mul3A_289 : i32
          %multiple_of3A_291 = tpu.assume_multiple %mul3A_290, 8 : i32
          %dma_wait3A_292 = arith.constant 3 : i32
          %dma_wait3A_293 = arith.constant 0 : i32
          %dma_wait3A_294 = tpu.memref_slice %arg8[%dma_wait3A_292, %dma_wait3A_293] : memref<4x200xi32, #tpu.memory_space<vmem>> -> memref<1x200xi32, #tpu.memory_space<vmem>>
          %dma_wait3A_295 = tpu.memref_squeeze %dma_wait3A_294 : memref<1x200xi32, #tpu.memory_space<vmem>> -> memref<200xi32, #tpu.memory_space<vmem>>
          %dma_wait3A_296 = tpu.memref_slice %arg2[%multiple_of3A_291] : memref<819200xi32, #tpu.memory_space<hbm>> -> memref<200xi32, #tpu.memory_space<hbm>>
          %dma_wait3A_297 = arith.constant 0 : i32
          %dma_wait3A_298 = tpu.memref_slice %arg8[%dma_wait3A_292, %dma_wait3A_297] : memref<4x200xi32, #tpu.memory_space<vmem>> -> memref<1x200xi32, #tpu.memory_space<vmem>>
          %dma_wait3A_299 = tpu.memref_squeeze %dma_wait3A_298 : memref<1x200xi32, #tpu.memory_space<vmem>> -> memref<200xi32, #tpu.memory_space<vmem>>
          %dma_wait3A_300 = tpu.memref_slice %arg2[%multiple_of3A_291] : memref<819200xi32, #tpu.memory_space<hbm>> -> memref<200xi32, #tpu.memory_space<hbm>>
          tpu.wait_dma2 semaphore(%arg22 : memref<!tpu.dma_semaphore, #tpu.memory_space<semaphore_mem>>) src(%dma_wait3A_300 : memref<200xi32, #tpu.memory_space<hbm>>) dst(%dma_wait3A_299 : memref<200xi32, #tpu.memory_space<vmem>>)
          %ge3A = arith.constant 2 : i32
          %ge3A_301 = arith.cmpi sge, %scan3A_195, %ge3A : i32
          %convert_element_type3A_302 = arith.extui %ge3A_301 : i1 to i32
          %cond3A_303 = arith.constant 0 : i32
          %cond3A_304 = arith.cmpi ne, %convert_element_type3A_302, %cond3A_303 : i32
          scf.if %cond3A_304 {
            %sub3A = arith.constant 2 : i32
            %sub3A_317 = arith.subi %scan3A_195, %sub3A : i32
            %add3A_318 = arith.addi %mul3A_2, %sub3A_317 : i32
            %dma_wait3A_319 = arith.constant 3 : i32
            %dma_wait3A_320 = arith.constant 0 : i32
            %dma_wait3A_321 = arith.constant 0 : i32
            %dma_wait3A_322 = tpu.memref_slice %arg12[%dma_wait3A_319, %dma_wait3A_320, %dma_wait3A_321] : memref<4x200x64xf32, #tpu.memory_space<vmem>> -> memref<1x200x64xf32, #tpu.memory_space<vmem>>
            %dma_wait3A_323 = tpu.memref_squeeze %dma_wait3A_322 : memref<1x200x64xf32, #tpu.memory_space<vmem>> -> memref<200x64xf32, #tpu.memory_space<vmem>>
            %dma_wait3A_324 = arith.constant 0 : i32
            %dma_wait3A_325 = arith.constant 0 : i32
            %dma_wait3A_326 = tpu.memref_slice %arg7[%add3A_318, %dma_wait3A_324, %dma_wait3A_325] : memref<4096x200x64xf32, #tpu.memory_space<hbm>> -> memref<1x200x64xf32, #tpu.memory_space<hbm>>
            %dma_wait3A_327 = tpu.memref_squeeze %dma_wait3A_326 : memref<1x200x64xf32, #tpu.memory_space<hbm>> -> memref<200x64xf32, #tpu.memory_space<hbm>>
            %dma_wait3A_328 = arith.constant 0 : i32
            %dma_wait3A_329 = arith.constant 0 : i32
            %dma_wait3A_330 = tpu.memref_slice %arg7[%add3A_318, %dma_wait3A_328, %dma_wait3A_329] : memref<4096x200x64xf32, #tpu.memory_space<hbm>> -> memref<1x200x64xf32, #tpu.memory_space<hbm>>
            %dma_wait3A_331 = tpu.memref_squeeze %dma_wait3A_330 : memref<1x200x64xf32, #tpu.memory_space<hbm>> -> memref<200x64xf32, #tpu.memory_space<hbm>>
            %dma_wait3A_332 = arith.constant 0 : i32
            %dma_wait3A_333 = arith.constant 0 : i32
            %dma_wait3A_334 = tpu.memref_slice %arg12[%dma_wait3A_319, %dma_wait3A_332, %dma_wait3A_333] : memref<4x200x64xf32, #tpu.memory_space<vmem>> -> memref<1x200x64xf32, #tpu.memory_space<vmem>>
            %dma_wait3A_335 = tpu.memref_squeeze %dma_wait3A_334 : memref<1x200x64xf32, #tpu.memory_space<vmem>> -> memref<200x64xf32, #tpu.memory_space<vmem>>
            tpu.wait_dma2 semaphore(%arg18 : memref<!tpu.dma_semaphore, #tpu.memory_space<semaphore_mem>>) src(%dma_wait3A_335 : memref<200x64xf32, #tpu.memory_space<vmem>>) dst(%dma_wait3A_331 : memref<200x64xf32, #tpu.memory_space<hbm>>)
          } else {
          }
          %dma_start3A_305 = arith.constant 3 : i32
          %dma_start3A_306 = arith.constant 3 : i32
          %dma_start3A_307 = arith.constant 0 : i32
          %dma_start3A_308 = arith.constant 0 : i32
          %dma_start3A_309 = tpu.memref_slice %arg12[%dma_start3A_306, %dma_start3A_307, %dma_start3A_308] : memref<4x200x64xf32, #tpu.memory_space<vmem>> -> memref<1x200x64xf32, #tpu.memory_space<vmem>>
          %dma_start3A_310 = tpu.memref_squeeze %dma_start3A_309 : memref<1x200x64xf32, #tpu.memory_space<vmem>> -> memref<200x64xf32, #tpu.memory_space<vmem>>
          %dma_start3A_311 = arith.constant 0 : i32
          %dma_start3A_312 = tpu.memref_slice %arg8[%dma_start3A_305, %dma_start3A_311] : memref<4x200xi32, #tpu.memory_space<vmem>> -> memref<1x200xi32, #tpu.memory_space<vmem>>
          %dma_start3A_313 = tpu.memref_squeeze %dma_start3A_312 : memref<1x200xi32, #tpu.memory_space<vmem>> -> memref<200xi32, #tpu.memory_space<vmem>>
          %dma_start3A_314 = arith.constant 0 : i32
          %dma_start3A_315 = arith.constant 0 : i32
          %dma_start3A_316 = tpu.memref_slice %arg4[%dma_start3A_314, %dma_start3A_315] : memref<212992x64xf32, #tpu.memory_space<hbm>> -> memref<212992x64xf32, #tpu.memory_space<hbm>>
          tpu.enqueue_indirect_dma source(%dma_start3A_316 : memref<212992x64xf32, #tpu.memory_space<hbm>>) target(%dma_start3A_310 : memref<200x64xf32, #tpu.memory_space<vmem>>) offsets(%dma_start3A_313 : memref<200xi32, #tpu.memory_space<vmem>>) semaphore(%arg14 : memref<!tpu.dma_semaphore, #tpu.memory_space<semaphore_mem>>)
        } else {
        }
        %add3A_279 = arith.constant 4 : i32
        %add3A_280 = arith.addi %scan3A_195, %add3A_279 : i32
        %lt3A_281 = arith.constant 128 : i32
        %lt3A_282 = arith.cmpi slt, %add3A_280, %lt3A_281 : i32
        %convert_element_type3A_283 = arith.extui %lt3A_282 : i1 to i32
        %cond3A_284 = arith.constant 0 : i32
        %cond3A_285 = arith.cmpi ne, %convert_element_type3A_283, %cond3A_284 : i32
        scf.if %cond3A_285 {
          %add3A_286 = arith.constant 4 : i32
          %add3A_287 = arith.addi %scan3A_195, %add3A_286 : i32
          %add3A_288 = arith.addi %mul3A_2, %add3A_287 : i32
          %mul3A_289 = arith.constant 200 : i32
          %mul3A_290 = arith.muli %add3A_288, %mul3A_289 : i32
          %multiple_of3A_291 = tpu.assume_multiple %mul3A_290, 8 : i32
          %dma_start3A_292 = arith.constant 1 : i32
          %dma_start3A_293 = arith.constant 0 : i32
          %dma_start3A_294 = tpu.memref_slice %arg8[%dma_start3A_292, %dma_start3A_293] : memref<4x200xi32, #tpu.memory_space<vmem>> -> memref<1x200xi32, #tpu.memory_space<vmem>>
          %dma_start3A_295 = tpu.memref_squeeze %dma_start3A_294 : memref<1x200xi32, #tpu.memory_space<vmem>> -> memref<200xi32, #tpu.memory_space<vmem>>
          %dma_start3A_296 = tpu.memref_slice %arg2[%multiple_of3A_291] : memref<819200xi32, #tpu.memory_space<hbm>> -> memref<200xi32, #tpu.memory_space<hbm>>
          %dma_start3A_297 = arith.constant 0 : i32
          %dma_start3A_298 = tpu.memref_slice %arg8[%dma_start3A_292, %dma_start3A_297] : memref<4x200xi32, #tpu.memory_space<vmem>> -> memref<1x200xi32, #tpu.memory_space<vmem>>
          %dma_start3A_299 = tpu.memref_squeeze %dma_start3A_298 : memref<1x200xi32, #tpu.memory_space<vmem>> -> memref<200xi32, #tpu.memory_space<vmem>>
          %dma_start3A_300 = tpu.memref_slice %arg2[%multiple_of3A_291] : memref<819200xi32, #tpu.memory_space<hbm>> -> memref<200xi32, #tpu.memory_space<hbm>>
          tpu.enqueue_dma source(%dma_start3A_300 : memref<200xi32, #tpu.memory_space<hbm>>) target(%dma_start3A_299 : memref<200xi32, #tpu.memory_space<vmem>>) target_semaphore(%arg20 : memref<!tpu.dma_semaphore, #tpu.memory_space<semaphore_mem>>)
        } else {
        }
      } else {
      }
      %eq3A_204 = arith.constant 2 : i32
      %eq3A_205 = arith.cmpi eq, %rem3A_196, %eq3A_204 : i32
      %convert_element_type3A_206 = arith.extui %eq3A_205 : i1 to i32
      %cond3A_207 = arith.constant 0 : i32
      %cond3A_208 = arith.cmpi ne, %convert_element_type3A_206, %cond3A_207 : i32
      scf.if %cond3A_208 {
        %dma_wait3A_214 = arith.constant 0 : i32
        %dma_wait3A_215 = arith.constant 2 : i32
        %dma_wait3A_216 = arith.constant 0 : i32
        %dma_wait3A_217 = arith.constant 0 : i32
        %dma_wait3A_218 = tpu.memref_slice %arg12[%dma_wait3A_215, %dma_wait3A_216, %dma_wait3A_217] : memref<4x200x64xf32, #tpu.memory_space<vmem>> -> memref<1x200x64xf32, #tpu.memory_space<vmem>>
        %dma_wait3A_219 = tpu.memref_squeeze %dma_wait3A_218 : memref<1x200x64xf32, #tpu.memory_space<vmem>> -> memref<200x64xf32, #tpu.memory_space<vmem>>
        %dma_wait3A_220 = arith.constant 0 : i32
        %dma_wait3A_221 = tpu.memref_slice %arg8[%dma_wait3A_214, %dma_wait3A_220] : memref<4x200xi32, #tpu.memory_space<vmem>> -> memref<1x200xi32, #tpu.memory_space<vmem>>
        %dma_wait3A_222 = tpu.memref_squeeze %dma_wait3A_221 : memref<1x200xi32, #tpu.memory_space<vmem>> -> memref<200xi32, #tpu.memory_space<vmem>>
        %dma_wait3A_223 = arith.constant 0 : i32
        %dma_wait3A_224 = arith.constant 0 : i32
        %dma_wait3A_225 = tpu.memref_slice %arg4[%dma_wait3A_223, %dma_wait3A_224] : memref<212992x64xf32, #tpu.memory_space<hbm>> -> memref<212992x64xf32, #tpu.memory_space<hbm>>
        tpu.wait_indirect_dma semaphore(%arg13 : memref<!tpu.dma_semaphore, #tpu.memory_space<semaphore_mem>>) src(%dma_wait3A_225 : memref<212992x64xf32, #tpu.memory_space<hbm>>) dst(%dma_wait3A_219 : memref<200x64xf32, #tpu.memory_space<vmem>>)
        %get3A = arith.index_cast %scan3A_195 : i32 to index
        %get3A_226 = arith.constant 0 : index
        %get3A_227 = tpu.vector_load %arg10[%get3A, %get3A_226] {strides = array<i32>} : memref<128x64xf32, #tpu.memory_space<vmem>>, vector<1x16xf32>,
        %get3A_228 = vector.shape_cast %get3A_227 : vector<1x16xf32> to vector<16xf32>
        %mul3A_229 = arith.constant 1.000000e+01 : f32
        %mul3A_230 = vector.broadcast %mul3A_229 : f32 to vector<16xf32>
        %mul3A_231 = arith.mulf %get3A_228, %mul3A_230 : vector<16xf32>
        %get3A_232 = arith.index_cast %scan3A_195 : i32 to index
        %get3A_233 = arith.constant 16 : index
        %get3A_234 = tpu.vector_load %arg10[%get3A_232, %get3A_233] {strides = array<i32>} : memref<128x64xf32, #tpu.memory_space<vmem>>, vector<1x16xf32>,
        %get3A_235 = vector.shape_cast %get3A_234 : vector<1x16xf32> to vector<16xf32>
        %mul3A_236 = arith.constant 1.000000e+01 : f32
        %mul3A_237 = vector.broadcast %mul3A_236 : f32 to vector<16xf32>
        %mul3A_238 = arith.mulf %get3A_235, %mul3A_237 : vector<16xf32>
        %get3A_239 = arith.index_cast %scan3A_195 : i32 to index
        %get3A_240 = arith.constant 32 : index
        %get3A_241 = tpu.vector_load %arg10[%get3A_239, %get3A_240] {strides = array<i32>} : memref<128x64xf32, #tpu.memory_space<vmem>>, vector<1x16xf32>,
        %get3A_242 = vector.shape_cast %get3A_241 : vector<1x16xf32> to vector<16xf32>
        %mul3A_243 = arith.constant 1.000000e+01 : f32
        %mul3A_244 = vector.broadcast %mul3A_243 : f32 to vector<16xf32>
        %mul3A_245 = arith.mulf %get3A_242, %mul3A_244 : vector<16xf32>
        %get3A_246 = arith.index_cast %scan3A_195 : i32 to index
        %get3A_247 = arith.constant 48 : index
        %get3A_248 = tpu.vector_load %arg10[%get3A_246, %get3A_247] {strides = array<i32>} : memref<128x64xf32, #tpu.memory_space<vmem>>, vector<1x16xf32>,
        %get3A_249 = vector.shape_cast %get3A_248 : vector<1x16xf32> to vector<16xf32>
        %mul3A_250 = arith.constant 1.000000e+01 : f32
        %mul3A_251 = vector.broadcast %mul3A_250 : f32 to vector<16xf32>
        %mul3A_252 = arith.mulf %get3A_249, %mul3A_251 : vector<16xf32>
        %parallel_loop3A = arith.constant 0 : i32
        %parallel_loop3A_253 = arith.constant 200 : i32
        %parallel_loop3A_254 = arith.constant 1 : i32
        scf.for %parallel_loop3A_286 = %parallel_loop3A to %parallel_loop3A_253 step %parallel_loop3A_254  : i32 {
          %parallel_loop3A_287 = arith.index_cast %parallel_loop3A_286 : i32 to index
          %parallel_loop3A_288 = arith.constant 0 : index
          %parallel_loop3A_289 = tpu.vector_load %arg11[%parallel_loop3A_287, %parallel_loop3A_288] {strides = array<i32>} : memref<200x64xf32, #tpu.memory_space<vmem>>, vector<1x16xf32>,
          %parallel_loop3A_290 = vector.shape_cast %parallel_loop3A_289 : vector<1x16xf32> to vector<16xf32>
          %parallel_loop3A_291 = arith.addf %parallel_loop3A_290, %mul3A_231 : vector<16xf32>
          %parallel_loop3A_292 = arith.constant 2 : i32
          %parallel_loop3A_293 = arith.index_cast %parallel_loop3A_292 : i32 to index
          %parallel_loop3A_294 = arith.index_cast %parallel_loop3A_286 : i32 to index
          %parallel_loop3A_295 = arith.constant 0 : index
          %parallel_loop3A_296 = tpu.vector_load %arg12[%parallel_loop3A_293, %parallel_loop3A_294, %parallel_loop3A_295] {strides = array<i32>} : memref<4x200x64xf32, #tpu.memory_space<vmem>>, vector<1x1x16xf32>,
          %parallel_loop3A_297 = vector.shape_cast %parallel_loop3A_296 : vector<1x1x16xf32> to vector<16xf32>
          %parallel_loop3A_298 = vector.shape_cast %parallel_loop3A_291 : vector<16xf32> to vector<1x1x16xf32>
          tpu.vector_store %arg12[%parallel_loop3A_293, %parallel_loop3A_294, %parallel_loop3A_295], %parallel_loop3A_298 {add = true, strides = array<i32>} : memref<4x200x64xf32, #tpu.memory_space<vmem>>, vector<1x1x16xf32>,
          %parallel_loop3A_299 = arith.index_cast %parallel_loop3A_286 : i32 to index
          %parallel_loop3A_300 = arith.constant 16 : index
          %parallel_loop3A_301 = tpu.vector_load %arg11[%parallel_loop3A_299, %parallel_loop3A_300] {strides = array<i32>} : memref<200x64xf32, #tpu.memory_space<vmem>>, vector<1x16xf32>,
          %parallel_loop3A_302 = vector.shape_cast %parallel_loop3A_301 : vector<1x16xf32> to vector<16xf32>
          %parallel_loop3A_303 = arith.addf %parallel_loop3A_302, %mul3A_238 : vector<16xf32>
          %parallel_loop3A_304 = arith.constant 2 : i32
          %parallel_loop3A_305 = arith.index_cast %parallel_loop3A_304 : i32 to index
          %parallel_loop3A_306 = arith.index_cast %parallel_loop3A_286 : i32 to index
          %parallel_loop3A_307 = arith.constant 16 : index
          %parallel_loop3A_308 = tpu.vector_load %arg12[%parallel_loop3A_305, %parallel_loop3A_306, %parallel_loop3A_307] {strides = array<i32>} : memref<4x200x64xf32, #tpu.memory_space<vmem>>, vector<1x1x16xf32>,
          %parallel_loop3A_309 = vector.shape_cast %parallel_loop3A_308 : vector<1x1x16xf32> to vector<16xf32>
          %parallel_loop3A_310 = vector.shape_cast %parallel_loop3A_303 : vector<16xf32> to vector<1x1x16xf32>
          tpu.vector_store %arg12[%parallel_loop3A_305, %parallel_loop3A_306, %parallel_loop3A_307], %parallel_loop3A_310 {add = true, strides = array<i32>} : memref<4x200x64xf32, #tpu.memory_space<vmem>>, vector<1x1x16xf32>,
          %parallel_loop3A_311 = arith.index_cast %parallel_loop3A_286 : i32 to index
          %parallel_loop3A_312 = arith.constant 32 : index
          %parallel_loop3A_313 = tpu.vector_load %arg11[%parallel_loop3A_311, %parallel_loop3A_312] {strides = array<i32>} : memref<200x64xf32, #tpu.memory_space<vmem>>, vector<1x16xf32>,
          %parallel_loop3A_314 = vector.shape_cast %parallel_loop3A_313 : vector<1x16xf32> to vector<16xf32>
          %parallel_loop3A_315 = arith.addf %parallel_loop3A_314, %mul3A_245 : vector<16xf32>
          %parallel_loop3A_316 = arith.constant 2 : i32
          %parallel_loop3A_317 = arith.index_cast %parallel_loop3A_316 : i32 to index
          %parallel_loop3A_318 = arith.index_cast %parallel_loop3A_286 : i32 to index
          %parallel_loop3A_319 = arith.constant 32 : index
          %parallel_loop3A_320 = tpu.vector_load %arg12[%parallel_loop3A_317, %parallel_loop3A_318, %parallel_loop3A_319] {strides = array<i32>} : memref<4x200x64xf32, #tpu.memory_space<vmem>>, vector<1x1x16xf32>,
          %parallel_loop3A_321 = vector.shape_cast %parallel_loop3A_320 : vector<1x1x16xf32> to vector<16xf32>
          %parallel_loop3A_322 = vector.shape_cast %parallel_loop3A_315 : vector<16xf32> to vector<1x1x16xf32>
          tpu.vector_store %arg12[%parallel_loop3A_317, %parallel_loop3A_318, %parallel_loop3A_319], %parallel_loop3A_322 {add = true, strides = array<i32>} : memref<4x200x64xf32, #tpu.memory_space<vmem>>, vector<1x1x16xf32>,
          %parallel_loop3A_323 = arith.index_cast %parallel_loop3A_286 : i32 to index
          %parallel_loop3A_324 = arith.constant 48 : index
          %parallel_loop3A_325 = tpu.vector_load %arg11[%parallel_loop3A_323, %parallel_loop3A_324] {strides = array<i32>} : memref<200x64xf32, #tpu.memory_space<vmem>>, vector<1x16xf32>,
          %parallel_loop3A_326 = vector.shape_cast %parallel_loop3A_325 : vector<1x16xf32> to vector<16xf32>
          %parallel_loop3A_327 = arith.addf %parallel_loop3A_326, %mul3A_252 : vector<16xf32>
          %parallel_loop3A_328 = arith.constant 2 : i32
          %parallel_loop3A_329 = arith.index_cast %parallel_loop3A_328 : i32 to index
          %parallel_loop3A_330 = arith.index_cast %parallel_loop3A_286 : i32 to index
          %parallel_loop3A_331 = arith.constant 48 : index
          %parallel_loop3A_332 = tpu.vector_load %arg12[%parallel_loop3A_329, %parallel_loop3A_330, %parallel_loop3A_331] {strides = array<i32>} : memref<4x200x64xf32, #tpu.memory_space<vmem>>, vector<1x1x16xf32>,
          %parallel_loop3A_333 = vector.shape_cast %parallel_loop3A_332 : vector<1x1x16xf32> to vector<16xf32>
          %parallel_loop3A_334 = vector.shape_cast %parallel_loop3A_327 : vector<16xf32> to vector<1x1x16xf32>
          tpu.vector_store %arg12[%parallel_loop3A_329, %parallel_loop3A_330, %parallel_loop3A_331], %parallel_loop3A_334 {add = true, strides = array<i32>} : memref<4x200x64xf32, #tpu.memory_space<vmem>>, vector<1x1x16xf32>,
        } {sc.loop_unroll_factor = 2 : i64, sc.parallel_access}
        %add3A_255 = arith.addi %mul3A_2, %scan3A_195 : i32
        %dma_start3A_256 = arith.constant 2 : i32
        %dma_start3A_257 = arith.constant 0 : i32
        %dma_start3A_258 = arith.constant 0 : i32
        %dma_start3A_259 = tpu.memref_slice %arg12[%dma_start3A_256, %dma_start3A_257, %dma_start3A_258] : memref<4x200x64xf32, #tpu.memory_space<vmem>> -> memref<1x200x64xf32, #tpu.memory_space<vmem>>
        %dma_start3A_260 = tpu.memref_squeeze %dma_start3A_259 : memref<1x200x64xf32, #tpu.memory_space<vmem>> -> memref<200x64xf32, #tpu.memory_space<vmem>>
        %dma_start3A_261 = arith.constant 0 : i32
        %dma_start3A_262 = arith.constant 0 : i32
        %dma_start3A_263 = tpu.memref_slice %arg7[%add3A_255, %dma_start3A_261, %dma_start3A_262] : memref<4096x200x64xf32, #tpu.memory_space<hbm>> -> memref<1x200x64xf32, #tpu.memory_space<hbm>>
        %dma_start3A_264 = tpu.memref_squeeze %dma_start3A_263 : memref<1x200x64xf32, #tpu.memory_space<hbm>> -> memref<200x64xf32, #tpu.memory_space<hbm>>
        %dma_start3A_265 = arith.constant 0 : i32
        %dma_start3A_266 = arith.constant 0 : i32
        %dma_start3A_267 = tpu.memref_slice %arg7[%add3A_255, %dma_start3A_265, %dma_start3A_266] : memref<4096x200x64xf32, #tpu.memory_space<hbm>> -> memref<1x200x64xf32, #tpu.memory_space<hbm>>
        %dma_start3A_268 = tpu.memref_squeeze %dma_start3A_267 : memref<1x200x64xf32, #tpu.memory_space<hbm>> -> memref<200x64xf32, #tpu.memory_space<hbm>>
        %dma_start3A_269 = arith.constant 0 : i32
        %dma_start3A_270 = arith.constant 0 : i32
        %dma_start3A_271 = tpu.memref_slice %arg12[%dma_start3A_256, %dma_start3A_269, %dma_start3A_270] : memref<4x200x64xf32, #tpu.memory_space<vmem>> -> memref<1x200x64xf32, #tpu.memory_space<vmem>>
        %dma_start3A_272 = tpu.memref_squeeze %dma_start3A_271 : memref<1x200x64xf32, #tpu.memory_space<vmem>> -> memref<200x64xf32, #tpu.memory_space<vmem>>
        tpu.enqueue_dma source(%dma_start3A_272 : memref<200x64xf32, #tpu.memory_space<vmem>>) target(%dma_start3A_268 : memref<200x64xf32, #tpu.memory_space<hbm>>) target_semaphore(%arg17 : memref<!tpu.dma_semaphore, #tpu.memory_space<semaphore_mem>>)
        %add3A_273 = arith.constant 2 : i32
        %add3A_274 = arith.addi %scan3A_195, %add3A_273 : i32
        %lt3A = arith.constant 128 : i32
        %lt3A_275 = arith.cmpi slt, %add3A_274, %lt3A : i32
        %convert_element_type3A_276 = arith.extui %lt3A_275 : i1 to i32
        %cond3A_277 = arith.constant 0 : i32
        %cond3A_278 = arith.cmpi ne, %convert_element_type3A_276, %cond3A_277 : i32
        scf.if %cond3A_278 {
          %add3A_286 = arith.constant 2 : i32
          %add3A_287 = arith.addi %scan3A_195, %add3A_286 : i32
          %add3A_288 = arith.addi %mul3A_2, %add3A_287 : i32
          %mul3A_289 = arith.constant 200 : i32
          %mul3A_290 = arith.muli %add3A_288, %mul3A_289 : i32
          %multiple_of3A_291 = tpu.assume_multiple %mul3A_290, 8 : i32
          %dma_wait3A_292 = arith.constant 0 : i32
          %dma_wait3A_293 = arith.constant 0 : i32
          %dma_wait3A_294 = tpu.memref_slice %arg8[%dma_wait3A_292, %dma_wait3A_293] : memref<4x200xi32, #tpu.memory_space<vmem>> -> memref<1x200xi32, #tpu.memory_space<vmem>>
          %dma_wait3A_295 = tpu.memref_squeeze %dma_wait3A_294 : memref<1x200xi32, #tpu.memory_space<vmem>> -> memref<200xi32, #tpu.memory_space<vmem>>
          %dma_wait3A_296 = tpu.memref_slice %arg2[%multiple_of3A_291] : memref<819200xi32, #tpu.memory_space<hbm>> -> memref<200xi32, #tpu.memory_space<hbm>>
          %dma_wait3A_297 = arith.constant 0 : i32
          %dma_wait3A_298 = tpu.memref_slice %arg8[%dma_wait3A_292, %dma_wait3A_297] : memref<4x200xi32, #tpu.memory_space<vmem>> -> memref<1x200xi32, #tpu.memory_space<vmem>>
          %dma_wait3A_299 = tpu.memref_squeeze %dma_wait3A_298 : memref<1x200xi32, #tpu.memory_space<vmem>> -> memref<200xi32, #tpu.memory_space<vmem>>
          %dma_wait3A_300 = tpu.memref_slice %arg2[%multiple_of3A_291] : memref<819200xi32, #tpu.memory_space<hbm>> -> memref<200xi32, #tpu.memory_space<hbm>>
          tpu.wait_dma2 semaphore(%arg19 : memref<!tpu.dma_semaphore, #tpu.memory_space<semaphore_mem>>) src(%dma_wait3A_300 : memref<200xi32, #tpu.memory_space<hbm>>) dst(%dma_wait3A_299 : memref<200xi32, #tpu.memory_space<vmem>>)
          %ge3A = arith.constant 2 : i32
          %ge3A_301 = arith.cmpi sge, %scan3A_195, %ge3A : i32
          %convert_element_type3A_302 = arith.extui %ge3A_301 : i1 to i32
          %cond3A_303 = arith.constant 0 : i32
          %cond3A_304 = arith.cmpi ne, %convert_element_type3A_302, %cond3A_303 : i32
          scf.if %cond3A_304 {
            %sub3A = arith.constant 2 : i32
            %sub3A_317 = arith.subi %scan3A_195, %sub3A : i32
            %add3A_318 = arith.addi %mul3A_2, %sub3A_317 : i32
            %dma_wait3A_319 = arith.constant 0 : i32
            %dma_wait3A_320 = arith.constant 0 : i32
            %dma_wait3A_321 = arith.constant 0 : i32
            %dma_wait3A_322 = tpu.memref_slice %arg12[%dma_wait3A_319, %dma_wait3A_320, %dma_wait3A_321] : memref<4x200x64xf32, #tpu.memory_space<vmem>> -> memref<1x200x64xf32, #tpu.memory_space<vmem>>
            %dma_wait3A_323 = tpu.memref_squeeze %dma_wait3A_322 : memref<1x200x64xf32, #tpu.memory_space<vmem>> -> memref<200x64xf32, #tpu.memory_space<vmem>>
            %dma_wait3A_324 = arith.constant 0 : i32
            %dma_wait3A_325 = arith.constant 0 : i32
            %dma_wait3A_326 = tpu.memref_slice %arg7[%add3A_318, %dma_wait3A_324, %dma_wait3A_325] : memref<4096x200x64xf32, #tpu.memory_space<hbm>> -> memref<1x200x64xf32, #tpu.memory_space<hbm>>
            %dma_wait3A_327 = tpu.memref_squeeze %dma_wait3A_326 : memref<1x200x64xf32, #tpu.memory_space<hbm>> -> memref<200x64xf32, #tpu.memory_space<hbm>>
            %dma_wait3A_328 = arith.constant 0 : i32
            %dma_wait3A_329 = arith.constant 0 : i32
            %dma_wait3A_330 = tpu.memref_slice %arg7[%add3A_318, %dma_wait3A_328, %dma_wait3A_329] : memref<4096x200x64xf32, #tpu.memory_space<hbm>> -> memref<1x200x64xf32, #tpu.memory_space<hbm>>
            %dma_wait3A_331 = tpu.memref_squeeze %dma_wait3A_330 : memref<1x200x64xf32, #tpu.memory_space<hbm>> -> memref<200x64xf32, #tpu.memory_space<hbm>>
            %dma_wait3A_332 = arith.constant 0 : i32
            %dma_wait3A_333 = arith.constant 0 : i32
            %dma_wait3A_334 = tpu.memref_slice %arg12[%dma_wait3A_319, %dma_wait3A_332, %dma_wait3A_333] : memref<4x200x64xf32, #tpu.memory_space<vmem>> -> memref<1x200x64xf32, #tpu.memory_space<vmem>>
            %dma_wait3A_335 = tpu.memref_squeeze %dma_wait3A_334 : memref<1x200x64xf32, #tpu.memory_space<vmem>> -> memref<200x64xf32, #tpu.memory_space<vmem>>
            tpu.wait_dma2 semaphore(%arg15 : memref<!tpu.dma_semaphore, #tpu.memory_space<semaphore_mem>>) src(%dma_wait3A_335 : memref<200x64xf32, #tpu.memory_space<vmem>>) dst(%dma_wait3A_331 : memref<200x64xf32, #tpu.memory_space<hbm>>)
          } else {
          }
          %dma_start3A_305 = arith.constant 0 : i32
          %dma_start3A_306 = arith.constant 0 : i32
          %dma_start3A_307 = arith.constant 0 : i32
          %dma_start3A_308 = arith.constant 0 : i32
          %dma_start3A_309 = tpu.memref_slice %arg12[%dma_start3A_306, %dma_start3A_307, %dma_start3A_308] : memref<4x200x64xf32, #tpu.memory_space<vmem>> -> memref<1x200x64xf32, #tpu.memory_space<vmem>>
          %dma_start3A_310 = tpu.memref_squeeze %dma_start3A_309 : memref<1x200x64xf32, #tpu.memory_space<vmem>> -> memref<200x64xf32, #tpu.memory_space<vmem>>
          %dma_start3A_311 = arith.constant 0 : i32
          %dma_start3A_312 = tpu.memref_slice %arg8[%dma_start3A_305, %dma_start3A_311] : memref<4x200xi32, #tpu.memory_space<vmem>> -> memref<1x200xi32, #tpu.memory_space<vmem>>
          %dma_start3A_313 = tpu.memref_squeeze %dma_start3A_312 : memref<1x200xi32, #tpu.memory_space<vmem>> -> memref<200xi32, #tpu.memory_space<vmem>>
          %dma_start3A_314 = arith.constant 0 : i32
          %dma_start3A_315 = arith.constant 0 : i32
          %dma_start3A_316 = tpu.memref_slice %arg4[%dma_start3A_314, %dma_start3A_315] : memref<212992x64xf32, #tpu.memory_space<hbm>> -> memref<212992x64xf32, #tpu.memory_space<hbm>>
          tpu.enqueue_indirect_dma source(%dma_start3A_316 : memref<212992x64xf32, #tpu.memory_space<hbm>>) target(%dma_start3A_310 : memref<200x64xf32, #tpu.memory_space<vmem>>) offsets(%dma_start3A_313 : memref<200xi32, #tpu.memory_space<vmem>>) semaphore(%arg13 : memref<!tpu.dma_semaphore, #tpu.memory_space<semaphore_mem>>)
        } else {
        }
        %add3A_279 = arith.constant 4 : i32
        %add3A_280 = arith.addi %scan3A_195, %add3A_279 : i32
        %lt3A_281 = arith.constant 128 : i32
        %lt3A_282 = arith.cmpi slt, %add3A_280, %lt3A_281 : i32
        %convert_element_type3A_283 = arith.extui %lt3A_282 : i1 to i32
        %cond3A_284 = arith.constant 0 : i32
        %cond3A_285 = arith.cmpi ne, %convert_element_type3A_283, %cond3A_284 : i32
        scf.if %cond3A_285 {
          %add3A_286 = arith.constant 4 : i32
          %add3A_287 = arith.addi %scan3A_195, %add3A_286 : i32
          %add3A_288 = arith.addi %mul3A_2, %add3A_287 : i32
          %mul3A_289 = arith.constant 200 : i32
          %mul3A_290 = arith.muli %add3A_288, %mul3A_289 : i32
          %multiple_of3A_291 = tpu.assume_multiple %mul3A_290, 8 : i32
          %dma_start3A_292 = arith.constant 2 : i32
          %dma_start3A_293 = arith.constant 0 : i32
          %dma_start3A_294 = tpu.memref_slice %arg8[%dma_start3A_292, %dma_start3A_293] : memref<4x200xi32, #tpu.memory_space<vmem>> -> memref<1x200xi32, #tpu.memory_space<vmem>>
          %dma_start3A_295 = tpu.memref_squeeze %dma_start3A_294 : memref<1x200xi32, #tpu.memory_space<vmem>> -> memref<200xi32, #tpu.memory_space<vmem>>
          %dma_start3A_296 = tpu.memref_slice %arg2[%multiple_of3A_291] : memref<819200xi32, #tpu.memory_space<hbm>> -> memref<200xi32, #tpu.memory_space<hbm>>
          %dma_start3A_297 = arith.constant 0 : i32
          %dma_start3A_298 = tpu.memref_slice %arg8[%dma_start3A_292, %dma_start3A_297] : memref<4x200xi32, #tpu.memory_space<vmem>> -> memref<1x200xi32, #tpu.memory_space<vmem>>
          %dma_start3A_299 = tpu.memref_squeeze %dma_start3A_298 : memref<1x200xi32, #tpu.memory_space<vmem>> -> memref<200xi32, #tpu.memory_space<vmem>>
          %dma_start3A_300 = tpu.memref_slice %arg2[%multiple_of3A_291] : memref<819200xi32, #tpu.memory_space<hbm>> -> memref<200xi32, #tpu.memory_space<hbm>>
          tpu.enqueue_dma source(%dma_start3A_300 : memref<200xi32, #tpu.memory_space<hbm>>) target(%dma_start3A_299 : memref<200xi32, #tpu.memory_space<vmem>>) target_semaphore(%arg21 : memref<!tpu.dma_semaphore, #tpu.memory_space<semaphore_mem>>)
        } else {
        }
      } else {
      }
      %eq3A_209 = arith.constant 3 : i32
      %eq3A_210 = arith.cmpi eq, %rem3A_196, %eq3A_209 : i32
      %convert_element_type3A_211 = arith.extui %eq3A_210 : i1 to i32
      %cond3A_212 = arith.constant 0 : i32
      %cond3A_213 = arith.cmpi ne, %convert_element_type3A_211, %cond3A_212 : i32
      scf.if %cond3A_213 {
        %dma_wait3A_214 = arith.constant 0 : i32
        %dma_wait3A_215 = arith.constant 3 : i32
        %dma_wait3A_216 = arith.constant 0 : i32
        %dma_wait3A_217 = arith.constant 0 : i32
        %dma_wait3A_218 = tpu.memref_slice %arg12[%dma_wait3A_215, %dma_wait3A_216, %dma_wait3A_217] : memref<4x200x64xf32, #tpu.memory_space<vmem>> -> memref<1x200x64xf32, #tpu.memory_space<vmem>>
        %dma_wait3A_219 = tpu.memref_squeeze %dma_wait3A_218 : memref<1x200x64xf32, #tpu.memory_space<vmem>> -> memref<200x64xf32, #tpu.memory_space<vmem>>
        %dma_wait3A_220 = arith.constant 0 : i32
        %dma_wait3A_221 = tpu.memref_slice %arg8[%dma_wait3A_214, %dma_wait3A_220] : memref<4x200xi32, #tpu.memory_space<vmem>> -> memref<1x200xi32, #tpu.memory_space<vmem>>
        %dma_wait3A_222 = tpu.memref_squeeze %dma_wait3A_221 : memref<1x200xi32, #tpu.memory_space<vmem>> -> memref<200xi32, #tpu.memory_space<vmem>>
        %dma_wait3A_223 = arith.constant 0 : i32
        %dma_wait3A_224 = arith.constant 0 : i32
        %dma_wait3A_225 = tpu.memref_slice %arg4[%dma_wait3A_223, %dma_wait3A_224] : memref<212992x64xf32, #tpu.memory_space<hbm>> -> memref<212992x64xf32, #tpu.memory_space<hbm>>
        tpu.wait_indirect_dma semaphore(%arg14 : memref<!tpu.dma_semaphore, #tpu.memory_space<semaphore_mem>>) src(%dma_wait3A_225 : memref<212992x64xf32, #tpu.memory_space<hbm>>) dst(%dma_wait3A_219 : memref<200x64xf32, #tpu.memory_space<vmem>>)
        %get3A = arith.index_cast %scan3A_195 : i32 to index
        %get3A_226 = arith.constant 0 : index
        %get3A_227 = tpu.vector_load %arg10[%get3A, %get3A_226] {strides = array<i32>} : memref<128x64xf32, #tpu.memory_space<vmem>>, vector<1x16xf32>,
        %get3A_228 = vector.shape_cast %get3A_227 : vector<1x16xf32> to vector<16xf32>
        %mul3A_229 = arith.constant 1.000000e+01 : f32
        %mul3A_230 = vector.broadcast %mul3A_229 : f32 to vector<16xf32>
        %mul3A_231 = arith.mulf %get3A_228, %mul3A_230 : vector<16xf32>
        %get3A_232 = arith.index_cast %scan3A_195 : i32 to index
        %get3A_233 = arith.constant 16 : index
        %get3A_234 = tpu.vector_load %arg10[%get3A_232, %get3A_233] {strides = array<i32>} : memref<128x64xf32, #tpu.memory_space<vmem>>, vector<1x16xf32>,
        %get3A_235 = vector.shape_cast %get3A_234 : vector<1x16xf32> to vector<16xf32>
        %mul3A_236 = arith.constant 1.000000e+01 : f32
        %mul3A_237 = vector.broadcast %mul3A_236 : f32 to vector<16xf32>
        %mul3A_238 = arith.mulf %get3A_235, %mul3A_237 : vector<16xf32>
        %get3A_239 = arith.index_cast %scan3A_195 : i32 to index
        %get3A_240 = arith.constant 32 : index
        %get3A_241 = tpu.vector_load %arg10[%get3A_239, %get3A_240] {strides = array<i32>} : memref<128x64xf32, #tpu.memory_space<vmem>>, vector<1x16xf32>,
        %get3A_242 = vector.shape_cast %get3A_241 : vector<1x16xf32> to vector<16xf32>
        %mul3A_243 = arith.constant 1.000000e+01 : f32
        %mul3A_244 = vector.broadcast %mul3A_243 : f32 to vector<16xf32>
        %mul3A_245 = arith.mulf %get3A_242, %mul3A_244 : vector<16xf32>
        %get3A_246 = arith.index_cast %scan3A_195 : i32 to index
        %get3A_247 = arith.constant 48 : index
        %get3A_248 = tpu.vector_load %arg10[%get3A_246, %get3A_247] {strides = array<i32>} : memref<128x64xf32, #tpu.memory_space<vmem>>, vector<1x16xf32>,
        %get3A_249 = vector.shape_cast %get3A_248 : vector<1x16xf32> to vector<16xf32>
        %mul3A_250 = arith.constant 1.000000e+01 : f32
        %mul3A_251 = vector.broadcast %mul3A_250 : f32 to vector<16xf32>
        %mul3A_252 = arith.mulf %get3A_249, %mul3A_251 : vector<16xf32>
        %parallel_loop3A = arith.constant 0 : i32
        %parallel_loop3A_253 = arith.constant 200 : i32
        %parallel_loop3A_254 = arith.constant 1 : i32
        scf.for %parallel_loop3A_286 = %parallel_loop3A to %parallel_loop3A_253 step %parallel_loop3A_254  : i32 {
          %parallel_loop3A_287 = arith.index_cast %parallel_loop3A_286 : i32 to index
          %parallel_loop3A_288 = arith.constant 0 : index
          %parallel_loop3A_289 = tpu.vector_load %arg11[%parallel_loop3A_287, %parallel_loop3A_288] {strides = array<i32>} : memref<200x64xf32, #tpu.memory_space<vmem>>, vector<1x16xf32>,
          %parallel_loop3A_290 = vector.shape_cast %parallel_loop3A_289 : vector<1x16xf32> to vector<16xf32>
          %parallel_loop3A_291 = arith.addf %parallel_loop3A_290, %mul3A_231 : vector<16xf32>
          %parallel_loop3A_292 = arith.constant 3 : i32
          %parallel_loop3A_293 = arith.index_cast %parallel_loop3A_292 : i32 to index
          %parallel_loop3A_294 = arith.index_cast %parallel_loop3A_286 : i32 to index
          %parallel_loop3A_295 = arith.constant 0 : index
          %parallel_loop3A_296 = tpu.vector_load %arg12[%parallel_loop3A_293, %parallel_loop3A_294, %parallel_loop3A_295] {strides = array<i32>} : memref<4x200x64xf32, #tpu.memory_space<vmem>>, vector<1x1x16xf32>,
          %parallel_loop3A_297 = vector.shape_cast %parallel_loop3A_296 : vector<1x1x16xf32> to vector<16xf32>
          %parallel_loop3A_298 = vector.shape_cast %parallel_loop3A_291 : vector<16xf32> to vector<1x1x16xf32>
          tpu.vector_store %arg12[%parallel_loop3A_293, %parallel_loop3A_294, %parallel_loop3A_295], %parallel_loop3A_298 {add = true, strides = array<i32>} : memref<4x200x64xf32, #tpu.memory_space<vmem>>, vector<1x1x16xf32>,
          %parallel_loop3A_299 = arith.index_cast %parallel_loop3A_286 : i32 to index
          %parallel_loop3A_300 = arith.constant 16 : index
          %parallel_loop3A_301 = tpu.vector_load %arg11[%parallel_loop3A_299, %parallel_loop3A_300] {strides = array<i32>} : memref<200x64xf32, #tpu.memory_space<vmem>>, vector<1x16xf32>,
          %parallel_loop3A_302 = vector.shape_cast %parallel_loop3A_301 : vector<1x16xf32> to vector<16xf32>
          %parallel_loop3A_303 = arith.addf %parallel_loop3A_302, %mul3A_238 : vector<16xf32>
          %parallel_loop3A_304 = arith.constant 3 : i32
          %parallel_loop3A_305 = arith.index_cast %parallel_loop3A_304 : i32 to index
          %parallel_loop3A_306 = arith.index_cast %parallel_loop3A_286 : i32 to index
          %parallel_loop3A_307 = arith.constant 16 : index
          %parallel_loop3A_308 = tpu.vector_load %arg12[%parallel_loop3A_305, %parallel_loop3A_306, %parallel_loop3A_307] {strides = array<i32>} : memref<4x200x64xf32, #tpu.memory_space<vmem>>, vector<1x1x16xf32>,
          %parallel_loop3A_309 = vector.shape_cast %parallel_loop3A_308 : vector<1x1x16xf32> to vector<16xf32>
          %parallel_loop3A_310 = vector.shape_cast %parallel_loop3A_303 : vector<16xf32> to vector<1x1x16xf32>
          tpu.vector_store %arg12[%parallel_loop3A_305, %parallel_loop3A_306, %parallel_loop3A_307], %parallel_loop3A_310 {add = true, strides = array<i32>} : memref<4x200x64xf32, #tpu.memory_space<vmem>>, vector<1x1x16xf32>,
          %parallel_loop3A_311 = arith.index_cast %parallel_loop3A_286 : i32 to index
          %parallel_loop3A_312 = arith.constant 32 : index
          %parallel_loop3A_313 = tpu.vector_load %arg11[%parallel_loop3A_311, %parallel_loop3A_312] {strides = array<i32>} : memref<200x64xf32, #tpu.memory_space<vmem>>, vector<1x16xf32>,
          %parallel_loop3A_314 = vector.shape_cast %parallel_loop3A_313 : vector<1x16xf32> to vector<16xf32>
          %parallel_loop3A_315 = arith.addf %parallel_loop3A_314, %mul3A_245 : vector<16xf32>
          %parallel_loop3A_316 = arith.constant 3 : i32
          %parallel_loop3A_317 = arith.index_cast %parallel_loop3A_316 : i32 to index
          %parallel_loop3A_318 = arith.index_cast %parallel_loop3A_286 : i32 to index
          %parallel_loop3A_319 = arith.constant 32 : index
          %parallel_loop3A_320 = tpu.vector_load %arg12[%parallel_loop3A_317, %parallel_loop3A_318, %parallel_loop3A_319] {strides = array<i32>} : memref<4x200x64xf32, #tpu.memory_space<vmem>>, vector<1x1x16xf32>,
          %parallel_loop3A_321 = vector.shape_cast %parallel_loop3A_320 : vector<1x1x16xf32> to vector<16xf32>
          %parallel_loop3A_322 = vector.shape_cast %parallel_loop3A_315 : vector<16xf32> to vector<1x1x16xf32>
          tpu.vector_store %arg12[%parallel_loop3A_317, %parallel_loop3A_318, %parallel_loop3A_319], %parallel_loop3A_322 {add = true, strides = array<i32>} : memref<4x200x64xf32, #tpu.memory_space<vmem>>, vector<1x1x16xf32>,
          %parallel_loop3A_323 = arith.index_cast %parallel_loop3A_286 : i32 to index
          %parallel_loop3A_324 = arith.constant 48 : index
          %parallel_loop3A_325 = tpu.vector_load %arg11[%parallel_loop3A_323, %parallel_loop3A_324] {strides = array<i32>} : memref<200x64xf32, #tpu.memory_space<vmem>>, vector<1x16xf32>,
          %parallel_loop3A_326 = vector.shape_cast %parallel_loop3A_325 : vector<1x16xf32> to vector<16xf32>
          %parallel_loop3A_327 = arith.addf %parallel_loop3A_326, %mul3A_252 : vector<16xf32>
          %parallel_loop3A_328 = arith.constant 3 : i32
          %parallel_loop3A_329 = arith.index_cast %parallel_loop3A_328 : i32 to index
          %parallel_loop3A_330 = arith.index_cast %parallel_loop3A_286 : i32 to index
          %parallel_loop3A_331 = arith.constant 48 : index
          %parallel_loop3A_332 = tpu.vector_load %arg12[%parallel_loop3A_329, %parallel_loop3A_330, %parallel_loop3A_331] {strides = array<i32>} : memref<4x200x64xf32, #tpu.memory_space<vmem>>, vector<1x1x16xf32>,
          %parallel_loop3A_333 = vector.shape_cast %parallel_loop3A_332 : vector<1x1x16xf32> to vector<16xf32>
          %parallel_loop3A_334 = vector.shape_cast %parallel_loop3A_327 : vector<16xf32> to vector<1x1x16xf32>
          tpu.vector_store %arg12[%parallel_loop3A_329, %parallel_loop3A_330, %parallel_loop3A_331], %parallel_loop3A_334 {add = true, strides = array<i32>} : memref<4x200x64xf32, #tpu.memory_space<vmem>>, vector<1x1x16xf32>,
        } {sc.loop_unroll_factor = 2 : i64, sc.parallel_access}
        %add3A_255 = arith.addi %mul3A_2, %scan3A_195 : i32
        %dma_start3A_256 = arith.constant 3 : i32
        %dma_start3A_257 = arith.constant 0 : i32
        %dma_start3A_258 = arith.constant 0 : i32
        %dma_start3A_259 = tpu.memref_slice %arg12[%dma_start3A_256, %dma_start3A_257, %dma_start3A_258] : memref<4x200x64xf32, #tpu.memory_space<vmem>> -> memref<1x200x64xf32, #tpu.memory_space<vmem>>
        %dma_start3A_260 = tpu.memref_squeeze %dma_start3A_259 : memref<1x200x64xf32, #tpu.memory_space<vmem>> -> memref<200x64xf32, #tpu.memory_space<vmem>>
        %dma_start3A_261 = arith.constant 0 : i32
        %dma_start3A_262 = arith.constant 0 : i32
        %dma_start3A_263 = tpu.memref_slice %arg7[%add3A_255, %dma_start3A_261, %dma_start3A_262] : memref<4096x200x64xf32, #tpu.memory_space<hbm>> -> memref<1x200x64xf32, #tpu.memory_space<hbm>>
        %dma_start3A_264 = tpu.memref_squeeze %dma_start3A_263 : memref<1x200x64xf32, #tpu.memory_space<hbm>> -> memref<200x64xf32, #tpu.memory_space<hbm>>
        %dma_start3A_265 = arith.constant 0 : i32
        %dma_start3A_266 = arith.constant 0 : i32
        %dma_start3A_267 = tpu.memref_slice %arg7[%add3A_255, %dma_start3A_265, %dma_start3A_266] : memref<4096x200x64xf32, #tpu.memory_space<hbm>> -> memref<1x200x64xf32, #tpu.memory_space<hbm>>
        %dma_start3A_268 = tpu.memref_squeeze %dma_start3A_267 : memref<1x200x64xf32, #tpu.memory_space<hbm>> -> memref<200x64xf32, #tpu.memory_space<hbm>>
        %dma_start3A_269 = arith.constant 0 : i32
        %dma_start3A_270 = arith.constant 0 : i32
        %dma_start3A_271 = tpu.memref_slice %arg12[%dma_start3A_256, %dma_start3A_269, %dma_start3A_270] : memref<4x200x64xf32, #tpu.memory_space<vmem>> -> memref<1x200x64xf32, #tpu.memory_space<vmem>>
        %dma_start3A_272 = tpu.memref_squeeze %dma_start3A_271 : memref<1x200x64xf32, #tpu.memory_space<vmem>> -> memref<200x64xf32, #tpu.memory_space<vmem>>
        tpu.enqueue_dma source(%dma_start3A_272 : memref<200x64xf32, #tpu.memory_space<vmem>>) target(%dma_start3A_268 : memref<200x64xf32, #tpu.memory_space<hbm>>) target_semaphore(%arg18 : memref<!tpu.dma_semaphore, #tpu.memory_space<semaphore_mem>>)
        %add3A_273 = arith.constant 2 : i32
        %add3A_274 = arith.addi %scan3A_195, %add3A_273 : i32
        %lt3A = arith.constant 128 : i32
        %lt3A_275 = arith.cmpi slt, %add3A_274, %lt3A : i32
        %convert_element_type3A_276 = arith.extui %lt3A_275 : i1 to i32
        %cond3A_277 = arith.constant 0 : i32
        %cond3A_278 = arith.cmpi ne, %convert_element_type3A_276, %cond3A_277 : i32
        scf.if %cond3A_278 {
          %add3A_286 = arith.constant 2 : i32
          %add3A_287 = arith.addi %scan3A_195, %add3A_286 : i32
          %add3A_288 = arith.addi %mul3A_2, %add3A_287 : i32
          %mul3A_289 = arith.constant 200 : i32
          %mul3A_290 = arith.muli %add3A_288, %mul3A_289 : i32
          %multiple_of3A_291 = tpu.assume_multiple %mul3A_290, 8 : i32
          %dma_wait3A_292 = arith.constant 1 : i32
          %dma_wait3A_293 = arith.constant 0 : i32
          %dma_wait3A_294 = tpu.memref_slice %arg8[%dma_wait3A_292, %dma_wait3A_293] : memref<4x200xi32, #tpu.memory_space<vmem>> -> memref<1x200xi32, #tpu.memory_space<vmem>>
          %dma_wait3A_295 = tpu.memref_squeeze %dma_wait3A_294 : memref<1x200xi32, #tpu.memory_space<vmem>> -> memref<200xi32, #tpu.memory_space<vmem>>
          %dma_wait3A_296 = tpu.memref_slice %arg2[%multiple_of3A_291] : memref<819200xi32, #tpu.memory_space<hbm>> -> memref<200xi32, #tpu.memory_space<hbm>>
          %dma_wait3A_297 = arith.constant 0 : i32
          %dma_wait3A_298 = tpu.memref_slice %arg8[%dma_wait3A_292, %dma_wait3A_297] : memref<4x200xi32, #tpu.memory_space<vmem>> -> memref<1x200xi32, #tpu.memory_space<vmem>>
          %dma_wait3A_299 = tpu.memref_squeeze %dma_wait3A_298 : memref<1x200xi32, #tpu.memory_space<vmem>> -> memref<200xi32, #tpu.memory_space<vmem>>
          %dma_wait3A_300 = tpu.memref_slice %arg2[%multiple_of3A_291] : memref<819200xi32, #tpu.memory_space<hbm>> -> memref<200xi32, #tpu.memory_space<hbm>>
          tpu.wait_dma2 semaphore(%arg20 : memref<!tpu.dma_semaphore, #tpu.memory_space<semaphore_mem>>) src(%dma_wait3A_300 : memref<200xi32, #tpu.memory_space<hbm>>) dst(%dma_wait3A_299 : memref<200xi32, #tpu.memory_space<vmem>>)
          %ge3A = arith.constant 2 : i32
          %ge3A_301 = arith.cmpi sge, %scan3A_195, %ge3A : i32
          %convert_element_type3A_302 = arith.extui %ge3A_301 : i1 to i32
          %cond3A_303 = arith.constant 0 : i32
          %cond3A_304 = arith.cmpi ne, %convert_element_type3A_302, %cond3A_303 : i32
          scf.if %cond3A_304 {
            %sub3A = arith.constant 2 : i32
            %sub3A_317 = arith.subi %scan3A_195, %sub3A : i32
            %add3A_318 = arith.addi %mul3A_2, %sub3A_317 : i32
            %dma_wait3A_319 = arith.constant 1 : i32
            %dma_wait3A_320 = arith.constant 0 : i32
            %dma_wait3A_321 = arith.constant 0 : i32
            %dma_wait3A_322 = tpu.memref_slice %arg12[%dma_wait3A_319, %dma_wait3A_320, %dma_wait3A_321] : memref<4x200x64xf32, #tpu.memory_space<vmem>> -> memref<1x200x64xf32, #tpu.memory_space<vmem>>
            %dma_wait3A_323 = tpu.memref_squeeze %dma_wait3A_322 : memref<1x200x64xf32, #tpu.memory_space<vmem>> -> memref<200x64xf32, #tpu.memory_space<vmem>>
            %dma_wait3A_324 = arith.constant 0 : i32
            %dma_wait3A_325 = arith.constant 0 : i32
            %dma_wait3A_326 = tpu.memref_slice %arg7[%add3A_318, %dma_wait3A_324, %dma_wait3A_325] : memref<4096x200x64xf32, #tpu.memory_space<hbm>> -> memref<1x200x64xf32, #tpu.memory_space<hbm>>
            %dma_wait3A_327 = tpu.memref_squeeze %dma_wait3A_326 : memref<1x200x64xf32, #tpu.memory_space<hbm>> -> memref<200x64xf32, #tpu.memory_space<hbm>>
            %dma_wait3A_328 = arith.constant 0 : i32
            %dma_wait3A_329 = arith.constant 0 : i32
            %dma_wait3A_330 = tpu.memref_slice %arg7[%add3A_318, %dma_wait3A_328, %dma_wait3A_329] : memref<4096x200x64xf32, #tpu.memory_space<hbm>> -> memref<1x200x64xf32, #tpu.memory_space<hbm>>
            %dma_wait3A_331 = tpu.memref_squeeze %dma_wait3A_330 : memref<1x200x64xf32, #tpu.memory_space<hbm>> -> memref<200x64xf32, #tpu.memory_space<hbm>>
            %dma_wait3A_332 = arith.constant 0 : i32
            %dma_wait3A_333 = arith.constant 0 : i32
            %dma_wait3A_334 = tpu.memref_slice %arg12[%dma_wait3A_319, %dma_wait3A_332, %dma_wait3A_333] : memref<4x200x64xf32, #tpu.memory_space<vmem>> -> memref<1x200x64xf32, #tpu.memory_space<vmem>>
            %dma_wait3A_335 = tpu.memref_squeeze %dma_wait3A_334 : memref<1x200x64xf32, #tpu.memory_space<vmem>> -> memref<200x64xf32, #tpu.memory_space<vmem>>
            tpu.wait_dma2 semaphore(%arg16 : memref<!tpu.dma_semaphore, #tpu.memory_space<semaphore_mem>>) src(%dma_wait3A_335 : memref<200x64xf32, #tpu.memory_space<vmem>>) dst(%dma_wait3A_331 : memref<200x64xf32, #tpu.memory_space<hbm>>)
          } else {
          }
          %dma_start3A_305 = arith.constant 1 : i32
          %dma_start3A_306 = arith.constant 1 : i32
          %dma_start3A_307 = arith.constant 0 : i32
          %dma_start3A_308 = arith.constant 0 : i32
          %dma_start3A_309 = tpu.memref_slice %arg12[%dma_start3A_306, %dma_start3A_307, %dma_start3A_308] : memref<4x200x64xf32, #tpu.memory_space<vmem>> -> memref<1x200x64xf32, #tpu.memory_space<vmem>>
          %dma_start3A_310 = tpu.memref_squeeze %dma_start3A_309 : memref<1x200x64xf32, #tpu.memory_space<vmem>> -> memref<200x64xf32, #tpu.memory_space<vmem>>
          %dma_start3A_311 = arith.constant 0 : i32
          %dma_start3A_312 = tpu.memref_slice %arg8[%dma_start3A_305, %dma_start3A_311] : memref<4x200xi32, #tpu.memory_space<vmem>> -> memref<1x200xi32, #tpu.memory_space<vmem>>
          %dma_start3A_313 = tpu.memref_squeeze %dma_start3A_312 : memref<1x200xi32, #tpu.memory_space<vmem>> -> memref<200xi32, #tpu.memory_space<vmem>>
          %dma_start3A_314 = arith.constant 0 : i32
          %dma_start3A_315 = arith.constant 0 : i32
          %dma_start3A_316 = tpu.memref_slice %arg4[%dma_start3A_314, %dma_start3A_315] : memref<212992x64xf32, #tpu.memory_space<hbm>> -> memref<212992x64xf32, #tpu.memory_space<hbm>>
          tpu.enqueue_indirect_dma source(%dma_start3A_316 : memref<212992x64xf32, #tpu.memory_space<hbm>>) target(%dma_start3A_310 : memref<200x64xf32, #tpu.memory_space<vmem>>) offsets(%dma_start3A_313 : memref<200xi32, #tpu.memory_space<vmem>>) semaphore(%arg14 : memref<!tpu.dma_semaphore, #tpu.memory_space<semaphore_mem>>)
        } else {
        }
        %add3A_279 = arith.constant 4 : i32
        %add3A_280 = arith.addi %scan3A_195, %add3A_279 : i32
        %lt3A_281 = arith.constant 128 : i32
        %lt3A_282 = arith.cmpi slt, %add3A_280, %lt3A_281 : i32
        %convert_element_type3A_283 = arith.extui %lt3A_282 : i1 to i32
        %cond3A_284 = arith.constant 0 : i32
        %cond3A_285 = arith.cmpi ne, %convert_element_type3A_283, %cond3A_284 : i32
        scf.if %cond3A_285 {
          %add3A_286 = arith.constant 4 : i32
          %add3A_287 = arith.addi %scan3A_195, %add3A_286 : i32
          %add3A_288 = arith.addi %mul3A_2, %add3A_287 : i32
          %mul3A_289 = arith.constant 200 : i32
          %mul3A_290 = arith.muli %add3A_288, %mul3A_289 : i32
          %multiple_of3A_291 = tpu.assume_multiple %mul3A_290, 8 : i32
          %dma_start3A_292 = arith.constant 3 : i32
          %dma_start3A_293 = arith.constant 0 : i32
          %dma_start3A_294 = tpu.memref_slice %arg8[%dma_start3A_292, %dma_start3A_293] : memref<4x200xi32, #tpu.memory_space<vmem>> -> memref<1x200xi32, #tpu.memory_space<vmem>>
          %dma_start3A_295 = tpu.memref_squeeze %dma_start3A_294 : memref<1x200xi32, #tpu.memory_space<vmem>> -> memref<200xi32, #tpu.memory_space<vmem>>
          %dma_start3A_296 = tpu.memref_slice %arg2[%multiple_of3A_291] : memref<819200xi32, #tpu.memory_space<hbm>> -> memref<200xi32, #tpu.memory_space<hbm>>
          %dma_start3A_297 = arith.constant 0 : i32
          %dma_start3A_298 = tpu.memref_slice %arg8[%dma_start3A_292, %dma_start3A_297] : memref<4x200xi32, #tpu.memory_space<vmem>> -> memref<1x200xi32, #tpu.memory_space<vmem>>
          %dma_start3A_299 = tpu.memref_squeeze %dma_start3A_298 : memref<1x200xi32, #tpu.memory_space<vmem>> -> memref<200xi32, #tpu.memory_space<vmem>>
          %dma_start3A_300 = tpu.memref_slice %arg2[%multiple_of3A_291] : memref<819200xi32, #tpu.memory_space<hbm>> -> memref<200xi32, #tpu.memory_space<hbm>>
          tpu.enqueue_dma source(%dma_start3A_300 : memref<200xi32, #tpu.memory_space<hbm>>) target(%dma_start3A_299 : memref<200xi32, #tpu.memory_space<vmem>>) target_semaphore(%arg22 : memref<!tpu.dma_semaphore, #tpu.memory_space<semaphore_mem>>)
        } else {
        }
      } else {
      }
    }
    %scan3A_118 = arith.constant 128 : i32
    %add3A_119 = arith.constant 124 : i32
    %add3A_120 = arith.addi %mul3A_2, %add3A_119 : i32
    %dma_wait3A_121 = arith.constant 0 : i32
    %dma_wait3A_122 = arith.constant 0 : i32
    %dma_wait3A_123 = arith.constant 0 : i32
    %dma_wait3A_124 = tpu.memref_slice %arg12[%dma_wait3A_121, %dma_wait3A_122, %dma_wait3A_123] : memref<4x200x64xf32, #tpu.memory_space<vmem>> -> memref<1x200x64xf32, #tpu.memory_space<vmem>>
    %dma_wait3A_125 = tpu.memref_squeeze %dma_wait3A_124 : memref<1x200x64xf32, #tpu.memory_space<vmem>> -> memref<200x64xf32, #tpu.memory_space<vmem>>
    %dma_wait3A_126 = arith.constant 0 : i32
    %dma_wait3A_127 = arith.constant 0 : i32
    %dma_wait3A_128 = tpu.memref_slice %arg7[%add3A_120, %dma_wait3A_126, %dma_wait3A_127] : memref<4096x200x64xf32, #tpu.memory_space<hbm>> -> memref<1x200x64xf32, #tpu.memory_space<hbm>>
    %dma_wait3A_129 = tpu.memref_squeeze %dma_wait3A_128 : memref<1x200x64xf32, #tpu.memory_space<hbm>> -> memref<200x64xf32, #tpu.memory_space<hbm>>
    %dma_wait3A_130 = arith.constant 0 : i32
    %dma_wait3A_131 = arith.constant 0 : i32
    %dma_wait3A_132 = tpu.memref_slice %arg7[%add3A_120, %dma_wait3A_130, %dma_wait3A_131] : memref<4096x200x64xf32, #tpu.memory_space<hbm>> -> memref<1x200x64xf32, #tpu.memory_space<hbm>>
    %dma_wait3A_133 = tpu.memref_squeeze %dma_wait3A_132 : memref<1x200x64xf32, #tpu.memory_space<hbm>> -> memref<200x64xf32, #tpu.memory_space<hbm>>
    %dma_wait3A_134 = arith.constant 0 : i32
    %dma_wait3A_135 = arith.constant 0 : i32
    %dma_wait3A_136 = tpu.memref_slice %arg12[%dma_wait3A_121, %dma_wait3A_134, %dma_wait3A_135] : memref<4x200x64xf32, #tpu.memory_space<vmem>> -> memref<1x200x64xf32, #tpu.memory_space<vmem>>
    %dma_wait3A_137 = tpu.memref_squeeze %dma_wait3A_136 : memref<1x200x64xf32, #tpu.memory_space<vmem>> -> memref<200x64xf32, #tpu.memory_space<vmem>>
    tpu.wait_dma2 semaphore(%arg15 : memref<!tpu.dma_semaphore, #tpu.memory_space<semaphore_mem>>) src(%dma_wait3A_137 : memref<200x64xf32, #tpu.memory_space<vmem>>) dst(%dma_wait3A_133 : memref<200x64xf32, #tpu.memory_space<hbm>>)
    %add3A_138 = arith.constant 125 : i32
    %add3A_139 = arith.addi %mul3A_2, %add3A_138 : i32
    %dma_wait3A_140 = arith.constant 1 : i32
    %dma_wait3A_141 = arith.constant 0 : i32
    %dma_wait3A_142 = arith.constant 0 : i32
    %dma_wait3A_143 = tpu.memref_slice %arg12[%dma_wait3A_140, %dma_wait3A_141, %dma_wait3A_142] : memref<4x200x64xf32, #tpu.memory_space<vmem>> -> memref<1x200x64xf32, #tpu.memory_space<vmem>>
    %dma_wait3A_144 = tpu.memref_squeeze %dma_wait3A_143 : memref<1x200x64xf32, #tpu.memory_space<vmem>> -> memref<200x64xf32, #tpu.memory_space<vmem>>
    %dma_wait3A_145 = arith.constant 0 : i32
    %dma_wait3A_146 = arith.constant 0 : i32
    %dma_wait3A_147 = tpu.memref_slice %arg7[%add3A_139, %dma_wait3A_145, %dma_wait3A_146] : memref<4096x200x64xf32, #tpu.memory_space<hbm>> -> memref<1x200x64xf32, #tpu.memory_space<hbm>>
    %dma_wait3A_148 = tpu.memref_squeeze %dma_wait3A_147 : memref<1x200x64xf32, #tpu.memory_space<hbm>> -> memref<200x64xf32, #tpu.memory_space<hbm>>
    %dma_wait3A_149 = arith.constant 0 : i32
    %dma_wait3A_150 = arith.constant 0 : i32
    %dma_wait3A_151 = tpu.memref_slice %arg7[%add3A_139, %dma_wait3A_149, %dma_wait3A_150] : memref<4096x200x64xf32, #tpu.memory_space<hbm>> -> memref<1x200x64xf32, #tpu.memory_space<hbm>>
    %dma_wait3A_152 = tpu.memref_squeeze %dma_wait3A_151 : memref<1x200x64xf32, #tpu.memory_space<hbm>> -> memref<200x64xf32, #tpu.memory_space<hbm>>
    %dma_wait3A_153 = arith.constant 0 : i32
    %dma_wait3A_154 = arith.constant 0 : i32
    %dma_wait3A_155 = tpu.memref_slice %arg12[%dma_wait3A_140, %dma_wait3A_153, %dma_wait3A_154] : memref<4x200x64xf32, #tpu.memory_space<vmem>> -> memref<1x200x64xf32, #tpu.memory_space<vmem>>
    %dma_wait3A_156 = tpu.memref_squeeze %dma_wait3A_155 : memref<1x200x64xf32, #tpu.memory_space<vmem>> -> memref<200x64xf32, #tpu.memory_space<vmem>>
    tpu.wait_dma2 semaphore(%arg16 : memref<!tpu.dma_semaphore, #tpu.memory_space<semaphore_mem>>) src(%dma_wait3A_156 : memref<200x64xf32, #tpu.memory_space<vmem>>) dst(%dma_wait3A_152 : memref<200x64xf32, #tpu.memory_space<hbm>>)
    %add3A_157 = arith.constant 126 : i32
    %add3A_158 = arith.addi %mul3A_2, %add3A_157 : i32
    %dma_wait3A_159 = arith.constant 2 : i32
    %dma_wait3A_160 = arith.constant 0 : i32
    %dma_wait3A_161 = arith.constant 0 : i32
    %dma_wait3A_162 = tpu.memref_slice %arg12[%dma_wait3A_159, %dma_wait3A_160, %dma_wait3A_161] : memref<4x200x64xf32, #tpu.memory_space<vmem>> -> memref<1x200x64xf32, #tpu.memory_space<vmem>>
    %dma_wait3A_163 = tpu.memref_squeeze %dma_wait3A_162 : memref<1x200x64xf32, #tpu.memory_space<vmem>> -> memref<200x64xf32, #tpu.memory_space<vmem>>
    %dma_wait3A_164 = arith.constant 0 : i32
    %dma_wait3A_165 = arith.constant 0 : i32
    %dma_wait3A_166 = tpu.memref_slice %arg7[%add3A_158, %dma_wait3A_164, %dma_wait3A_165] : memref<4096x200x64xf32, #tpu.memory_space<hbm>> -> memref<1x200x64xf32, #tpu.memory_space<hbm>>
    %dma_wait3A_167 = tpu.memref_squeeze %dma_wait3A_166 : memref<1x200x64xf32, #tpu.memory_space<hbm>> -> memref<200x64xf32, #tpu.memory_space<hbm>>
    %dma_wait3A_168 = arith.constant 0 : i32
    %dma_wait3A_169 = arith.constant 0 : i32
    %dma_wait3A_170 = tpu.memref_slice %arg7[%add3A_158, %dma_wait3A_168, %dma_wait3A_169] : memref<4096x200x64xf32, #tpu.memory_space<hbm>> -> memref<1x200x64xf32, #tpu.memory_space<hbm>>
    %dma_wait3A_171 = tpu.memref_squeeze %dma_wait3A_170 : memref<1x200x64xf32, #tpu.memory_space<hbm>> -> memref<200x64xf32, #tpu.memory_space<hbm>>
    %dma_wait3A_172 = arith.constant 0 : i32
    %dma_wait3A_173 = arith.constant 0 : i32
    %dma_wait3A_174 = tpu.memref_slice %arg12[%dma_wait3A_159, %dma_wait3A_172, %dma_wait3A_173] : memref<4x200x64xf32, #tpu.memory_space<vmem>> -> memref<1x200x64xf32, #tpu.memory_space<vmem>>
    %dma_wait3A_175 = tpu.memref_squeeze %dma_wait3A_174 : memref<1x200x64xf32, #tpu.memory_space<vmem>> -> memref<200x64xf32, #tpu.memory_space<vmem>>
    tpu.wait_dma2 semaphore(%arg17 : memref<!tpu.dma_semaphore, #tpu.memory_space<semaphore_mem>>) src(%dma_wait3A_175 : memref<200x64xf32, #tpu.memory_space<vmem>>) dst(%dma_wait3A_171 : memref<200x64xf32, #tpu.memory_space<hbm>>)
    %add3A_176 = arith.constant 127 : i32
    %add3A_177 = arith.addi %mul3A_2, %add3A_176 : i32
    %dma_wait3A_178 = arith.constant 3 : i32
    %dma_wait3A_179 = arith.constant 0 : i32
    %dma_wait3A_180 = arith.constant 0 : i32
    %dma_wait3A_181 = tpu.memref_slice %arg12[%dma_wait3A_178, %dma_wait3A_179, %dma_wait3A_180] : memref<4x200x64xf32, #tpu.memory_space<vmem>> -> memref<1x200x64xf32, #tpu.memory_space<vmem>>
    %dma_wait3A_182 = tpu.memref_squeeze %dma_wait3A_181 : memref<1x200x64xf32, #tpu.memory_space<vmem>> -> memref<200x64xf32, #tpu.memory_space<vmem>>
    %dma_wait3A_183 = arith.constant 0 : i32
    %dma_wait3A_184 = arith.constant 0 : i32
    %dma_wait3A_185 = tpu.memref_slice %arg7[%add3A_177, %dma_wait3A_183, %dma_wait3A_184] : memref<4096x200x64xf32, #tpu.memory_space<hbm>> -> memref<1x200x64xf32, #tpu.memory_space<hbm>>
    %dma_wait3A_186 = tpu.memref_squeeze %dma_wait3A_185 : memref<1x200x64xf32, #tpu.memory_space<hbm>> -> memref<200x64xf32, #tpu.memory_space<hbm>>
    %dma_wait3A_187 = arith.constant 0 : i32
    %dma_wait3A_188 = arith.constant 0 : i32
    %dma_wait3A_189 = tpu.memref_slice %arg7[%add3A_177, %dma_wait3A_187, %dma_wait3A_188] : memref<4096x200x64xf32, #tpu.memory_space<hbm>> -> memref<1x200x64xf32, #tpu.memory_space<hbm>>
    %dma_wait3A_190 = tpu.memref_squeeze %dma_wait3A_189 : memref<1x200x64xf32, #tpu.memory_space<hbm>> -> memref<200x64xf32, #tpu.memory_space<hbm>>
    %dma_wait3A_191 = arith.constant 0 : i32
    %dma_wait3A_192 = arith.constant 0 : i32
    %dma_wait3A_193 = tpu.memref_slice %arg12[%dma_wait3A_178, %dma_wait3A_191, %dma_wait3A_192] : memref<4x200x64xf32, #tpu.memory_space<vmem>> -> memref<1x200x64xf32, #tpu.memory_space<vmem>>
    %dma_wait3A_194 = tpu.memref_squeeze %dma_wait3A_193 : memref<1x200x64xf32, #tpu.memory_space<vmem>> -> memref<200x64xf32, #tpu.memory_space<vmem>>
    tpu.wait_dma2 semaphore(%arg18 : memref<!tpu.dma_semaphore, #tpu.memory_space<semaphore_mem>>) src(%dma_wait3A_194 : memref<200x64xf32, #tpu.memory_space<vmem>>) dst(%dma_wait3A_190 : memref<200x64xf32, #tpu.memory_space<hbm>>)
    return
  }
}

</mosaic_0001>

<sc_bundles>
// kernel: kernel.4.cloned.1.call-start
scs
__scs_entry_jumppad:
0x0: {  	(pc) =	sbr.rel $0x88, $3  }
0x1: {  	(tag) =	ssettag $0x0;
	lr =	simm.s32 $0x1  }
0x2: {  	[smem:$0x3F9A] =	sst lr;
	_ =	strace $0xD0000000  }
0x3: {  	_ = 	snop  }
0x4: {  	_ = 	snop  }
0x5: {  	_ = 	snop  }
0x6: {  	_ = 	snop  }
0x7: {  	_ = 	snop  }
__scs_overlays_trampoline_lowered:
0x8: {  	[smem:$0x3FA9] =	sst s0  }
0x9: {  	[smem:$0x3FAA] =	sst s1  }
0xa: {  	[smem:$0x3FAB] =	sst s2  }
0xb: {  	[smem:$0x3FAC] =	sst s3  }
0xc: {  	[smem:$0x3FAD] =	sst s4  }
0xd: {  	[smem:$0x3FAE] =	sst s5  }
0xe: {  	[smem:$0x3FAF] =	sst s6  }
0xf: {  	[smem:$0x3FB0] =	sst s7  }
0x10: {  	[smem:$0x3FB1] =	sst s8  }
0x11: {  	[smem:$0x3FB2] =	sst s9;
	s0 =	simm.s32 @!p0 $0x0  }
0x12: {  	s1 =	sld [smem:$0x3F98];
	s0 =	simm.s32 @p0 $0x1  }
0x13: {  	[smem:$0x3FB3] =	sst s0;
	s0 =	simm.s32 @!p1 $0x0  }
0x14: {  	s2 =	sld [smem:$0x3F97];
	s0 =	simm.s32 @p1 $0x1  }
0x15: {  	[smem:$0x3FB4] =	sst s0;
	s0 =	simm.s32 @!p2 $0x0  }
0x16: {  	s3 =	sld [smem:$0x3FDB];
	s0 =	simm.s32 @p2 $0x1  }
0x17: {  	s4 =	simm.s32 $0x1BF5;
	[smem:$0x3FB6] =	sst s0  }
0x18: {  	s0 =	sld [smem:$0x3F99];
	_ =	swait.ge [sflag:s4], $0x0  }
0x19: {  	s7 =	sld [smem:$0x3F9A]  }
0x1a: {  	s8 =	sadd.s32 $0xFFFFE003, lr  }
0x1b: {  	s9 =	sadd.s32 $0xFFFFFEF7, lr;
	s5 =	simm.s32 $0xFFFFFFFF;
	p2 =	slt.u32 s8, $0xFFFFF086  }
0x1c: {  	p1 =	slt.u32 s9, $0xF7A;
	s5 =	simm.s32 @!p2 $0x0  }
0x1d: {  	s5 =	simm.s32 @p1 $0x1;
	p0 =	seq.s32 s7, s2  }
0x1e: {  	s7 =	smul.u32 @!p0 $0xF7A, s2;
	p2 =	seq.s32 @!p0 s5, $0x0  }
0x1f: {  	s9 =	smul.u32 $0xF7A, s1;
	s8 =	simm.s32 @!p0 $0x1BF5;
	p2 =	por !p2, p0  }
0x20: {  	[sflag:s8] =	ssyncset.s32 @!p0 $0xFFFFF086;
	s6 =	sadd.s32 @!p0 s3, s7;
	s7 =	simm.s32 @!p0 $0x108  }
0x21: {  	s3 =	sadd.s32 s3, s9;
	s6 =	sadd.s32 @!p0 $0x88, s6;
	s7 =	simm.s32 @p2 $0x1082  }
0x22: {  	[simem:s7], [sflag:s8] =	dma.local @!p0 [hbm:s6], $0xF7A  }
0x23: {  	s9 =	sor.u32 $0xD0000000, s2;
	s6 =	simm.s32 $0x108;
	_ =	swait.ge @!p0 [sflag:s8], $0x0  }
0x24: {  	s3 =	sadd.s32 $0x88, s3;
	s6 =	simm.s32 @!p1 $0x1082;
	[sflag:s4] =	ssyncset.s32 $0xFFFFF086  }
0x25: {  	[simem:s6], [sflag:s4] =	dma.local [hbm:s3], $0xF7A  }
0x26: {  	[smem:$0x3F9A] =	sst s1;
	(tag) =	ssettag s2;
	_ =	strace s9  }
0x27: {  	s1 =	sld [smem:$0x3FAA]  }
0x28: {  	s2 =	sld [smem:$0x3FAB]  }
0x29: {  	s4 =	sld [smem:$0x3FAD]  }
0x2a: {  	p0 =	seq.s32 s5, $0x0;
	s5 =	sld [smem:$0x3FAE]  }
0x2b: {  	s6 =	sld [smem:$0x3FAF]  }
0x2c: {  	s7 =	sld [smem:$0x3FB0]  }
0x2d: {  	s3 =	simm.s32 $0x108;
	s8 =	sld [smem:$0x3FB1]  }
0x2e: {  	s3 =	simm.s32 @!p0 $0x1082;
	s9 =	sld [smem:$0x3FB2]  }
0x2f: {  	lr =	sadd.s32 s0, s3;
	s0 =	sld [smem:$0x3FA9]  }
0x30: {  	s3 =	sld [smem:$0x3FAC]  }
0x31: {  	[smem:$0x3FB5] =	sst s10  }
0x32: {  	s10 =	sld [smem:$0x3FB3];
	_ =	sdelay $0x3  }
0x33: {  	p0 =	seq.s32 s10, $0x1;
	s10 =	sld [smem:$0x3FB5];
	_ =	sdelay $0x3  }
0x34: {  	[smem:$0x3FB5] =	sst s10  }
0x35: {  	s10 =	sld [smem:$0x3FB4];
	_ =	sdelay $0x3  }
0x36: {  	p1 =	seq.s32 s10, $0x1;
	s10 =	sld [smem:$0x3FB5];
	_ =	sdelay $0x3  }
0x37: {  	[smem:$0x3FB5] =	sst s10  }
0x38: {  	s10 =	sld [smem:$0x3FB6]  }
0x39: {  	_ = 	snop;
	(pc) =	sbr.ind lr, $3  }
0x3a: {  	_ = 	snop  }
0x3b: {  	_ = 	snop  }
0x3c: {  	p2 =	seq.s32 s10, $0x1;
	s10 =	sld [smem:$0x3FB5]  }
0x3d: {  	_ =	shalt  }
0x3e: {  	_ =	shalt  }
0x3f: {  	_ =	shalt  }
0x40: {  	_ =	shalt  }
0x41: {  	_ =	shalt  }
0x42: {  	_ =	shalt  }
0x43: {  	_ =	shalt  }
0x44: {  	_ =	shalt  }
0x45: {  	_ =	shalt  }
0x46: {  	_ =	shalt  }
0x47: {  	_ =	shalt  }
0x48: {  	_ =	shalt  }
0x49: {  	_ =	shalt  }
0x4a: {  	_ =	shalt  }
0x4b: {  	_ =	shalt  }
0x4c: {  	_ =	shalt  }
0x4d: {  	_ =	shalt  }
0x4e: {  	_ =	shalt  }
0x4f: {  	_ =	shalt  }
0x50: {  	_ =	shalt  }
0x51: {  	_ =	shalt  }
0x52: {  	_ =	shalt  }
0x53: {  	_ =	shalt  }
0x54: {  	_ =	shalt  }
0x55: {  	_ =	shalt  }
0x56: {  	_ =	shalt  }
0x57: {  	_ =	shalt  }
0x58: {  	_ =	shalt  }
0x59: {  	_ =	shalt  }
0x5a: {  	_ =	shalt  }
0x5b: {  	_ =	shalt  }
0x5c: {  	_ =	shalt  }
0x5d: {  	_ =	shalt  }
0x5e: {  	_ =	shalt  }
0x5f: {  	_ =	shalt  }
0x60: {  	_ =	shalt  }
0x61: {  	_ =	shalt  }
0x62: {  	_ =	shalt  }
0x63: {  	_ =	shalt  }
0x64: {  	_ =	shalt  }
0x65: {  	_ =	shalt  }
0x66: {  	_ =	shalt  }
0x67: {  	_ =	shalt  }
0x68: {  	_ =	shalt  }
0x69: {  	_ =	shalt  }
0x6a: {  	_ =	shalt  }
0x6b: {  	_ =	shalt  }
0x6c: {  	_ =	shalt  }
0x6d: {  	_ =	shalt  }
0x6e: {  	_ =	shalt  }
0x6f: {  	_ =	shalt  }
0x70: {  	_ =	shalt  }
0x71: {  	_ =	shalt  }
0x72: {  	_ =	shalt  }
0x73: {  	_ =	shalt  }
0x74: {  	_ =	shalt  }
0x75: {  	_ =	shalt  }
0x76: {  	_ =	shalt  }
0x77: {  	_ =	shalt  }
0x78: {  	_ =	shalt  }
0x79: {  	_ =	shalt  }
0x7a: {  	_ =	shalt  }
0x7b: {  	_ =	shalt  }
0x7c: {  	_ =	shalt  }
0x7d: {  	_ =	shalt  }
0x7e: {  	_ =	shalt  }
0x7f: {  	_ =	shalt  }
0x80: {  	_ =	shalt  }
0x81: {  	_ =	shalt  }
0x82: {  	_ =	shalt  }
0x83: {  	_ =	shalt  }
0x84: {  	_ =	shalt  }
0x85: {  	_ =	shalt  }
0x86: {  	_ =	shalt  }
0x87: {  	_ =	shalt  }
.Lfunc_end0:
.L_simem_size_0:
called_computation.1_lowered:
.L_overlay_start_0:
0x88: {  	s2 =	sld [smem:$0x3FD9]  }
0x89: {  	s3 =	sld [smem:$0x3FFE];
	_ =	sdelay $0x1  }
0x8a: {  	s1 =	srdreg.scid  }
0x8b: {  	s0 =	sand.u32 $0x1, s1  }
0x8c: {  	s17 =	sshll.u32 s0, $0xA;
	s2 =	sadd.s32 s3, s2  }
0x8d: {  	s2 =	sadd.s32 s2, s17  }
0x8e: {  	[smem:$0x3FC1] =	sst s2  }
0x8f: {  	_ = 	snop  }
0x90: {  	s2 =	sld [smem:$0x3FD0];
	(tm) =	ssettm $0x1  }
0x91: {  	s18 =	sld [smem:$0x3FFB];
	_ =	sdelay $0x3  }
0x92: {  	_ =	strace s18  }
0x93: {  	s3 =	sld [smem:$0x3FFC];
	_ =	sdelay $0x3  }
0x94: {  	_ =	strace s3  }
0x95: {  	s3 =	sld [smem:$0x3FFD];
	_ =	sdelay $0x3  }
0x96: {  	_ =	strace s3  }
0x97: {  	_ =	strace $0x8FFFFFFF  }
0x98: {  	s19 =	sld [smem:$0x3FDB];
	_ =	sdelay $0x1  }
0x99: {  	s4 =	simm.s32 $_scs_section_size  }
0x9a: {  	s5 =	simm.s32 $_size__tile_overlayer_lowered;
	s6 =	simm.s32 $_tile_overlayer_lowered  }
0x9b: {  	s22 =	simm.s32 $0x1BFF;
	s21 =	sshll.u32 s6, $0x1;
	s3 =	sadd.s32 s4, s19  }
0x9c: {  	s7 =	simm.s32 $0x0;
	s20 =	sshll.u32 s5, $0x1;
	s5 =	sadd.s32 s21, s3  }
0x9d: {  	[timem:s7], [sflag:s22] =	dma.local [hbm:s5], s20  }
0x9e: {  	_ =	swait.ge [sflag:s22], s20  }
0x9f: {  	s4 =	ssub.s32 $0x0, s20;
	[sflag:s22] =	ssyncset.done $0x0  }
0xa0: {  	[sflag:s22] =	ssyncadd.s32 s4;
	_ =	sdelay $0x1  }
0xa1: {  	s23 =	simm.s32 $0x1B8B  }
0xa2: {  	_ =	swait.ge [sflag:s23], $0x1  }
0xa3: {  	[sflag:s23] =	ssyncset.done $0x0  }
0xa4: {  	s25 =	simm.s32 $0x1B8E;
	s24 =	sld [smem:$0x3FFE];
	[sflag:s23] =	ssyncadd.s32 $0xFFFFFFFF  }
0xa5: {  	s26 =	simm.s32 $execute0_lowered;
	[smem:$0x3FD2] =	sst s25  }
0xa6: {  	s5 =	sshll.u32 s26, $0x1;
	_ =	strace $0x80000046;
	[dreg:$0x1] =	wrdreg $0xFFFFFFFF  }
0xa7: {  	s28 =	simm.s32 $_size_execute0_lowered;
	s3 =	sadd.s32 s3, s5;
	[dreg:$0x0] =	wrdreg $0x0  }
0xa8: {  	s5 =	sshll.u32 s28, $0x1;
	[dreg:$0x2] =	wrdreg s3  }
0xa9: {  	[dreg:$0x3] =	wrdreg s5  }
0xaa: {  	[dreg:$0x4] =	wrdreg $0xC0  }
0xab: {  	_ =	task [dreg:s7], $0x5FFFF  }
0xac: {  	[dreg:$0x1] =	wrdreg $0xFFFFFFFF  }
0xad: {  	[dreg:$0x0] =	wrdreg $0x60  }
0xae: {  	[dreg:$0x2] =	wrdreg s2  }
0xaf: {  	[dreg:$0x3] =	wrdreg s24  }
0xb0: {  	[dreg:$0x4] =	wrdreg $0x9  }
0xb1: {  	_ =	task.clear_ibuf [dreg:s7], $0x5FFFF;
	_ =	strace $0x90000046  }
0xb2: {  	s29 =	simm.s32 $0x9;
	_ =	strace $0x80000048  }
0xb3: {  	_ =	swait.ge [sflag:s29], $0x1  }
0xb4: {  	[sflag:s29] =	ssyncadd.s32 $0xFFFFFFFF  }
0xb5: {  	_ =	strace $0x90000048  }
0xb6: {  	_ =	sfence  }
0xb7: {  	s30 =	sld [smem:$0x0];
	_ =	sdelay $0x2  }
0xb8: {  	s31 =	sshll.u32 s1, $0xD;
	s1 =	sshrl.u32 s1, $0x2  }
0xb9: {  	s3 =	sand.u32 $0x4000, s31;
	s1 =	sadd.s32 s1, s30  }
0xba: {  	s0 =	sor.u32 s3, s0;
	s1 =	sshll.u32 s1, $0x11  }
0xbb: {  	s0 =	sor.u32 s1, s0  }
0xbc: {  	s0 =	sadd.s32 $0x8F2B, s0  }
0xbd: {  	[sflag:s0] =	ssyncadd.remote.s32 $0x1  }
0xbe: {  	_ =	sfence.sel $0xFFFF  }
0xbf: {  	[dreg:$0x0] =	wrdreg $0xFFFFFFFF;
	(pc) =	sbr.abs _section_cstart, $3  }
0xc0: {  	[dreg:$0x1] =	wrdreg $0xFFFFFFFF  }
0xc1: {  	_ =	task.clear_ibuf [dreg:s7], $0x2FFFF;
	_ =	strace $0x9FFFFFFF  }
0xc2: {  	(tm) =	ssettm $0x7FFFFFFF  }
0xc3: {  	_ =	shalt  }
tec
execute0_lowered:
.L_overlay_start_1:
0x0: {  	(tag) =	ssettag $0x1  }
0x1: {  	s6 =	rddreg [dreg:$0x0]  }
0x2: {  	s5 =	rddreg [dreg:$0x1]  }
0x3: {  	s0 =	rddreg [dreg:$0x2];
	s2 =	simm.s32 $0x0  }
0x4: {  	s3 =	srdreg.scid;
	s1 =	stileid.u32;
	s10 =	simm.s32 $0x7000  }
0x5: {  	s11 =	simm.s32 $0x1;
	s12 =	simm.s32 $0x2;
	s13 =	simm.s32 $0x3C00  }
0x6: {  	s14 =	simm.s32 $0x0;
	[smem:$0x7FF] =	sst s2;
	s3 =	sand.u32 $0x1, s3  }
.Ltmp0:
0x7: {  	s4 =	sshll.u32 s1, $0x6;
	_ =	strace $0x80000047;
	(pc) =	sbr.rel .LBB2_1-.Ltmp0, $4  }
0x8: {  	s7 =	ssub.s32 $0x2, s3;
	s8 =	sshll.u32 s3, $0x5;
	s3 =	sadd.s32 $0x1400, s5  }
0x9: {  	s5 =	sadd.s32 $0x1C00, s5;
	s9 =	sshrl.u32 s7, $0x1;
	s4 =	sor.u32 s8, s4  }
0xa: {  	s7 =	ssub.s32 s7, s9;
	s8 =	sshll.u32 s4, $0x3;
	s9 =	simm.s32 $0x800  }
0xb: {  	s6 =	sadd.s32 s6, s8;
	s7 =	smax.u32 s7, $0x1;
	s8 =	simm.s32 $0x3  }
.LBB2_10:
0xc: {  	s14 =	sadd.s32 $0x1, s14  }
0xd: {  	_ =	swait.ge [sflag:s11], $0x3400;
	p0 =	sne.s32 s14, s7  }
.Ltmp1:
0xe: {  	[sflag:s11] =	ssyncset.done $0x0;
	(pc) =	sbr.rel @!p0 .LBB2_11-.Ltmp1, $4  }
0xf: {  	[sflag:s11] =	ssyncadd.s32 $0xFFFFCC00  }
0x10: {  	_ =	swait.ge [sflag:s12], $0x3400  }
0x11: {  	[sflag:s12] =	ssyncset.done $0x0  }
0x12: {  	[sflag:s12] =	ssyncadd.s32 $0xFFFFCC00  }
.LBB2_1:
0x13: {  	[tilespmem:s2], [sflag:$0x3] =	stream.linear.gather [hbm4b:s6+s2], $0x800, $0x38;
	[tilespmem:$0xA400] =	vst v63  }
0x14: {  	_ =	swait.ge [sflag:s8], $0x800  }
0x15: {  	[sflag:s8] =	ssyncset.done $0x0  }
.Ltmp2:
0x16: {  	[sflag:s8] =	ssyncadd.s32 $0xFFFFF800;
	(pc) =	sbr.rel .LBB2_2-.Ltmp2, $4  }
0x17: {  	[tilespmem:s9], [sflag:$0x3] =	stream.linear.gather [hbm4b:s3+s2], $0x3400, $0x38;
	[tilespmem:$0xA400] =	vst v63  }
0x18: {  	_ =	swait.ge [sflag:s8], $0x3400  }
0x19: {  	[sflag:s8] =	ssyncset.done $0x0  }
0x1a: {  	s15 =	simm.s32 $0x0;
	[sflag:s8] =	ssyncadd.s32 $0xFFFFCC00  }
.LBB2_5:
0x1b: {  	v3 =	vadd.f32 v7, v3;
	_ =	sdelay $0x1  }
0x1c: {  	v50 =	vld [tilespmem:s21+$0x10];
	[tilespmem:s23+$0xFFFFFFC0] =	vst v3  }
0x1d: {  	v3 =	vld [tilespmem:s21+$0xFFFFFFD0];
	_ =	sdelay $0x2  }
0x1e: {  	v8 =	vadd.f32 v8, v2  }
0x1f: {  	[tilespmem:s20+$0x10] =	vst v10;
	v7 =	vadd.f32 v50, v2  }
0x20: {  	v10 =	vld [tilespmem:s19+$0x20];
	[tilespmem:s20+$0xFFFFFFD0] =	vst v8;
	v51 =	vadd.f32 v3, v2  }
0x21: {  	v52 =	vld [tilespmem:s19+$0xFFFFFFE0];
	[tilespmem:s22+$0x10] =	vst v7  }
0x22: {  	v7 =	vld [tilespmem:s21+$0x20];
	[tilespmem:s22+$0xFFFFFFD0] =	vst v51  }
0x23: {  	v2 =	vld [tilespmem:s21+$0xFFFFFFE0]  }
0x24: {  	v6 =	vadd.f32 v6, v1  }
0x25: {  	[tilespmem:s17+$0x20] =	vst v9;
	v53 =	vadd.f32 v10, v1  }
0x26: {  	v9 =	vld [tilespmem:s18+$0x30];
	[tilespmem:s17+$0xFFFFFFE0] =	vst v6;
	v3 =	vadd.f32 v52, v1  }
0x27: {  	v6 =	vld [tilespmem:s18+$0xFFFFFFF0];
	[tilespmem:s20+$0x20] =	vst v53;
	v7 =	vadd.f32 v7, v1  }
0x28: {  	v8 =	vld [tilespmem:s19+$0x30];
	[tilespmem:s20+$0xFFFFFFE0] =	vst v3;
	v54 =	vadd.f32 v2, v1  }
0x29: {  	v55 =	vadd.f32 v4, v0;
	v3 =	vld [tilespmem:s19+$0xFFFFFFF0];
	[tilespmem:s22+$0x20] =	vst v7  }
0x2a: {  	v56 =	vadd.f32 v5, v0;
	v57 =	vld [tilespmem:s21+$0x30];
	[tilespmem:s22+$0xFFFFFFE0] =	vst v54  }
0x2b: {  	[tilespmem:s16+$0x30] =	vst v55;
	v58 =	vadd.f32 v9, v0;
	v59 =	vld [tilespmem:s21+$0xFFFFFFF0]  }
0x2c: {  	[tilespmem:s16+$0xFFFFFFF0] =	vst v56;
	v60 =	vadd.f32 v6, v0  }
0x2d: {  	[tilespmem:s17+$0x30] =	vst v58;
	v61 =	vadd.f32 v8, v0  }
0x2e: {  	[tilespmem:s17+$0xFFFFFFF0] =	vst v60;
	v3 =	vadd.f32 v3, v0  }
0x2f: {  	s31 =	sadd.s32 s4, s15;
	[tilespmem:s20+$0x30] =	vst v61;
	v62 =	vadd.f32 v57, v0  }
0x30: {  	s16 =	smul.u32 $0x680, s31;
	[tilespmem:s20+$0xFFFFFFF0] =	vst v3;
	v63 =	vadd.f32 v59, v0  }
0x31: {  	[tilespmem:s22+$0x30] =	vst v62  }
0x32: {  	s16 =	sadd.s32 s5, s16;
	[tilespmem:s22+$0xFFFFFFF0] =	vst v63  }
0x33: {  	[hbm4b:s16+s2] =	stream.linear.scatter [tilespmem:s13], [sflag:$0x1], $0x3400, $0x38;
	[tilespmem:$0xA400] =	vst v63  }
.LBB2_9:
0x34: {  	s15 =	sadd.s32 $0x1, s15  }
0x35: {  	p0 =	sne.s32 s15, $0x20  }
.Ltmp3:
0x36: {  	_ = 	snop;
	(pc) =	sbr.rel @!p0 .LBB2_10-.Ltmp3, $1  }
0x37: {  	_ =	sdelay $0x3  }
.LBB2_2:
0x38: {  	s16 =	sshll.u32 s15, $0x6;
	s17 =	sand.u32 $0x1, s15  }
0x39: {  	s16 =	sand.u32 $0x3FFFFFC0, s16;
	p1 =	seq.s32 s17, $0x1  }
.Ltmp4:
0x3a: {  	v0 =	vld [tilespmem:s16+$0x30];
	(pc) =	sbr.rel @!p1 .LBB2_3-.Ltmp4, $4  }
0x3b: {  	v3 =	vld [tilespmem:s16+$0x0]  }
0x3c: {  	v2 =	vld [tilespmem:s16+$0x10]  }
0x3d: {  	v1 =	vld [tilespmem:s16+$0x20]  }
0x3e: {  	p0 =	slt.u32 s15, $0x2  }
0x3f: {  	s16 =	simm.s32 @!p0 $0x2  }
0x40: {  	_ =	swait.ge @!p0 [sflag:s16], $0x3400  }
0x41: {  	[sflag:s16] =	ssyncset.done @!p0 $0x0  }
0x42: {  	s22 =	simm.s32 $0x840;
	[sflag:s16] =	ssyncadd.s32 @!p0 $0xFFFFCC00  }
0x43: {  	v4 =	vld [tilespmem:s22+$0x0];
	_ =	sdelay $0x3  }
0x44: {  	v5 =	vld [tilespmem:s22+$0xFFFFFFC0]  }
0x45: {  	v4 =	vadd.f32 v4, v3  }
0x46: {  	s18 =	simm.s32 $0x8C0;
	s16 =	simm.s32 $0x7070  }
0x47: {  	[tilespmem:s16+$0xFFFFFFD0] =	vst v4;
	v4 =	vld [tilespmem:s18+$0x0]  }
0x48: {  	v6 =	vld [tilespmem:s22+$0x10]  }
0x49: {  	v5 =	vadd.f32 v5, v3;
	_ =	sdelay $0x1  }
0x4a: {  	[tilespmem:s16+$0xFFFFFF90] =	vst v5;
	v5 =	vld [tilespmem:s18+$0xFFFFFFC0]  }
0x4b: {  	v7 =	vld [tilespmem:s22+$0xFFFFFFD0];
	v4 =	vadd.f32 v4, v3  }
0x4c: {  	s17 =	simm.s32 $0x70F0;
	s19 =	simm.s32 $0x940;
	v6 =	vadd.f32 v6, v2  }
0x4d: {  	[tilespmem:s17+$0xFFFFFFD0] =	vst v4;
	v4 =	vld [tilespmem:s19+$0x0]  }
0x4e: {  	[tilespmem:s16+$0xFFFFFFE0] =	vst v6;
	v6 =	vld [tilespmem:s18+$0x10]  }
0x4f: {  	v5 =	vadd.f32 v5, v3;
	v8 =	vld [tilespmem:s22+$0x20]  }
0x50: {  	v7 =	vadd.f32 v7, v2  }
0x51: {  	[tilespmem:s17+$0xFFFFFF90] =	vst v5;
	v5 =	vld [tilespmem:s19+$0xFFFFFFC0]  }
0x52: {  	[tilespmem:s16+$0xFFFFFFA0] =	vst v7;
	v7 =	vld [tilespmem:s18+$0xFFFFFFD0];
	v4 =	vadd.f32 v4, v3  }
0x53: {  	s20 =	simm.s32 $0x7170;
	s21 =	simm.s32 $0x9C0;
	v9 =	vld [tilespmem:s22+$0xFFFFFFE0];
	v6 =	vadd.f32 v6, v2  }
0x54: {  	[tilespmem:s20+$0xFFFFFFD0] =	vst v4;
	v4 =	vadd.f32 v8, v1;
	v8 =	vld [tilespmem:s21+$0x0]  }
0x55: {  	[tilespmem:s17+$0xFFFFFFE0] =	vst v6;
	v10 =	vld [tilespmem:s19+$0x10]  }
0x56: {  	v5 =	vadd.f32 v5, v3;
	[tilespmem:s16+$0xFFFFFFF0] =	vst v4;
	v11 =	vld [tilespmem:s18+$0x20]  }
0x57: {  	v6 =	vadd.f32 v7, v2;
	v4 =	vld [tilespmem:s22+$0x30]  }
0x58: {  	[tilespmem:s20+$0xFFFFFF90] =	vst v5;
	v5 =	vadd.f32 v9, v1;
	v7 =	vld [tilespmem:s21+$0xFFFFFFC0]  }
0x59: {  	[tilespmem:s17+$0xFFFFFFA0] =	vst v6;
	v9 =	vadd.f32 v8, v3;
	v8 =	vld [tilespmem:s19+$0xFFFFFFD0]  }
0x5a: {  	s23 =	simm.s32 $0x71F0;
	[tilespmem:s16+$0xFFFFFFB0] =	vst v5;
	v6 =	vld [tilespmem:s18+$0xFFFFFFE0];
	v10 =	vadd.f32 v10, v2  }
0x5b: {  	s24 =	simm.s32 $0x6;
	s25 =	simm.s32 $0xA40;
	v5 =	vld [tilespmem:s22+$0xFFFFFFF0];
	s22 =	simm.s32 $0x71F0;
	[tilespmem:s23+$0xFFFFFFD0] =	vst v9;
	v9 =	vadd.f32 v11, v1  }
.LBB2_7:
0x5c: {  	v11 =	vld [tilespmem:s25+$0x0];
	[tilespmem:s20+$0xFFFFFFE0] =	vst v10;
	v4 =	vadd.f32 v4, v0;
	s26 =	smov.u32 s18;
	s18 =	smov.u32 s19;
	s19 =	smov.u32 s21  }
0x5d: {  	s21 =	smov.u32 s25;
	s24 =	sadd.s32 $0x2, s24;
	v7 =	vadd.f32 v7, v3;
	v10 =	vld [tilespmem:s19+$0x10];
	[tilespmem:s17+$0xFFFFFFF0] =	vst v9  }
0x5e: {  	p0 =	slt.u32 s24, $0xCE;
	v8 =	vadd.f32 v8, v2;
	v9 =	vld [tilespmem:s18+$0x20];
	[tilespmem:s16+$0x0] =	vst v4  }
.Ltmp5:
0x5f: {  	[tilespmem:s23+$0xFFFFFF90] =	vst v7;
	v6 =	vadd.f32 v6, v1;
	v4 =	vld [tilespmem:s26+$0x30];
	(pc) =	sbr.rel @p0 .LBB2_7-.Ltmp5, $4  }
0x60: {  	v7 =	vld [tilespmem:s25+$0xFFFFFFC0];
	[tilespmem:s20+$0xFFFFFFA0] =	vst v8;
	v5 =	vadd.f32 v5, v0  }
0x61: {  	v11 =	vadd.f32 v11, v3;
	v8 =	vld [tilespmem:s19+$0xFFFFFFD0];
	[tilespmem:s17+$0xFFFFFFB0] =	vst v6  }
0x62: {  	s23 =	sadd.s32 $0x80, s23;
	v10 =	vadd.f32 v10, v2;
	v6 =	vld [tilespmem:s18+$0xFFFFFFE0];
	[tilespmem:s16+$0xFFFFFFC0] =	vst v5;
	s16 =	smov.u32 s17;
	s17 =	smov.u32 s20  }
0x63: {  	s25 =	sadd.s32 $0x80, s25;
	s20 =	smov.u32 s22;
	s22 =	smov.u32 s23;
	[tilespmem:s23+$0xFFFFFFD0] =	vst v11;
	v9 =	vadd.f32 v9, v1;
	v5 =	vld [tilespmem:s26+$0xFFFFFFF0]  }
0x64: {  	_ = 	snop  }
0x65: {  	v3 =	vadd.f32 v7, v3;
	_ =	sdelay $0x1  }
0x66: {  	v50 =	vld [tilespmem:s21+$0x10];
	[tilespmem:s23+$0xFFFFFF90] =	vst v3  }
0x67: {  	v3 =	vld [tilespmem:s21+$0xFFFFFFD0];
	_ =	sdelay $0x2  }
0x68: {  	v8 =	vadd.f32 v8, v2  }
0x69: {  	[tilespmem:s20+$0xFFFFFFE0] =	vst v10;
	v7 =	vadd.f32 v50, v2  }
0x6a: {  	v10 =	vld [tilespmem:s19+$0x20];
	[tilespmem:s20+$0xFFFFFFA0] =	vst v8;
	v51 =	vadd.f32 v3, v2  }
0x6b: {  	v52 =	vld [tilespmem:s19+$0xFFFFFFE0];
	[tilespmem:s22+$0xFFFFFFE0] =	vst v7  }
0x6c: {  	v7 =	vld [tilespmem:s21+$0x20];
	[tilespmem:s22+$0xFFFFFFA0] =	vst v51  }
0x6d: {  	v2 =	vld [tilespmem:s21+$0xFFFFFFE0]  }
0x6e: {  	v6 =	vadd.f32 v6, v1  }
0x6f: {  	[tilespmem:s17+$0xFFFFFFF0] =	vst v9;
	v53 =	vadd.f32 v10, v1  }
0x70: {  	v9 =	vld [tilespmem:s18+$0x30];
	[tilespmem:s17+$0xFFFFFFB0] =	vst v6;
	v3 =	vadd.f32 v52, v1  }
0x71: {  	v6 =	vld [tilespmem:s18+$0xFFFFFFF0];
	[tilespmem:s20+$0xFFFFFFF0] =	vst v53;
	v7 =	vadd.f32 v7, v1  }
0x72: {  	v8 =	vld [tilespmem:s19+$0x30];
	[tilespmem:s20+$0xFFFFFFB0] =	vst v3;
	v54 =	vadd.f32 v2, v1  }
0x73: {  	v55 =	vadd.f32 v4, v0;
	v3 =	vld [tilespmem:s19+$0xFFFFFFF0];
	[tilespmem:s22+$0xFFFFFFF0] =	vst v7  }
0x74: {  	v56 =	vadd.f32 v5, v0;
	v57 =	vld [tilespmem:s21+$0x30];
	[tilespmem:s22+$0xFFFFFFB0] =	vst v54  }
0x75: {  	[tilespmem:s16+$0x0] =	vst v55;
	v58 =	vadd.f32 v9, v0;
	v59 =	vld [tilespmem:s21+$0xFFFFFFF0]  }
0x76: {  	[tilespmem:s16+$0xFFFFFFC0] =	vst v56;
	v60 =	vadd.f32 v6, v0  }
0x77: {  	[tilespmem:s17+$0x0] =	vst v58;
	v61 =	vadd.f32 v8, v0  }
0x78: {  	[tilespmem:s17+$0xFFFFFFC0] =	vst v60;
	v3 =	vadd.f32 v3, v0  }
.Ltmp6:
0x79: {  	s31 =	sadd.s32 s4, s15;
	[tilespmem:s20+$0x0] =	vst v61;
	v62 =	vadd.f32 v57, v0;
	(pc) =	sbr.rel .LBB2_9-.Ltmp6, $4  }
0x7a: {  	s16 =	smul.u32 $0x680, s31;
	[tilespmem:s20+$0xFFFFFFC0] =	vst v3;
	v63 =	vadd.f32 v59, v0  }
0x7b: {  	[tilespmem:s22+$0x0] =	vst v62  }
0x7c: {  	s16 =	sadd.s32 s5, s16;
	[tilespmem:s22+$0xFFFFFFC0] =	vst v63  }
0x7d: {  	[hbm4b:s16+s2] =	stream.linear.scatter [tilespmem:s10], [sflag:$0x2], $0x3400, $0x38;
	[tilespmem:$0xA400] =	vst v63  }
.LBB2_3:
0x7e: {  	s16 =	simm.s32 @!p0 $0x1  }
0x7f: {  	_ =	swait.ge @!p0 [sflag:s16], $0x3400  }
0x80: {  	[sflag:s16] =	ssyncset.done @!p0 $0x0  }
0x81: {  	s22 =	simm.s32 $0x840;
	[sflag:s16] =	ssyncadd.s32 @!p0 $0xFFFFCC00  }
0x82: {  	v4 =	vld [tilespmem:s22+$0x0];
	_ =	sdelay $0x3  }
0x83: {  	v5 =	vld [tilespmem:s22+$0xFFFFFFC0]  }
0x84: {  	v4 =	vadd.f32 v4, v3  }
0x85: {  	s18 =	simm.s32 $0x8C0;
	s16 =	simm.s32 $0x3C40  }
0x86: {  	[tilespmem:s16+$0x0] =	vst v4;
	v4 =	vld [tilespmem:s18+$0x0]  }
0x87: {  	v6 =	vld [tilespmem:s22+$0x10]  }
0x88: {  	v5 =	vadd.f32 v5, v3;
	_ =	sdelay $0x1  }
0x89: {  	[tilespmem:s16+$0xFFFFFFC0] =	vst v5;
	v5 =	vld [tilespmem:s18+$0xFFFFFFC0]  }
0x8a: {  	v7 =	vld [tilespmem:s22+$0xFFFFFFD0];
	v4 =	vadd.f32 v4, v3  }
0x8b: {  	s17 =	simm.s32 $0x3CC0;
	s19 =	simm.s32 $0x940;
	v6 =	vadd.f32 v6, v2  }
0x8c: {  	[tilespmem:s17+$0x0] =	vst v4;
	v4 =	vld [tilespmem:s19+$0x0]  }
0x8d: {  	[tilespmem:s16+$0x10] =	vst v6;
	v6 =	vld [tilespmem:s18+$0x10]  }
0x8e: {  	v5 =	vadd.f32 v5, v3;
	v8 =	vld [tilespmem:s22+$0x20]  }
0x8f: {  	v7 =	vadd.f32 v7, v2  }
0x90: {  	[tilespmem:s17+$0xFFFFFFC0] =	vst v5;
	v5 =	vld [tilespmem:s19+$0xFFFFFFC0]  }
0x91: {  	[tilespmem:s16+$0xFFFFFFD0] =	vst v7;
	v7 =	vld [tilespmem:s18+$0xFFFFFFD0];
	v4 =	vadd.f32 v4, v3  }
0x92: {  	s20 =	simm.s32 $0x3D40;
	s21 =	simm.s32 $0x9C0;
	v9 =	vld [tilespmem:s22+$0xFFFFFFE0];
	v6 =	vadd.f32 v6, v2  }
0x93: {  	[tilespmem:s20+$0x0] =	vst v4;
	v4 =	vadd.f32 v8, v1;
	v8 =	vld [tilespmem:s21+$0x0]  }
0x94: {  	[tilespmem:s17+$0x10] =	vst v6;
	v10 =	vld [tilespmem:s19+$0x10]  }
0x95: {  	v5 =	vadd.f32 v5, v3;
	[tilespmem:s16+$0x20] =	vst v4;
	v11 =	vld [tilespmem:s18+$0x20]  }
0x96: {  	v6 =	vadd.f32 v7, v2;
	v4 =	vld [tilespmem:s22+$0x30]  }
0x97: {  	[tilespmem:s20+$0xFFFFFFC0] =	vst v5;
	v5 =	vadd.f32 v9, v1;
	v7 =	vld [tilespmem:s21+$0xFFFFFFC0]  }
0x98: {  	[tilespmem:s17+$0xFFFFFFD0] =	vst v6;
	v9 =	vadd.f32 v8, v3;
	v8 =	vld [tilespmem:s19+$0xFFFFFFD0]  }
0x99: {  	s23 =	simm.s32 $0x3DC0;
	[tilespmem:s16+$0xFFFFFFE0] =	vst v5;
	v6 =	vld [tilespmem:s18+$0xFFFFFFE0];
	v10 =	vadd.f32 v10, v2  }
0x9a: {  	s24 =	simm.s32 $0x6;
	s25 =	simm.s32 $0xA40;
	v5 =	vld [tilespmem:s22+$0xFFFFFFF0];
	s22 =	simm.s32 $0x3DC0;
	[tilespmem:s23+$0x0] =	vst v9;
	v9 =	vadd.f32 v11, v1  }
.LBB2_4:
0x9b: {  	v11 =	vld [tilespmem:s25+$0x0];
	[tilespmem:s20+$0x10] =	vst v10;
	v4 =	vadd.f32 v4, v0;
	s26 =	smov.u32 s18;
	s18 =	smov.u32 s19;
	s19 =	smov.u32 s21  }
0x9c: {  	v7 =	vadd.f32 v7, v3;
	s21 =	smov.u32 s25;
	s24 =	sadd.s32 $0x2, s24;
	v10 =	vld [tilespmem:s19+$0x10];
	[tilespmem:s17+$0x20] =	vst v9  }
0x9d: {  	v8 =	vadd.f32 v8, v2;
	p0 =	slt.u32 s24, $0xCE;
	v9 =	vld [tilespmem:s18+$0x20];
	[tilespmem:s16+$0x30] =	vst v4  }
.Ltmp7:
0x9e: {  	v6 =	vadd.f32 v6, v1;
	[tilespmem:s23+$0xFFFFFFC0] =	vst v7;
	v4 =	vld [tilespmem:s26+$0x30];
	(pc) =	sbr.rel @p0 .LBB2_4-.Ltmp7, $4  }
0x9f: {  	v5 =	vadd.f32 v5, v0;
	v7 =	vld [tilespmem:s25+$0xFFFFFFC0];
	[tilespmem:s20+$0xFFFFFFD0] =	vst v8  }
0xa0: {  	v11 =	vadd.f32 v11, v3;
	v8 =	vld [tilespmem:s19+$0xFFFFFFD0];
	[tilespmem:s17+$0xFFFFFFE0] =	vst v6  }
0xa1: {  	s23 =	sadd.s32 $0x80, s23;
	v10 =	vadd.f32 v10, v2;
	v6 =	vld [tilespmem:s18+$0xFFFFFFE0];
	[tilespmem:s16+$0xFFFFFFF0] =	vst v5;
	s16 =	smov.u32 s17;
	s17 =	smov.u32 s20  }
0xa2: {  	s25 =	sadd.s32 $0x80, s25;
	s20 =	smov.u32 s22;
	s22 =	smov.u32 s23;
	[tilespmem:s23+$0x0] =	vst v11;
	v9 =	vadd.f32 v9, v1;
	v5 =	vld [tilespmem:s26+$0xFFFFFFF0]  }
.Ltmp8:
0xa3: {  	_ = 	snop;
	(pc) =	sbr.rel .LBB2_5-.Ltmp8, $1  }
0xa4: {  	_ =	sdelay $0x3  }
.LBB2_11:
0xa5: {  	_ =	sfence.sel $0x180000  }
0xa6: {  	[bflag:$0x0] =	sbarrier.arrive $0xFFFF  }
0xa7: {  	p0 =	sne.s32 s1, $0x0;
	_ =	strace $0x90000047  }
0xa8: {  	s0 =	sadd.s32 @!p0 $0x100000, s0;
	[bflag:$0x2] =	sbarrier.arrive $0xFFFF  }
0xa9: {  	[sflag:s0] =	ssyncadd.tile.s32 @!p0 $0x1;
	_ =	shalt  }
.Lfunc_end2:
_tile_overlayer_lowered:
.L_overlay_start_2:
0xaa: {  	(tag) =	ssettag $0x2  }
0xab: {  	s0 =	rddreg [dreg:$0x0];
	s2 =	stileid.u32  }
0xac: {  	s1 =	rddreg [dreg:$0x1];
	p0 =	sne.s32 s2, $0x0  }
0xad: {  	s3 =	rddreg [dreg:$0x2];
	[bflag:$0x3] =	sbarrier.arrive $0xFFFF;
	s2 =	simm.s32 @!p0 $0x1C03  }
0xae: {  	[timem:s3], [sflag:s2] =	dma.local @!p0 [hbm:s0], s1  }
0xaf: {  	s0 =	simm.s32 @!p0 $0x3  }
0xb0: {  	_ =	swait.ge @!p0 [sflag:s0], s1  }
0xb1: {  	s1 =	ssub.s32 @!p0 $0x0, s1;
	[sflag:s0] =	ssyncset.done @!p0 $0x0  }
0xb2: {  	[sflag:s0] =	ssyncadd.s32 @!p0 s1  }
0xb3: {  	[bflag:$0x3] =	sbarrier.arrive $0xFFFF  }
0xb4: {  	_ =	shalt  }

// kernel: kernel.7.cloned.1.call-start
scs
__scs_entry_jumppad:
0x0: {  	(pc) =	sbr.rel $0x88, $3  }
0x1: {  	(tag) =	ssettag $0x0;
	lr =	simm.s32 $0x1  }
0x2: {  	[smem:$0x3F9A] =	sst lr;
	_ =	strace $0xD0000000  }
0x3: {  	_ = 	snop  }
0x4: {  	_ = 	snop  }
0x5: {  	_ = 	snop  }
0x6: {  	_ = 	snop  }
0x7: {  	_ = 	snop  }
__scs_overlays_trampoline_lowered:
0x8: {  	[smem:$0x3FA9] =	sst s0  }
0x9: {  	[smem:$0x3FAA] =	sst s1  }
0xa: {  	[smem:$0x3FAB] =	sst s2  }
0xb: {  	[smem:$0x3FAC] =	sst s3  }
0xc: {  	[smem:$0x3FAD] =	sst s4  }
0xd: {  	[smem:$0x3FAE] =	sst s5  }
0xe: {  	[smem:$0x3FAF] =	sst s6  }
0xf: {  	[smem:$0x3FB0] =	sst s7  }
0x10: {  	[smem:$0x3FB1] =	sst s8  }
0x11: {  	[smem:$0x3FB2] =	sst s9;
	s0 =	simm.s32 @!p0 $0x0  }
0x12: {  	s1 =	sld [smem:$0x3F98];
	s0 =	simm.s32 @p0 $0x1  }
0x13: {  	[smem:$0x3FB3] =	sst s0;
	s0 =	simm.s32 @!p1 $0x0  }
0x14: {  	s2 =	sld [smem:$0x3F97];
	s0 =	simm.s32 @p1 $0x1  }
0x15: {  	[smem:$0x3FB4] =	sst s0;
	s0 =	simm.s32 @!p2 $0x0  }
0x16: {  	s3 =	sld [smem:$0x3FDB];
	s0 =	simm.s32 @p2 $0x1  }
0x17: {  	s4 =	simm.s32 $0x1BF5;
	[smem:$0x3FB6] =	sst s0  }
0x18: {  	s0 =	sld [smem:$0x3F99];
	_ =	swait.ge [sflag:s4], $0x0  }
0x19: {  	s7 =	sld [smem:$0x3F9A]  }
0x1a: {  	s8 =	sadd.s32 $0xFFFFE003, lr  }
0x1b: {  	s9 =	sadd.s32 $0xFFFFFEF7, lr;
	s5 =	simm.s32 $0xFFFFFFFF;
	p2 =	slt.u32 s8, $0xFFFFF086  }
0x1c: {  	p1 =	slt.u32 s9, $0xF7A;
	s5 =	simm.s32 @!p2 $0x0  }
0x1d: {  	s5 =	simm.s32 @p1 $0x1;
	p0 =	seq.s32 s7, s2  }
0x1e: {  	s7 =	smul.u32 @!p0 $0xF7A, s2;
	p2 =	seq.s32 @!p0 s5, $0x0  }
0x1f: {  	s9 =	smul.u32 $0xF7A, s1;
	s8 =	simm.s32 @!p0 $0x1BF5;
	p2 =	por !p2, p0  }
0x20: {  	[sflag:s8] =	ssyncset.s32 @!p0 $0xFFFFF086;
	s6 =	sadd.s32 @!p0 s3, s7;
	s7 =	simm.s32 @!p0 $0x108  }
0x21: {  	s3 =	sadd.s32 s3, s9;
	s6 =	sadd.s32 @!p0 $0x88, s6;
	s7 =	simm.s32 @p2 $0x1082  }
0x22: {  	[simem:s7], [sflag:s8] =	dma.local @!p0 [hbm:s6], $0xF7A  }
0x23: {  	s9 =	sor.u32 $0xD0000000, s2;
	s6 =	simm.s32 $0x108;
	_ =	swait.ge @!p0 [sflag:s8], $0x0  }
0x24: {  	s3 =	sadd.s32 $0x88, s3;
	s6 =	simm.s32 @!p1 $0x1082;
	[sflag:s4] =	ssyncset.s32 $0xFFFFF086  }
0x25: {  	[simem:s6], [sflag:s4] =	dma.local [hbm:s3], $0xF7A  }
0x26: {  	[smem:$0x3F9A] =	sst s1;
	(tag) =	ssettag s2;
	_ =	strace s9  }
0x27: {  	s1 =	sld [smem:$0x3FAA]  }
0x28: {  	s2 =	sld [smem:$0x3FAB]  }
0x29: {  	s4 =	sld [smem:$0x3FAD]  }
0x2a: {  	p0 =	seq.s32 s5, $0x0;
	s5 =	sld [smem:$0x3FAE]  }
0x2b: {  	s6 =	sld [smem:$0x3FAF]  }
0x2c: {  	s7 =	sld [smem:$0x3FB0]  }
0x2d: {  	s3 =	simm.s32 $0x108;
	s8 =	sld [smem:$0x3FB1]  }
0x2e: {  	s3 =	simm.s32 @!p0 $0x1082;
	s9 =	sld [smem:$0x3FB2]  }
0x2f: {  	lr =	sadd.s32 s0, s3;
	s0 =	sld [smem:$0x3FA9]  }
0x30: {  	s3 =	sld [smem:$0x3FAC]  }
0x31: {  	[smem:$0x3FB5] =	sst s10  }
0x32: {  	s10 =	sld [smem:$0x3FB3];
	_ =	sdelay $0x3  }
0x33: {  	p0 =	seq.s32 s10, $0x1;
	s10 =	sld [smem:$0x3FB5];
	_ =	sdelay $0x3  }
0x34: {  	[smem:$0x3FB5] =	sst s10  }
0x35: {  	s10 =	sld [smem:$0x3FB4];
	_ =	sdelay $0x3  }
0x36: {  	p1 =	seq.s32 s10, $0x1;
	s10 =	sld [smem:$0x3FB5];
	_ =	sdelay $0x3  }
0x37: {  	[smem:$0x3FB5] =	sst s10  }
0x38: {  	s10 =	sld [smem:$0x3FB6]  }
0x39: {  	_ = 	snop;
	(pc) =	sbr.ind lr, $3  }
0x3a: {  	_ = 	snop  }
0x3b: {  	_ = 	snop  }
0x3c: {  	p2 =	seq.s32 s10, $0x1;
	s10 =	sld [smem:$0x3FB5]  }
0x3d: {  	_ =	shalt  }
0x3e: {  	_ =	shalt  }
0x3f: {  	_ =	shalt  }
0x40: {  	_ =	shalt  }
0x41: {  	_ =	shalt  }
0x42: {  	_ =	shalt  }
0x43: {  	_ =	shalt  }
0x44: {  	_ =	shalt  }
0x45: {  	_ =	shalt  }
0x46: {  	_ =	shalt  }
0x47: {  	_ =	shalt  }
0x48: {  	_ =	shalt  }
0x49: {  	_ =	shalt  }
0x4a: {  	_ =	shalt  }
0x4b: {  	_ =	shalt  }
0x4c: {  	_ =	shalt  }
0x4d: {  	_ =	shalt  }
0x4e: {  	_ =	shalt  }
0x4f: {  	_ =	shalt  }
0x50: {  	_ =	shalt  }
0x51: {  	_ =	shalt  }
0x52: {  	_ =	shalt  }
0x53: {  	_ =	shalt  }
0x54: {  	_ =	shalt  }
0x55: {  	_ =	shalt  }
0x56: {  	_ =	shalt  }
0x57: {  	_ =	shalt  }
0x58: {  	_ =	shalt  }
0x59: {  	_ =	shalt  }
0x5a: {  	_ =	shalt  }
0x5b: {  	_ =	shalt  }
0x5c: {  	_ =	shalt  }
0x5d: {  	_ =	shalt  }
0x5e: {  	_ =	shalt  }
0x5f: {  	_ =	shalt  }
0x60: {  	_ =	shalt  }
0x61: {  	_ =	shalt  }
0x62: {  	_ =	shalt  }
0x63: {  	_ =	shalt  }
0x64: {  	_ =	shalt  }
0x65: {  	_ =	shalt  }
0x66: {  	_ =	shalt  }
0x67: {  	_ =	shalt  }
0x68: {  	_ =	shalt  }
0x69: {  	_ =	shalt  }
0x6a: {  	_ =	shalt  }
0x6b: {  	_ =	shalt  }
0x6c: {  	_ =	shalt  }
0x6d: {  	_ =	shalt  }
0x6e: {  	_ =	shalt  }
0x6f: {  	_ =	shalt  }
0x70: {  	_ =	shalt  }
0x71: {  	_ =	shalt  }
0x72: {  	_ =	shalt  }
0x73: {  	_ =	shalt  }
0x74: {  	_ =	shalt  }
0x75: {  	_ =	shalt  }
0x76: {  	_ =	shalt  }
0x77: {  	_ =	shalt  }
0x78: {  	_ =	shalt  }
0x79: {  	_ =	shalt  }
0x7a: {  	_ =	shalt  }
0x7b: {  	_ =	shalt  }
0x7c: {  	_ =	shalt  }
0x7d: {  	_ =	shalt  }
0x7e: {  	_ =	shalt  }
0x7f: {  	_ =	shalt  }
0x80: {  	_ =	shalt  }
0x81: {  	_ =	shalt  }
0x82: {  	_ =	shalt  }
0x83: {  	_ =	shalt  }
0x84: {  	_ =	shalt  }
0x85: {  	_ =	shalt  }
0x86: {  	_ =	shalt  }
0x87: {  	_ =	shalt  }
.Lfunc_end0:
.L_simem_size_0:
called_computation.2_lowered:
.L_overlay_start_0:
0x88: {  	s2 =	sld [smem:$0x3FD9]  }
0x89: {  	s3 =	sld [smem:$0x3FFE];
	_ =	sdelay $0x1  }
0x8a: {  	s1 =	srdreg.scid  }
0x8b: {  	s0 =	sand.u32 $0x1, s1  }
0x8c: {  	s17 =	sshll.u32 s0, $0xA;
	s2 =	sadd.s32 s3, s2  }
0x8d: {  	s2 =	sadd.s32 s2, s17  }
0x8e: {  	[smem:$0x3FC1] =	sst s2  }
0x8f: {  	_ = 	snop  }
0x90: {  	s2 =	sld [smem:$0x3FC7]  }
0x91: {  	s18 =	sld [smem:$0x3FD0];
	(tm) =	ssettm $0x1  }
0x92: {  	s4 =	sld [smem:$0x3FFB];
	_ =	sdelay $0x3  }
0x93: {  	_ =	strace s4  }
0x94: {  	s4 =	sld [smem:$0x3FFC];
	_ =	sdelay $0x3  }
0x95: {  	_ =	strace s4  }
0x96: {  	s4 =	sld [smem:$0x3FFD];
	_ =	sdelay $0x3  }
0x97: {  	_ =	strace s4  }
0x98: {  	_ =	strace $0x8FFFFFFF  }
0x99: {  	s19 =	sld [smem:$0x3FDB];
	_ =	sdelay $0x1  }
0x9a: {  	s5 =	simm.s32 $_scs_section_size  }
0x9b: {  	s6 =	simm.s32 $_size__tile_overlayer_lowered;
	s7 =	simm.s32 $_tile_overlayer_lowered  }
0x9c: {  	s22 =	simm.s32 $0x1BFF;
	s21 =	sshll.u32 s7, $0x1;
	s4 =	sadd.s32 s5, s19  }
0x9d: {  	s8 =	simm.s32 $0x0;
	s20 =	sshll.u32 s6, $0x1;
	s6 =	sadd.s32 s21, s4  }
0x9e: {  	[timem:s8], [sflag:s22] =	dma.local [hbm:s6], s20  }
0x9f: {  	_ =	swait.ge [sflag:s22], s20  }
0xa0: {  	s5 =	ssub.s32 $0x0, s20;
	[sflag:s22] =	ssyncset.done $0x0  }
0xa1: {  	[sflag:s22] =	ssyncadd.s32 s5;
	_ =	sdelay $0x1  }
0xa2: {  	s23 =	simm.s32 $0x1B8B  }
0xa3: {  	_ =	swait.ge [sflag:s23], $0x1  }
0xa4: {  	[sflag:s23] =	ssyncset.done $0x0  }
0xa5: {  	s25 =	simm.s32 $0x1B8E;
	s24 =	sld [smem:$0x3FFE];
	[sflag:s23] =	ssyncadd.s32 $0xFFFFFFFF  }
0xa6: {  	s26 =	simm.s32 $execute0_lowered;
	[smem:$0x3FD2] =	sst s25  }
0xa7: {  	s6 =	sshll.u32 s26, $0x1;
	_ =	strace $0x80000049;
	[dreg:$0x1] =	wrdreg $0xFFFFFFFF  }
0xa8: {  	s28 =	simm.s32 $_size_execute0_lowered;
	s4 =	sadd.s32 s4, s6;
	[dreg:$0x0] =	wrdreg $0x0  }
0xa9: {  	s6 =	sshll.u32 s28, $0x1;
	[dreg:$0x2] =	wrdreg s4  }
0xaa: {  	[dreg:$0x3] =	wrdreg s6  }
0xab: {  	[dreg:$0x4] =	wrdreg $0xC0  }
0xac: {  	_ =	task [dreg:s8], $0x5FFFF  }
0xad: {  	[dreg:$0x1] =	wrdreg $0xFFFFFFFF  }
0xae: {  	[dreg:$0x0] =	wrdreg $0x60  }
0xaf: {  	[dreg:$0x2] =	wrdreg s24  }
0xb0: {  	[dreg:$0x3] =	wrdreg s2  }
0xb1: {  	[dreg:$0x4] =	wrdreg s18  }
0xb2: {  	[dreg:$0x5] =	wrdreg $0x9  }
0xb3: {  	_ =	task.clear_ibuf [dreg:s8], $0x6FFFF;
	_ =	strace $0x90000049  }
0xb4: {  	s29 =	simm.s32 $0x9;
	_ =	strace $0x8000004B  }
0xb5: {  	_ =	swait.ge [sflag:s29], $0x1  }
0xb6: {  	[sflag:s29] =	ssyncadd.s32 $0xFFFFFFFF  }
0xb7: {  	_ =	strace $0x9000004B  }
0xb8: {  	_ =	sfence  }
0xb9: {  	s30 =	sld [smem:$0x0];
	_ =	sdelay $0x2  }
0xba: {  	s31 =	sshll.u32 s1, $0xD;
	s1 =	sshrl.u32 s1, $0x2  }
0xbb: {  	s3 =	sand.u32 $0x4000, s31;
	s1 =	sadd.s32 s1, s30  }
0xbc: {  	s0 =	sor.u32 s3, s0;
	s1 =	sshll.u32 s1, $0x11  }
0xbd: {  	s0 =	sor.u32 s1, s0  }
0xbe: {  	s0 =	sadd.s32 $0x8F2B, s0  }
0xbf: {  	[sflag:s0] =	ssyncadd.remote.s32 $0x1  }
0xc0: {  	_ =	sfence.sel $0xFFFF  }
0xc1: {  	[dreg:$0x0] =	wrdreg $0xFFFFFFFF;
	(pc) =	sbr.abs _section_cstart, $3  }
0xc2: {  	[dreg:$0x1] =	wrdreg $0xFFFFFFFF  }
0xc3: {  	_ =	task.clear_ibuf [dreg:s8], $0x2FFFF;
	_ =	strace $0x9FFFFFFF  }
0xc4: {  	(tm) =	ssettm $0x7FFFFFFF  }
0xc5: {  	_ =	shalt  }
tec
execute0_lowered:
.L_overlay_start_1:
0x0: {  	(tag) =	ssettag $0x1  }
0x1: {  	s0 =	rddreg [dreg:$0x0]  }
0x2: {  	s1 =	rddreg [dreg:$0x1]  }
0x3: {  	s2 =	rddreg [dreg:$0x2]  }
0x4: {  	s3 =	simm.s32 $0x0;
	s4 =	srdreg.scid;
	s5 =	stileid.u32  }
0x5: {  	s17 =	simm.s32 $0xB;
	s21 =	simm.s32 $0x1;
	s28 =	simm.s32 $0x8  }
0x6: {  	s29 =	simm.s32 $0x87A0;
	s30 =	simm.s32 $0x9;
	s31 =	simm.s32 $0x5  }
0x7: {  	s16 =	simm.s32 $0xA;
	s19 =	simm.s32 $0x6;
	s20 =	simm.s32 $0xEBA0  }
0x8: {  	s18 =	simm.s32 $0x0;
	[smem:$0x7FF] =	sst s3;
	s6 =	sand.u32 $0x1, s4  }
0x9: {  	s5 =	sshll.u32 s5, $0x1;
	s4 =	sadd.s32 $0x1A2600, s0;
	s9 =	sadd.s32 $0x1A1E00, s0  }
0xa: {  	_ =	strace $0x8000004A;
	s7 =	sor.u32 s6, s5;
	s5 =	sadd.s32 $0x1C00, s0  }
0xb: {  	s6 =	ssub.s32 $0x2, s6;
	[dreg:$0x4] =	wrdreg s9;
	s0 =	sadd.s32 $0x1A1C00, s0  }
0xc: {  	s8 =	smul.u32 $0xC80, s7;
	[dreg:$0x5] =	wrdreg s0;
	s22 =	sshrl.u32 s6, $0x1  }
0xd: {  	s23 =	sshll.u32 s7, $0x4;
	s9 =	sshll.u32 s7, $0x7;
	s7 =	simm.s32 $0x4  }
0xe: {  	s0 =	ssub.s32 s6, s22;
	s1 =	sadd.s32 s1, s23;
	s14 =	sor.u32 $0x4, s9  }
0xf: {  	s22 =	simm.s32 $0xC8;
	s23 =	simm.s32 $0x190;
	s8 =	sadd.s32 s4, s8  }
.Ltmp0:
0x10: {  	[dreg:$0x6] =	wrdreg s1;
	s24 =	sadd.s32 $0x19, s8;
	(pc) =	sbr.rel .LBB2_1-.Ltmp0, $4  }
0x11: {  	s6 =	simm.s32 $0x3;
	s25 =	sadd.s32 $0x32, s8;
	[dreg:$0x7] =	wrdreg s24  }
0x12: {  	s15 =	smax.u32 s0, $0x1;
	s26 =	sadd.s32 $0x4B, s8;
	[dreg:$0x8] =	wrdreg s25  }
0x13: {  	s0 =	simm.s32 $0xB9A0;
	s1 =	simm.s32 $0x2;
	[dreg:$0x9] =	wrdreg s26  }
0x14: {  	s24 =	simm.s32 $0x258;
	s25 =	simm.s32 $0x7;
	s26 =	simm.s32 $0x55A0  }
.LBB2_34:
0x15: {  	_ =	swait.ge [sflag:s6], $0x3200  }
0x16: {  	[sflag:s6] =	ssyncset.done $0x0  }
0x17: {  	[sflag:s6] =	ssyncadd.s32 $0xFFFFCE00  }
0x18: {  	_ =	swait.ge [sflag:s7], $0x3200  }
0x19: {  	[sflag:s7] =	ssyncset.done $0x0  }
0x1a: {  	s18 =	sadd.s32 $0x1, s18;
	[sflag:s7] =	ssyncadd.s32 $0xFFFFCE00  }
0x1b: {  	p0 =	sne.s32 s18, s15;
	_ =	swait.ge [sflag:s31], $0x3200  }
.Ltmp1:
0x1c: {  	[sflag:s31] =	ssyncset.done $0x0;
	(pc) =	sbr.rel @!p0 .LBB2_35-.Ltmp1, $4  }
0x1d: {  	[sflag:s31] =	ssyncadd.s32 $0xFFFFCE00  }
0x1e: {  	_ =	swait.ge [sflag:s19], $0x3200  }
0x1f: {  	[sflag:s19] =	ssyncset.done $0x0  }
0x20: {  	[sflag:s19] =	ssyncadd.s32 $0xFFFFCE00  }
.LBB2_1:
0x21: {  	s10 =	rddreg [dreg:$0x4];
	s11 =	simm.s32 $0x23A0  }
0x22: {  	[tilespmem:s11], [sflag:$0xB] =	stream.linear.gather [hbm4b:s10+s3], $0x3200, $0x38;
	[tilespmem:$0x11DA0] =	vst v63  }
0x23: {  	_ =	swait.ge [sflag:s17], $0x3200  }
0x24: {  	[sflag:s17] =	ssyncset.done $0x0  }
0x25: {  	s11 =	simm.s32 $0x320;
	s13 =	rddreg [dreg:$0x6];
	[sflag:s17] =	ssyncadd.s32 $0xFFFFCE00  }
0x26: {  	[tilespmem:s11], [sflag:$0xB] =	stream.linear.gather [hbm4b:s13+s3], $0x80, $0x38;
	[tilespmem:$0x11DA0] =	vst v63  }
0x27: {  	_ =	swait.ge [sflag:s17], $0x80  }
0x28: {  	s12 =	simm.s32 $0x80;
	[sflag:s17] =	ssyncset.done $0x0  }
0x29: {  	s13 =	simm.s32 $0x3A0;
	s10 =	rddreg [dreg:$0x5];
	[sflag:s17] =	ssyncadd.s32 $0xFFFFFF80  }
0x2a: {  	[tilespmem:s13], [sflag:$0x1] =	stream.indirect.gather [hbm4b:s10+s12], $0x40, s11, s12, $0xb8;
	[tilespmem:$0x11DA0] =	vst v63  }
0x2b: {  	_ =	swait.ge [sflag:s21], $0x2000  }
0x2c: {  	[sflag:s21] =	ssyncset.done $0x0  }
0x2d: {  	[sflag:s21] =	ssyncadd.s32 $0xFFFFE000  }
0x2e: {  	[tilespmem:s3], [sflag:$0x7] =	stream.linear.gather [hbm4b:s8+s3], $0xC8, $0x38;
	[tilespmem:$0x11DA0] =	vst v63  }
0x2f: {  	s11 =	rddreg [dreg:$0x7]  }
0x30: {  	[tilespmem:s22], [sflag:$0x8] =	stream.linear.gather [hbm4b:s11+s3], $0xC8, $0x38;
	[tilespmem:$0x11DA0] =	vst v63  }
0x31: {  	s12 =	rddreg [dreg:$0x8]  }
0x32: {  	[tilespmem:s23], [sflag:$0x9] =	stream.linear.gather [hbm4b:s12+s3], $0xC8, $0x38;
	[tilespmem:$0x11DA0] =	vst v63  }
0x33: {  	s13 =	rddreg [dreg:$0x9]  }
0x34: {  	[tilespmem:s24], [sflag:$0xA] =	stream.linear.gather [hbm4b:s13+s3], $0xC8, $0x38;
	[tilespmem:$0x11DA0] =	vst v63  }
0x35: {  	_ =	swait.ge [sflag:s25], $0xC8  }
0x36: {  	[sflag:s25] =	ssyncset.done $0x0  }
0x37: {  	[sflag:s25] =	ssyncadd.s32 $0xFFFFFF38  }
0x38: {  	[tilespmem:s26], [sflag:$0x1] =	stream.indirect.gather [hbm4b:s5+s22], $0x40, s3, s22, $0xb8;
	[tilespmem:$0x11DA0] =	vst v63  }
.Ltmp2:
0x39: {  	_ = 	snop;
	(pc) =	sbr.rel .LBB2_2-.Ltmp2, $4  }
0x3a: {  	_ =	swait.ge [sflag:s28], $0xC8  }
0x3b: {  	[sflag:s28] =	ssyncset.done $0x0  }
0x3c: {  	s10 =	simm.s32 $0x0;
	[sflag:s28] =	ssyncadd.s32 $0xFFFFFF38  }
0x3d: {  	[tilespmem:s29], [sflag:$0x2] =	stream.indirect.gather [hbm4b:s5+s22], $0x40, s22, s22, $0xb8;
	[tilespmem:$0x11DA0] =	vst v63  }
.LBB2_30:
0x3e: {  	[tilespmem:s29], [sflag:$0x2] =	stream.indirect.gather [hbm4b:s5+s22], $0x40, s22, s22, $0xb8;
	[tilespmem:$0x11DA0] =	vst v63  }
.LBB2_32:
0x3f: {  	s11 =	sadd.s32 s10, s14  }
0x40: {  	s11 =	smul.u32 $0x19, s11;
	_ =	sdelay $0x1  }
0x41: {  	s11 =	sadd.s32 s4, s11  }
0x42: {  	[tilespmem:s24], [sflag:$0xA] =	stream.linear.gather [hbm4b:s11+s3], $0xC8, $0x38;
	[tilespmem:$0x11DA0] =	vst v63  }
.LBB2_33:
0x43: {  	s10 =	sadd.s32 $0x1, s10  }
0x44: {  	p0 =	sne.s32 s10, $0x80  }
.Ltmp3:
0x45: {  	_ = 	snop;
	(pc) =	sbr.rel @!p0 .LBB2_34-.Ltmp3, $1  }
0x46: {  	_ =	sdelay $0x3  }
.LBB2_2:
0x47: {  	s11 =	sand.u32 $0x3, s10  }
0x48: {  	p0 =	sgt.s32 s11, $0x1  }
.Ltmp4:
0x49: {  	_ = 	snop;
	(pc) =	sbr.rel @p0 .LBB2_25-.Ltmp4, $1  }
0x4a: {  	_ =	sdelay $0x3  }
0x4b: {  	p0 =	seq.s32 s11, $0x0  }
.Ltmp5:
0x4c: {  	_ = 	snop;
	(pc) =	sbr.rel @!p0 .LBB2_11-.Ltmp5, $1  }
0x4d: {  	_ =	sdelay $0x3  }
0x4e: {  	_ =	swait.ge [sflag:s21], $0x3200  }
0x4f: {  	s11 =	sshll.u32 s10, $0x6;
	[sflag:s21] =	ssyncset.done $0x0  }
0x50: {  	s11 =	sand.u32 $0x3FFFFFC0, s11;
	[sflag:s21] =	ssyncadd.s32 $0xFFFFCE00  }
0x51: {  	v1 =	vld [tilespmem:s11+$0x3A0]  }
0x52: {  	v2 =	vld [tilespmem:s11+$0x3B0]  }
0x53: {  	v0 =	vld [tilespmem:s11+$0x3D0]  }
0x54: {  	v3 =	vld [tilespmem:s11+$0x3C0];
	s11 =	simm.s32 $0x0  }
0x55: {  	v4 =	vld [tilespmem:s11+$0x2410]  }
0x56: {  	v5 =	vld [tilespmem:s11+$0x23A0]  }
0x57: {  	v6 =	vld [tilespmem:s11+$0x23B0]  }
0x58: {  	v7 =	vld [tilespmem:s11+$0x23C0];
	v0 =	vmul.f32 $1.000000000e+01, v0  }
0x59: {  	v8 =	vld [tilespmem:s11+$0x23D0]  }
0x5a: {  	v9 =	vld [tilespmem:s11+$0x23E0];
	v1 =	vmul.f32 $1.000000000e+01, v1;
	v4 =	vadd.f32 v4, v0  }
0x5b: {  	v10 =	vld [tilespmem:s11+$0x23F0];
	v2 =	vmul.f32 $1.000000000e+01, v2;
	v3 =	vmul.f32 $1.000000000e+01, v3  }
0x5c: {  	v5 =	vadd.f32 v5, v1;
	[tilespmem:s11+$0x5610] =	vst.add.f32.msk $0xffff, v4  }
0x5d: {  	v7 =	vadd.f32 v7, v3;
	v4 =	vadd.f32 v6, v2;
	v6 =	vld [tilespmem:s11+$0x2400]  }
0x5e: {  	[tilespmem:s11+$0x55A0] =	vst.add.f32.msk $0xffff, v5  }
0x5f: {  	v5 =	vadd.f32 v8, v0;
	[tilespmem:s11+$0x55C0] =	vst.add.f32.msk $0xffff, v7  }
0x60: {  	[tilespmem:s11+$0x55B0] =	vst.add.f32.msk $0xffff, v4;
	v4 =	vadd.f32 v9, v1  }
0x61: {  	v7 =	vadd.f32 v10, v2;
	[tilespmem:s11+$0x55D0] =	vst.add.f32.msk $0xffff, v5  }
0x62: {  	[tilespmem:s11+$0x55E0] =	vst.add.f32.msk $0xffff, v4;
	v4 =	vadd.f32 v6, v3  }
0x63: {  	s12 =	simm.s32 $0x0;
	s13 =	simm.s32 $0x200;
	[tilespmem:s11+$0x55F0] =	vst.add.f32.msk $0xffff, v7  }
.LBB2_5:
0x64: {  	s12 =	sadd.s32 $0x2, s12;
	[tilespmem:s11+$0x5600] =	vst.add.f32.msk $0xffff, v4;
	s11 =	sshra.s32 s13, $0x2  }
0x65: {  	v4 =	vld [tilespmem:s11+$0x2410];
	p0 =	slt.u32 s12, $0xC6  }
0x66: {  	v5 =	vld [tilespmem:s11+$0x23A0]  }
0x67: {  	v6 =	vld [tilespmem:s11+$0x23B0]  }
0x68: {  	v7 =	vld [tilespmem:s11+$0x23C0]  }
0x69: {  	v8 =	vld [tilespmem:s11+$0x23D0]  }
0x6a: {  	v9 =	vld [tilespmem:s11+$0x23E0];
	v4 =	vadd.f32 v4, v0  }
0x6b: {  	v5 =	vadd.f32 v5, v1;
	v10 =	vld [tilespmem:s11+$0x23F0]  }
0x6c: {  	v6 =	vadd.f32 v6, v2;
	[tilespmem:s11+$0x5610] =	vst.add.f32.msk $0xffff, v4  }
0x6d: {  	v4 =	vadd.f32 v7, v3;
	v7 =	vld [tilespmem:s11+$0x2400]  }
0x6e: {  	[tilespmem:s11+$0x55A0] =	vst.add.f32.msk $0xffff, v5;
	v5 =	vadd.f32 v8, v0  }
.Ltmp6:
0x6f: {  	[tilespmem:s11+$0x55B0] =	vst.add.f32.msk $0xffff, v6;
	v6 =	vadd.f32 v9, v1;
	(pc) =	sbr.rel @p0 .LBB2_5-.Ltmp6, $4  }
0x70: {  	[tilespmem:s11+$0x55C0] =	vst.add.f32.msk $0xffff, v4;
	v8 =	vadd.f32 v10, v2  }
0x71: {  	[tilespmem:s11+$0x55D0] =	vst.add.f32.msk $0xffff, v5  }
0x72: {  	[tilespmem:s11+$0x55E0] =	vst.add.f32.msk $0xffff, v6;
	v4 =	vadd.f32 v7, v3  }
0x73: {  	s13 =	sadd.s32 $0x200, s13;
	[tilespmem:s11+$0x55F0] =	vst.add.f32.msk $0xffff, v8  }
0x74: {  	p0 =	sgt.u32 s10, $0x7D  }
.Ltmp7:
0x75: {  	s12 =	sadd.s32 s9, s10;
	(pc) =	sbr.rel @p0 .LBB2_33-.Ltmp7, $3  }
0x76: {  	s12 =	smul.u32 $0x640, s12;
	_ =	sdelay $0x1  }
0x77: {  	[tilespmem:s11+$0x5600] =	vst.add.f32.msk $0xffff, v4;
	s13 =	sadd.s32 s2, s12  }
0x78: {  	[hbm4b:s13+s3] =	stream.linear.scatter [tilespmem:s26], [sflag:$0x3], $0x3200, $0x38;
	[tilespmem:$0x11DA0] =	vst v63  }
0x79: {  	p0 =	sgt.u32 s10, $0x1  }
.Ltmp8:
0x7a: {  	_ = 	snop;
	(pc) =	sbr.rel @!p0 .LBB2_8-.Ltmp8, $4  }
0x7b: {  	_ = 	snop  }
0x7c: {  	_ =	swait.ge [sflag:s30], $0xC8  }
0x7d: {  	[sflag:s30] =	ssyncset.done $0x0  }
0x7e: {  	[sflag:s30] =	ssyncadd.s32 $0xFFFFFF38  }
0x7f: {  	p0 =	sgt.u32 s10, $0x7B  }
.Ltmp9:
0x80: {  	_ = 	snop;
	(pc) =	sbr.rel @p0 .LBB2_33-.Ltmp9, $4  }
.Ltmp10:
0x81: {  	_ =	swait.ge [sflag:s31], $0x3200;
	(pc) =	sbr.rel @!p0 .LBB2_10-.Ltmp10, $4  }
0x82: {  	[sflag:s31] =	ssyncset.done $0x0  }
0x83: {  	[sflag:s31] =	ssyncadd.s32 $0xFFFFCE00  }
0x84: {  	[tilespmem:s0], [sflag:$0x1] =	stream.indirect.gather [hbm4b:s5+s22], $0x40, s23, s22, $0xb8;
	[tilespmem:$0x11DA0] =	vst v63  }
0x85: {  	_ = 	snop  }
.LBB2_25:
0x86: {  	p0 =	seq.s32 s11, $0x2  }
.Ltmp11:
0x87: {  	_ = 	snop;
	(pc) =	sbr.rel @!p0 .LBB2_26-.Ltmp11, $3  }
0x88: {  	_ =	sdelay $0x1  }
0x89: {  	s13 =	sshll.u32 s10, $0x6  }
0x8a: {  	s11 =	sand.u32 $0x3FFFFFC0, s13  }
0x8b: {  	_ =	swait.ge [sflag:s21], $0x3200  }
0x8c: {  	[sflag:s21] =	ssyncset.done $0x0  }
0x8d: {  	[sflag:s21] =	ssyncadd.s32 $0xFFFFCE00  }
0x8e: {  	v1 =	vld [tilespmem:s11+$0x3A0]  }
0x8f: {  	v2 =	vld [tilespmem:s11+$0x3B0]  }
0x90: {  	v0 =	vld [tilespmem:s11+$0x3D0]  }
0x91: {  	v3 =	vld [tilespmem:s11+$0x3C0];
	s11 =	simm.s32 $0x0  }
0x92: {  	v4 =	vld [tilespmem:s11+$0x2410]  }
0x93: {  	v5 =	vld [tilespmem:s11+$0x23A0]  }
0x94: {  	v6 =	vld [tilespmem:s11+$0x23B0]  }
0x95: {  	v7 =	vld [tilespmem:s11+$0x23C0];
	v0 =	vmul.f32 $1.000000000e+01, v0  }
0x96: {  	v8 =	vld [tilespmem:s11+$0x23D0]  }
0x97: {  	v9 =	vld [tilespmem:s11+$0x23E0];
	v1 =	vmul.f32 $1.000000000e+01, v1;
	v4 =	vadd.f32 v4, v0  }
0x98: {  	v10 =	vld [tilespmem:s11+$0x23F0];
	v2 =	vmul.f32 $1.000000000e+01, v2;
	v3 =	vmul.f32 $1.000000000e+01, v3  }
0x99: {  	v5 =	vadd.f32 v5, v1;
	[tilespmem:s11+$0xBA10] =	vst.add.f32.msk $0xffff, v4  }
0x9a: {  	v7 =	vadd.f32 v7, v3;
	v4 =	vadd.f32 v6, v2;
	v6 =	vld [tilespmem:s11+$0x2400]  }
0x9b: {  	[tilespmem:s11+$0xB9A0] =	vst.add.f32.msk $0xffff, v5  }
0x9c: {  	v5 =	vadd.f32 v8, v0;
	[tilespmem:s11+$0xB9C0] =	vst.add.f32.msk $0xffff, v7  }
0x9d: {  	[tilespmem:s11+$0xB9B0] =	vst.add.f32.msk $0xffff, v4;
	v4 =	vadd.f32 v9, v1  }
0x9e: {  	v7 =	vadd.f32 v10, v2;
	[tilespmem:s11+$0xB9D0] =	vst.add.f32.msk $0xffff, v5  }
0x9f: {  	[tilespmem:s11+$0xB9E0] =	vst.add.f32.msk $0xffff, v4;
	v4 =	vadd.f32 v6, v3  }
0xa0: {  	s12 =	simm.s32 $0x0;
	s13 =	simm.s32 $0x200;
	[tilespmem:s11+$0xB9F0] =	vst.add.f32.msk $0xffff, v7  }
.LBB2_19:
0xa1: {  	s12 =	sadd.s32 $0x2, s12;
	[tilespmem:s11+$0xBA00] =	vst.add.f32.msk $0xffff, v4;
	s11 =	sshra.s32 s13, $0x2  }
0xa2: {  	v4 =	vld [tilespmem:s11+$0x2410];
	p0 =	slt.u32 s12, $0xC6  }
0xa3: {  	v5 =	vld [tilespmem:s11+$0x23A0]  }
0xa4: {  	v6 =	vld [tilespmem:s11+$0x23B0]  }
0xa5: {  	v7 =	vld [tilespmem:s11+$0x23C0]  }
0xa6: {  	v8 =	vld [tilespmem:s11+$0x23D0]  }
0xa7: {  	v9 =	vld [tilespmem:s11+$0x23E0];
	v4 =	vadd.f32 v4, v0  }
0xa8: {  	v5 =	vadd.f32 v5, v1;
	v10 =	vld [tilespmem:s11+$0x23F0]  }
0xa9: {  	v6 =	vadd.f32 v6, v2;
	[tilespmem:s11+$0xBA10] =	vst.add.f32.msk $0xffff, v4  }
0xaa: {  	v4 =	vadd.f32 v7, v3;
	v7 =	vld [tilespmem:s11+$0x2400]  }
0xab: {  	[tilespmem:s11+$0xB9A0] =	vst.add.f32.msk $0xffff, v5;
	v5 =	vadd.f32 v8, v0  }
.Ltmp12:
0xac: {  	[tilespmem:s11+$0xB9B0] =	vst.add.f32.msk $0xffff, v6;
	v6 =	vadd.f32 v9, v1;
	(pc) =	sbr.rel @p0 .LBB2_19-.Ltmp12, $4  }
0xad: {  	[tilespmem:s11+$0xB9C0] =	vst.add.f32.msk $0xffff, v4;
	v8 =	vadd.f32 v10, v2  }
0xae: {  	[tilespmem:s11+$0xB9D0] =	vst.add.f32.msk $0xffff, v5  }
0xaf: {  	[tilespmem:s11+$0xB9E0] =	vst.add.f32.msk $0xffff, v6;
	v4 =	vadd.f32 v7, v3  }
0xb0: {  	s13 =	sadd.s32 $0x200, s13;
	[tilespmem:s11+$0xB9F0] =	vst.add.f32.msk $0xffff, v8  }
0xb1: {  	p0 =	sgt.u32 s10, $0x7D  }
.Ltmp13:
0xb2: {  	s12 =	sadd.s32 s9, s10;
	(pc) =	sbr.rel @p0 .LBB2_33-.Ltmp13, $3  }
0xb3: {  	s12 =	smul.u32 $0x640, s12;
	_ =	sdelay $0x1  }
0xb4: {  	[tilespmem:s11+$0xBA00] =	vst.add.f32.msk $0xffff, v4;
	s13 =	sadd.s32 s2, s12  }
0xb5: {  	[hbm4b:s13+s3] =	stream.linear.scatter [tilespmem:s0], [sflag:$0x5], $0x3200, $0x38;
	[tilespmem:$0x11DA0] =	vst v63  }
0xb6: {  	p0 =	sgt.u32 s10, $0x1  }
.Ltmp14:
0xb7: {  	_ = 	snop;
	(pc) =	sbr.rel @!p0 .LBB2_22-.Ltmp14, $4  }
0xb8: {  	_ = 	snop  }
0xb9: {  	_ =	swait.ge [sflag:s25], $0xC8  }
0xba: {  	[sflag:s25] =	ssyncset.done $0x0  }
0xbb: {  	[sflag:s25] =	ssyncadd.s32 $0xFFFFFF38  }
0xbc: {  	p0 =	sgt.u32 s10, $0x7B  }
.Ltmp15:
0xbd: {  	_ = 	snop;
	(pc) =	sbr.rel @p0 .LBB2_33-.Ltmp15, $4  }
.Ltmp16:
0xbe: {  	_ =	swait.ge [sflag:s6], $0x3200;
	(pc) =	sbr.rel @!p0 .LBB2_24-.Ltmp16, $4  }
0xbf: {  	[sflag:s6] =	ssyncset.done $0x0  }
0xc0: {  	[sflag:s6] =	ssyncadd.s32 $0xFFFFCE00  }
0xc1: {  	[tilespmem:s26], [sflag:$0x1] =	stream.indirect.gather [hbm4b:s5+s22], $0x40, s3, s22, $0xb8;
	[tilespmem:$0x11DA0] =	vst v63  }
0xc2: {  	_ = 	snop  }
.LBB2_11:
0xc3: {  	_ =	swait.ge [sflag:s1], $0x3200  }
0xc4: {  	s11 =	sshll.u32 s10, $0x6;
	[sflag:s1] =	ssyncset.done $0x0  }
0xc5: {  	s11 =	sand.u32 $0x3FFFFFC0, s11;
	[sflag:s1] =	ssyncadd.s32 $0xFFFFCE00  }
0xc6: {  	v1 =	vld [tilespmem:s11+$0x3A0]  }
0xc7: {  	v2 =	vld [tilespmem:s11+$0x3B0]  }
0xc8: {  	v0 =	vld [tilespmem:s11+$0x3D0]  }
0xc9: {  	v3 =	vld [tilespmem:s11+$0x3C0];
	s11 =	simm.s32 $0x0  }
0xca: {  	v4 =	vld [tilespmem:s11+$0x2410]  }
0xcb: {  	v5 =	vld [tilespmem:s11+$0x23A0]  }
0xcc: {  	v6 =	vld [tilespmem:s11+$0x23B0]  }
0xcd: {  	v7 =	vld [tilespmem:s11+$0x23C0];
	v0 =	vmul.f32 $1.000000000e+01, v0  }
0xce: {  	v8 =	vld [tilespmem:s11+$0x23D0]  }
0xcf: {  	v9 =	vld [tilespmem:s11+$0x23E0];
	v1 =	vmul.f32 $1.000000000e+01, v1;
	v4 =	vadd.f32 v4, v0  }
0xd0: {  	v10 =	vld [tilespmem:s11+$0x23F0];
	v2 =	vmul.f32 $1.000000000e+01, v2;
	v3 =	vmul.f32 $1.000000000e+01, v3  }
0xd1: {  	v5 =	vadd.f32 v5, v1;
	[tilespmem:s11+$0x8810] =	vst.add.f32.msk $0xffff, v4  }
0xd2: {  	v7 =	vadd.f32 v7, v3;
	v4 =	vadd.f32 v6, v2;
	v6 =	vld [tilespmem:s11+$0x2400]  }
0xd3: {  	[tilespmem:s11+$0x87A0] =	vst.add.f32.msk $0xffff, v5  }
0xd4: {  	v5 =	vadd.f32 v8, v0;
	[tilespmem:s11+$0x87C0] =	vst.add.f32.msk $0xffff, v7  }
0xd5: {  	[tilespmem:s11+$0x87B0] =	vst.add.f32.msk $0xffff, v4;
	v4 =	vadd.f32 v9, v1  }
0xd6: {  	v7 =	vadd.f32 v10, v2;
	[tilespmem:s11+$0x87D0] =	vst.add.f32.msk $0xffff, v5  }
0xd7: {  	[tilespmem:s11+$0x87E0] =	vst.add.f32.msk $0xffff, v4;
	v4 =	vadd.f32 v6, v3  }
0xd8: {  	s12 =	simm.s32 $0x0;
	s13 =	simm.s32 $0x200;
	[tilespmem:s11+$0x87F0] =	vst.add.f32.msk $0xffff, v7  }
.LBB2_12:
0xd9: {  	s12 =	sadd.s32 $0x2, s12;
	[tilespmem:s11+$0x8800] =	vst.add.f32.msk $0xffff, v4;
	s11 =	sshra.s32 s13, $0x2  }
0xda: {  	v4 =	vld [tilespmem:s11+$0x2410];
	p0 =	slt.u32 s12, $0xC6  }
0xdb: {  	v5 =	vld [tilespmem:s11+$0x23A0]  }
0xdc: {  	v6 =	vld [tilespmem:s11+$0x23B0]  }
0xdd: {  	v7 =	vld [tilespmem:s11+$0x23C0]  }
0xde: {  	v8 =	vld [tilespmem:s11+$0x23D0]  }
0xdf: {  	v9 =	vld [tilespmem:s11+$0x23E0];
	v4 =	vadd.f32 v4, v0  }
0xe0: {  	v5 =	vadd.f32 v5, v1;
	v10 =	vld [tilespmem:s11+$0x23F0]  }
0xe1: {  	v6 =	vadd.f32 v6, v2;
	[tilespmem:s11+$0x8810] =	vst.add.f32.msk $0xffff, v4  }
0xe2: {  	v4 =	vadd.f32 v7, v3;
	v7 =	vld [tilespmem:s11+$0x2400]  }
0xe3: {  	[tilespmem:s11+$0x87A0] =	vst.add.f32.msk $0xffff, v5;
	v5 =	vadd.f32 v8, v0  }
.Ltmp17:
0xe4: {  	[tilespmem:s11+$0x87B0] =	vst.add.f32.msk $0xffff, v6;
	v6 =	vadd.f32 v9, v1;
	(pc) =	sbr.rel @p0 .LBB2_12-.Ltmp17, $4  }
0xe5: {  	[tilespmem:s11+$0x87C0] =	vst.add.f32.msk $0xffff, v4;
	v8 =	vadd.f32 v10, v2  }
0xe6: {  	[tilespmem:s11+$0x87D0] =	vst.add.f32.msk $0xffff, v5  }
0xe7: {  	[tilespmem:s11+$0x87E0] =	vst.add.f32.msk $0xffff, v6;
	v4 =	vadd.f32 v7, v3  }
0xe8: {  	s13 =	sadd.s32 $0x200, s13;
	[tilespmem:s11+$0x87F0] =	vst.add.f32.msk $0xffff, v8  }
0xe9: {  	p0 =	sgt.u32 s10, $0x7D  }
.Ltmp18:
0xea: {  	s12 =	sadd.s32 s9, s10;
	(pc) =	sbr.rel @p0 .LBB2_33-.Ltmp18, $3  }
0xeb: {  	s12 =	smul.u32 $0x640, s12;
	_ =	sdelay $0x1  }
0xec: {  	[tilespmem:s11+$0x8800] =	vst.add.f32.msk $0xffff, v4;
	s13 =	sadd.s32 s2, s12  }
0xed: {  	[hbm4b:s13+s3] =	stream.linear.scatter [tilespmem:s29], [sflag:$0x4], $0x3200, $0x38;
	[tilespmem:$0x11DA0] =	vst v63  }
0xee: {  	p0 =	sgt.u32 s10, $0x1  }
.Ltmp19:
0xef: {  	_ = 	snop;
	(pc) =	sbr.rel @!p0 .LBB2_15-.Ltmp19, $4  }
0xf0: {  	_ = 	snop  }
0xf1: {  	_ =	swait.ge [sflag:s16], $0xC8  }
0xf2: {  	[sflag:s16] =	ssyncset.done $0x0  }
0xf3: {  	[sflag:s16] =	ssyncadd.s32 $0xFFFFFF38  }
0xf4: {  	p0 =	sgt.u32 s10, $0x7B  }
.Ltmp20:
0xf5: {  	_ = 	snop;
	(pc) =	sbr.rel @p0 .LBB2_33-.Ltmp20, $4  }
.Ltmp21:
0xf6: {  	_ =	swait.ge [sflag:s19], $0x3200;
	(pc) =	sbr.rel @!p0 .LBB2_17-.Ltmp21, $4  }
0xf7: {  	[sflag:s19] =	ssyncset.done $0x0  }
0xf8: {  	[sflag:s19] =	ssyncadd.s32 $0xFFFFCE00  }
0xf9: {  	[tilespmem:s20], [sflag:$0x2] =	stream.indirect.gather [hbm4b:s5+s22], $0x40, s24, s22, $0xb8;
	[tilespmem:$0x11DA0] =	vst v63  }
0xfa: {  	_ = 	snop  }
.LBB2_26:
0xfb: {  	_ =	swait.ge [sflag:s1], $0x3200  }
0xfc: {  	[sflag:s1] =	ssyncset.done $0x0  }
0xfd: {  	[sflag:s1] =	ssyncadd.s32 $0xFFFFCE00  }
0xfe: {  	v1 =	vld [tilespmem:s11+$0x3A0]  }
0xff: {  	v2 =	vld [tilespmem:s11+$0x3B0]  }
0x100: {  	v0 =	vld [tilespmem:s11+$0x3D0]  }
0x101: {  	v3 =	vld [tilespmem:s11+$0x3C0];
	s11 =	simm.s32 $0x0  }
0x102: {  	v4 =	vld [tilespmem:s11+$0x2410]  }
0x103: {  	v5 =	vld [tilespmem:s11+$0x23A0]  }
0x104: {  	v6 =	vld [tilespmem:s11+$0x23B0]  }
0x105: {  	v7 =	vld [tilespmem:s11+$0x23C0];
	v0 =	vmul.f32 $1.000000000e+01, v0  }
0x106: {  	v8 =	vld [tilespmem:s11+$0x23D0]  }
0x107: {  	v9 =	vld [tilespmem:s11+$0x23E0];
	v1 =	vmul.f32 $1.000000000e+01, v1;
	v4 =	vadd.f32 v4, v0  }
0x108: {  	v10 =	vld [tilespmem:s11+$0x23F0];
	v2 =	vmul.f32 $1.000000000e+01, v2;
	v3 =	vmul.f32 $1.000000000e+01, v3  }
0x109: {  	v5 =	vadd.f32 v5, v1;
	[tilespmem:s11+$0xEC10] =	vst.add.f32.msk $0xffff, v4  }
0x10a: {  	v7 =	vadd.f32 v7, v3;
	v4 =	vadd.f32 v6, v2;
	v6 =	vld [tilespmem:s11+$0x2400]  }
0x10b: {  	[tilespmem:s11+$0xEBA0] =	vst.add.f32.msk $0xffff, v5  }
0x10c: {  	v5 =	vadd.f32 v8, v0;
	[tilespmem:s11+$0xEBC0] =	vst.add.f32.msk $0xffff, v7  }
0x10d: {  	[tilespmem:s11+$0xEBB0] =	vst.add.f32.msk $0xffff, v4;
	v4 =	vadd.f32 v9, v1  }
0x10e: {  	v7 =	vadd.f32 v10, v2;
	[tilespmem:s11+$0xEBD0] =	vst.add.f32.msk $0xffff, v5  }
0x10f: {  	[tilespmem:s11+$0xEBE0] =	vst.add.f32.msk $0xffff, v4;
	v4 =	vadd.f32 v6, v3  }
0x110: {  	s12 =	simm.s32 $0x0;
	s13 =	simm.s32 $0x200;
	[tilespmem:s11+$0xEBF0] =	vst.add.f32.msk $0xffff, v7  }
.LBB2_27:
0x111: {  	s12 =	sadd.s32 $0x2, s12;
	[tilespmem:s11+$0xEC00] =	vst.add.f32.msk $0xffff, v4;
	s11 =	sshra.s32 s13, $0x2  }
0x112: {  	v4 =	vld [tilespmem:s11+$0x2410];
	p0 =	slt.u32 s12, $0xC6  }
0x113: {  	v5 =	vld [tilespmem:s11+$0x23A0]  }
0x114: {  	v6 =	vld [tilespmem:s11+$0x23B0]  }
0x115: {  	v7 =	vld [tilespmem:s11+$0x23C0]  }
0x116: {  	v8 =	vld [tilespmem:s11+$0x23D0]  }
0x117: {  	v9 =	vld [tilespmem:s11+$0x23E0];
	v4 =	vadd.f32 v4, v0  }
0x118: {  	v5 =	vadd.f32 v5, v1;
	v10 =	vld [tilespmem:s11+$0x23F0]  }
0x119: {  	v6 =	vadd.f32 v6, v2;
	[tilespmem:s11+$0xEC10] =	vst.add.f32.msk $0xffff, v4  }
0x11a: {  	v4 =	vadd.f32 v7, v3;
	v7 =	vld [tilespmem:s11+$0x2400]  }
0x11b: {  	[tilespmem:s11+$0xEBA0] =	vst.add.f32.msk $0xffff, v5;
	v5 =	vadd.f32 v8, v0  }
.Ltmp22:
0x11c: {  	[tilespmem:s11+$0xEBB0] =	vst.add.f32.msk $0xffff, v6;
	v6 =	vadd.f32 v9, v1;
	(pc) =	sbr.rel @p0 .LBB2_27-.Ltmp22, $4  }
0x11d: {  	[tilespmem:s11+$0xEBC0] =	vst.add.f32.msk $0xffff, v4;
	v8 =	vadd.f32 v10, v2  }
0x11e: {  	[tilespmem:s11+$0xEBD0] =	vst.add.f32.msk $0xffff, v5  }
0x11f: {  	[tilespmem:s11+$0xEBE0] =	vst.add.f32.msk $0xffff, v6;
	v4 =	vadd.f32 v7, v3  }
0x120: {  	s13 =	sadd.s32 $0x200, s13;
	[tilespmem:s11+$0xEBF0] =	vst.add.f32.msk $0xffff, v8  }
0x121: {  	p0 =	sgt.u32 s10, $0x7D  }
.Ltmp23:
0x122: {  	s12 =	sadd.s32 s9, s10;
	(pc) =	sbr.rel @p0 .LBB2_33-.Ltmp23, $3  }
0x123: {  	s12 =	smul.u32 $0x640, s12;
	_ =	sdelay $0x1  }
0x124: {  	[tilespmem:s11+$0xEC00] =	vst.add.f32.msk $0xffff, v4;
	s13 =	sadd.s32 s2, s12  }
0x125: {  	[hbm4b:s13+s3] =	stream.linear.scatter [tilespmem:s20], [sflag:$0x6], $0x3200, $0x38;
	[tilespmem:$0x11DA0] =	vst v63  }
0x126: {  	p0 =	sgt.u32 s10, $0x1  }
.Ltmp24:
0x127: {  	_ = 	snop;
	(pc) =	sbr.rel @!p0 .LBB2_30-.Ltmp24, $4  }
0x128: {  	_ = 	snop  }
0x129: {  	_ =	swait.ge [sflag:s28], $0xC8  }
0x12a: {  	[sflag:s28] =	ssyncset.done $0x0  }
0x12b: {  	[sflag:s28] =	ssyncadd.s32 $0xFFFFFF38  }
0x12c: {  	p0 =	sgt.u32 s10, $0x7B  }
.Ltmp25:
0x12d: {  	_ = 	snop;
	(pc) =	sbr.rel @p0 .LBB2_33-.Ltmp25, $4  }
.Ltmp26:
0x12e: {  	_ =	swait.ge [sflag:s7], $0x3200;
	(pc) =	sbr.rel @!p0 .LBB2_32-.Ltmp26, $4  }
0x12f: {  	[sflag:s7] =	ssyncset.done $0x0  }
0x130: {  	[sflag:s7] =	ssyncadd.s32 $0xFFFFCE00  }
0x131: {  	[tilespmem:s29], [sflag:$0x2] =	stream.indirect.gather [hbm4b:s5+s22], $0x40, s22, s22, $0xb8;
	[tilespmem:$0x11DA0] =	vst v63  }
0x132: {  	_ = 	snop  }
.LBB2_8:
0x133: {  	[tilespmem:s0], [sflag:$0x1] =	stream.indirect.gather [hbm4b:s5+s22], $0x40, s23, s22, $0xb8;
	[tilespmem:$0x11DA0] =	vst v63  }
.LBB2_10:
.Ltmp27:
0x134: {  	s11 =	sadd.s32 s10, s14;
	(pc) =	sbr.rel .LBB2_33-.Ltmp27, $3  }
0x135: {  	s11 =	smul.u32 $0x19, s11;
	_ =	sdelay $0x1  }
0x136: {  	s11 =	sadd.s32 s4, s11  }
0x137: {  	[tilespmem:s3], [sflag:$0x7] =	stream.linear.gather [hbm4b:s11+s3], $0xC8, $0x38;
	[tilespmem:$0x11DA0] =	vst v63  }
.LBB2_22:
0x138: {  	[tilespmem:s26], [sflag:$0x1] =	stream.indirect.gather [hbm4b:s5+s22], $0x40, s3, s22, $0xb8;
	[tilespmem:$0x11DA0] =	vst v63  }
.LBB2_24:
.Ltmp28:
0x139: {  	s11 =	sadd.s32 s10, s14;
	(pc) =	sbr.rel .LBB2_33-.Ltmp28, $3  }
0x13a: {  	s11 =	smul.u32 $0x19, s11;
	_ =	sdelay $0x1  }
0x13b: {  	s11 =	sadd.s32 s4, s11  }
0x13c: {  	[tilespmem:s23], [sflag:$0x9] =	stream.linear.gather [hbm4b:s11+s3], $0xC8, $0x38;
	[tilespmem:$0x11DA0] =	vst v63  }
.LBB2_15:
0x13d: {  	[tilespmem:s20], [sflag:$0x2] =	stream.indirect.gather [hbm4b:s5+s22], $0x40, s24, s22, $0xb8;
	[tilespmem:$0x11DA0] =	vst v63  }
.LBB2_17:
.Ltmp29:
0x13e: {  	s11 =	sadd.s32 s10, s14;
	(pc) =	sbr.rel .LBB2_33-.Ltmp29, $3  }
0x13f: {  	s11 =	smul.u32 $0x19, s11;
	_ =	sdelay $0x1  }
0x140: {  	s11 =	sadd.s32 s4, s11  }
0x141: {  	[tilespmem:s22], [sflag:$0x8] =	stream.linear.gather [hbm4b:s11+s3], $0xC8, $0x38;
	[tilespmem:$0x11DA0] =	vst v63  }
.LBB2_35:
0x142: {  	_ =	sfence.sel $0x180000  }
0x143: {  	[bflag:$0x0] =	sbarrier.arrive $0xFFFF  }
0x144: {  	_ =	strace $0x9000004A  }
0x145: {  	s0 =	stileid.u32;
	[bflag:$0x2] =	sbarrier.arrive $0xFFFF  }
0x146: {  	p0 =	sne.s32 s0, $0x0;
	s0 =	rddreg [dreg:$0x3]  }
0x147: {  	s0 =	sadd.s32 @!p0 $0x100000, s0  }
0x148: {  	[sflag:s0] =	ssyncadd.tile.s32 @!p0 $0x1;
	_ =	shalt  }
.Lfunc_end2:
_tile_overlayer_lowered:
.L_overlay_start_2:
0x149: {  	(tag) =	ssettag $0x2  }
0x14a: {  	s0 =	rddreg [dreg:$0x0];
	s2 =	stileid.u32  }
0x14b: {  	s1 =	rddreg [dreg:$0x1];
	p0 =	sne.s32 s2, $0x0  }
0x14c: {  	s3 =	rddreg [dreg:$0x2];
	[bflag:$0x3] =	sbarrier.arrive $0xFFFF;
	s2 =	simm.s32 @!p0 $0x1C0B  }
0x14d: {  	[timem:s3], [sflag:s2] =	dma.local @!p0 [hbm:s0], s1  }
0x14e: {  	s0 =	simm.s32 @!p0 $0xB  }
0x14f: {  	_ =	swait.ge @!p0 [sflag:s0], s1  }
0x150: {  	s1 =	ssub.s32 @!p0 $0x0, s1;
	[sflag:s0] =	ssyncset.done @!p0 $0x0  }
0x151: {  	[sflag:s0] =	ssyncadd.s32 @!p0 s1  }
0x152: {  	[bflag:$0x3] =	sbarrier.arrive $0xFFFF  }
0x153: {  	_ =	shalt  }

// kernel: sparse-core-data-format-call.cloned.1.call-start
scs
called_computation_lowered:
.L_overlay_start_0:
0x0: {  	s2 =	sld [smem:$0x3FD9]  }
0x1: {  	s3 =	sld [smem:$0x3FFE];
	_ =	sdelay $0x1  }
0x2: {  	s1 =	srdreg.scid  }
0x3: {  	s0 =	sand.u32 $0x1, s1  }
0x4: {  	s18 =	sshll.u32 s0, $0xA;
	s2 =	sadd.s32 s3, s2  }
0x5: {  	s2 =	sadd.s32 s2, s18  }
0x6: {  	[smem:$0x3FC1] =	sst s2  }
0x7: {  	_ = 	snop  }
0x8: {  	s2 =	sld [smem:$0x3FD0];
	(tm) =	ssettm $0x1  }
0x9: {  	s19 =	sld [smem:$0x3FFB];
	_ =	sdelay $0x3  }
0xa: {  	_ =	strace s19  }
0xb: {  	s3 =	sld [smem:$0x3FFC];
	_ =	sdelay $0x3  }
0xc: {  	_ =	strace s3  }
0xd: {  	s3 =	sld [smem:$0x3FFD];
	_ =	sdelay $0x3  }
0xe: {  	_ =	strace s3  }
0xf: {  	_ =	strace $0x8FFFFFFF  }
0x10: {  	s20 =	sld [smem:$0x3FDB];
	_ =	sdelay $0x1  }
0x11: {  	s4 =	simm.s32 $_scs_section_size  }
0x12: {  	s5 =	simm.s32 $_size__tile_overlayer_lowered;
	s6 =	simm.s32 $_tile_overlayer_lowered  }
0x13: {  	s23 =	simm.s32 $0x1BFF;
	s22 =	sshll.u32 s6, $0x1;
	s3 =	sadd.s32 s4, s20  }
0x14: {  	s7 =	simm.s32 $0x0;
	s21 =	sshll.u32 s5, $0x1;
	s5 =	sadd.s32 s22, s3  }
0x15: {  	[timem:s7], [sflag:s23] =	dma.local [hbm:s5], s21  }
0x16: {  	_ =	swait.ge [sflag:s23], s21  }
0x17: {  	s4 =	ssub.s32 $0x0, s21;
	[sflag:s23] =	ssyncset.done $0x0  }
0x18: {  	[sflag:s23] =	ssyncadd.s32 s4;
	_ =	sdelay $0x1  }
0x19: {  	s24 =	simm.s32 $0x1B8B  }
0x1a: {  	_ =	swait.ge [sflag:s24], $0x1  }
0x1b: {  	[sflag:s24] =	ssyncset.done $0x0  }
0x1c: {  	s26 =	simm.s32 $0x1B8E;
	s25 =	sld [smem:$0x3FFE];
	[sflag:s24] =	ssyncadd.s32 $0xFFFFFFFF  }
0x1d: {  	s27 =	simm.s32 $execute0_lowered;
	[smem:$0x3FD2] =	sst s26  }
0x1e: {  	s5 =	sshll.u32 s27, $0x1;
	_ =	strace $0x8000004C;
	[dreg:$0x1] =	wrdreg $0xFFFFFFFF  }
0x1f: {  	s28 =	simm.s32 $_size_execute0_lowered;
	s3 =	sadd.s32 s3, s5;
	[dreg:$0x0] =	wrdreg $0x0  }
0x20: {  	s5 =	sshll.u32 s28, $0x1;
	[dreg:$0x2] =	wrdreg s3  }
0x21: {  	[dreg:$0x3] =	wrdreg s5  }
0x22: {  	[dreg:$0x4] =	wrdreg $0xC0  }
0x23: {  	_ =	task [dreg:s7], $0x5FFFF  }
0x24: {  	[dreg:$0x1] =	wrdreg $0xFFFFFFFF  }
0x25: {  	[dreg:$0x0] =	wrdreg $0x60  }
0x26: {  	[dreg:$0x2] =	wrdreg s25  }
0x27: {  	[dreg:$0x3] =	wrdreg s2  }
0x28: {  	[dreg:$0x4] =	wrdreg $0x9  }
0x29: {  	_ =	task.clear_ibuf [dreg:s7], $0x5FFFF;
	_ =	strace $0x9000004C  }
0x2a: {  	s29 =	simm.s32 $0x9;
	_ =	strace $0x8000004E  }
0x2b: {  	_ =	swait.ge [sflag:s29], $0x1  }
0x2c: {  	[sflag:s29] =	ssyncadd.s32 $0xFFFFFFFF  }
0x2d: {  	_ =	strace $0x9000004E  }
0x2e: {  	_ =	sfence  }
0x2f: {  	s30 =	sld [smem:$0x0];
	_ =	sdelay $0x2  }
0x30: {  	s31 =	sshll.u32 s1, $0xD;
	s1 =	sshrl.u32 s1, $0x2  }
0x31: {  	s3 =	sand.u32 $0x4000, s31;
	s1 =	sadd.s32 s1, s30  }
0x32: {  	s0 =	sor.u32 s3, s0;
	s1 =	sshll.u32 s1, $0x11  }
0x33: {  	s0 =	sor.u32 s1, s0  }
0x34: {  	s0 =	sadd.s32 $0x8F2B, s0  }
0x35: {  	[sflag:s0] =	ssyncadd.remote.s32 $0x1  }
0x36: {  	_ =	sfence.sel $0xFFFF  }
0x37: {  	[dreg:$0x0] =	wrdreg $0xFFFFFFFF;
	(pc) =	sbr.abs _section_cstart, $3  }
0x38: {  	[dreg:$0x1] =	wrdreg $0xFFFFFFFF  }
0x39: {  	_ =	task.clear_ibuf [dreg:s7], $0x2FFFF;
	_ =	strace $0x9FFFFFFF  }
0x3a: {  	(tm) =	ssettm $0x7FFFFFFF  }
0x3b: {  	_ =	shalt  }
tec
execute0_lowered:
.L_overlay_start_1:
0x0: {  	(tag) =	ssettag $0x1  }
0x1: {  	s0 =	srdreg.scid  }
0x2: {  	s1 =	sshll.u32 s0, $0x4  }
0x3: {  	s0 =	stileid.u32;
	s1 =	sand.u32 $0x10, s1  }
0x4: {  	s1 =	sor.u32 s0, s1  }
0x5: {  	s6 =	rddreg [dreg:$0x0];
	s4 =	simm.s32 $0x1;
	s2 =	sshll.u32 s1, $0x7  }
0x6: {  	s7 =	simm.s32 $0x2;
	s12 =	simm.s32 $0x0;
	s1 =	ssub.s32 $0x1000, s2  }
0x7: {  	s8 =	simm.s32 $0x8000;
	s13 =	simm.s32 $0x0;
	s3 =	sand.u32 $0xF80, s1  }
0x8: {  	s9 =	simm.s32 $0x0;
	s5 =	sshrl.u32 s1, $0xC;
	p0 =	sne.s32 s3, $0x0  }
.Ltmp0:
0x9: {  	s1 =	rddreg [dreg:$0x2];
	s4 =	simm.s32 @!p0 $0x0;
	(pc) =	sbr.rel .LBB1_1-.Ltmp0, $4  }
0xa: {  	s11 =	simm.s32 $0x0;
	s3 =	rddreg [dreg:$0x1];
	s5 =	sadd.s32 s4, s5  }
0xb: {  	_ =	strace $0x8000004D;
	s4 =	simm.s32 $0x1;
	s5 =	smul.u32 $0xC8, s5  }
0xc: {  	s6 =	sadd.s32 $0x1400, s6;
	s10 =	smov.u32 s2;
	[sflag:s4] =	ssyncpa.u1 $0x0  }
0xd: {  	p0 =	por $0x0, $0x0;
	[sflag:s7] =	ssyncpa.u1 $0x0;
	s7 =	sor.u32 $0x1, s5  }
.LBB1_4:
0xe: {  	s16 =	sshll.u32 s13, $0x3;
	s17 =	sand.u32 $0x78, s13  }
0xf: {  	s30 =	sand.u32 $0x7E00, s13;
	s12 =	sshll.u32 s12, $0xF;
	s16 =	sand.u32 $0xC00, s16  }
0x10: {  	[tilespmem:s15+$0x810 ss:$0x81] =	vst.msk $0xffff, v2;
	s31 =	sand.u32 $0x7, s13;
	s16 =	sor.u32 s17, s16;
	s17 =	sadd.s32 s3, s30  }
0x11: {  	[tilespmem:s15+$0x1020 ss:$0x81] =	vst.msk $0xffff, v0;
	s13 =	sshll.u32 s31, $0x12;
	s12 =	sadd.s32 s12, s17;
	s16 =	sshrl.u32 s16, $0x3  }
0x12: {  	[tilespmem:s15+$0x0 ss:$0x81] =	vst.msk $0xffff, v1;
	s13 =	sor.u32 $0x400, s13;
	s12 =	sadd.s32 s16, s12  }
0x13: {  	[hbm4b:s12+s13] =	stream.strided.scatter [tilespmem:s14], [sflag:$0x2], $0x2000, s8, s13, $0x20;
	[tilespmem:$0x8080] =	vst v63  }
.LBB1_5:
0x14: {  	s14 =	sadd.s32 $0x1, s9  }
0x15: {  	s12 =	sadd.s32 $0x1000, s10;
	s16 =	smov.u32 s10;
	p2 =	sgt.s32 s14, $0xC7  }
0x16: {  	s16 =	smov.u32 @p2 s12  }
0x17: {  	s14 =	simm.s32 @p2 $0x0;
	p2 =	sgt.s32 s16, $0xFFF  }
0x18: {  	s16 =	smov.u32 @p2 s2;
	p2 =	sne.s32 s11, s7  }
.Ltmp1:
0x19: {  	p1 =	slt.u32 s11, $0x2;
	(pc) =	sbr.rel @!p2 .LBB1_6-.Ltmp1, $4  }
0x1a: {  	s15 =	simm.s32 @!p1 $0x2  }
0x1b: {  	s13 =	smov.u32 s10;
	p0 =	por !p0, !p0;
	_ =	swait.ge @!p1 [sflag:s15], $0x2000  }
0x1c: {  	s12 =	smov.u32 s9;
	[sflag:s15] =	ssyncset.done @!p1 $0x0;
	s9 =	smov.u32 s14  }
0x1d: {  	s11 =	sadd.s32 $0x1, s11;
	[sflag:s15] =	ssyncadd.s32 @!p1 $0xFFFFE000;
	s10 =	smov.u32 s16  }
.LBB1_1:
0x1e: {  	p1 =	sge.u32 s11, s5  }
0x1f: {  	s14 =	sand.u32 @!p1 $0x1FFFFFF, s9  }
0x20: {  	s15 =	smulhi.u32 @!p1 $0x147AE15, s14;
	_ =	sdelay $0x1  }
0x21: {  	s15 =	smul.u32 @!p1 $0xC8, s15  }
0x22: {  	s16 =	sxor.u32 @!p1 $0xFFFFFFFF, s11;
	s17 =	smul.u32 @!p1 $0xC80, s10  }
0x23: {  	s31 =	sadd.s32 $0xFFFFFFFF, s11;
	s16 =	sshll.u32 @!p1 s16, $0xD;
	s14 =	ssub.s32 @!p1 s14, s15  }
0x24: {  	s15 =	sand.u32 @!p1 $0x2000, s16;
	s16 =	sadd.s32 @!p1 s6, s17;
	s14 =	sshll.u32 @!p1 s14, $0x4  }
0x25: {  	s17 =	simm.s32 @!p1 $0x6400;
	s14 =	sadd.s32 @!p1 s14, s16;
	s16 =	simm.s32 @!p1 $0x40  }
0x26: {  	[tilespmem:s15], [sflag:$0x1] =	stream.strided.gather @!p1 [hbm4b:s14+s16], $0x2000, s17, s16, $0x38;
	[tilespmem:$0x8080] =	vst v63  }
0x27: {  	p1 =	sge.u32 s31, s5  }
.Ltmp2:
0x28: {  	_ = 	snop;
	(pc) =	sbr.rel @p1 .LBB1_5-.Ltmp2, $1  }
0x29: {  	_ =	sdelay $0x3  }
0x2a: {  	s14 =	simm.s32 $0x1  }
0x2b: {  	_ =	swait.ge [sflag:s4], $0x2000;
	s14 =	simm.s32 @!p0 $0x0  }
0x2c: {  	[sflag:s4] =	ssyncset.done $0x0;
	s15 =	sshll.u32 s14, $0xD  }
0x2d: {  	[sflag:s4] =	ssyncadd.s32 $0xFFFFE000;
	s18 =	sor.u32 $0x20, s15  }
0x2e: {  	s14 =	smul.u32 $0x8100, s14;
	v3 =	vld [tilespmem:s18+$0x10]  }
0x2f: {  	s30 =	sand.u32 $0x1, s11;
	v2 =	vld [tilespmem:s18+$0xFFFFFFF0]  }
0x30: {  	s15 =	smul.u32 $0x8100, s30;
	s14 =	sshrl.u32 s14, $0x2;
	v0 =	vld [tilespmem:s18+$0x0]  }
0x31: {  	v1 =	vld [tilespmem:s18+$0xFFFFFFE0];
	s16 =	sor.u32 $0x4000, s14  }
0x32: {  	s31 =	sshrl.u32 s15, $0x2;
	s15 =	sadd.s32 $0x0, s16  }
0x33: {  	s17 =	simm.s32 $0x4;
	s18 =	sadd.s32 $0x40, s18;
	s14 =	sor.u32 $0x4000, s31;
	[tilespmem:s15+$0x1830 ss:$0x81] =	vst.msk $0xffff, v3  }
.LBB1_3:
0x34: {  	v3 =	vld [tilespmem:s18+$0x10];
	p1 =	sne.s32 s17, $0x1FC;
	[tilespmem:s15+$0x810 ss:$0x81] =	vst.msk $0xffff, v2;
	s19 =	smov.u32 s17;
	s17 =	sadd.s32 $0x4, s17  }
.Ltmp3:
0x35: {  	v2 =	vld [tilespmem:s18+$0xFFFFFFF0];
	[tilespmem:s15+$0x1020 ss:$0x81] =	vst.msk $0xffff, v0;
	(pc) =	sbr.rel @p1 .LBB1_3-.Ltmp3, $4  }
0x36: {  	v0 =	vld [tilespmem:s18+$0x0];
	[tilespmem:s15+$0x0 ss:$0x81] =	vst.msk $0xffff, v1  }
0x37: {  	s15 =	sshra.s32 s19, $0x2;
	v1 =	vld [tilespmem:s18+$0xFFFFFFE0]  }
0x38: {  	s15 =	sadd.s32 s15, s16  }
0x39: {  	s18 =	sadd.s32 $0x40, s18;
	[tilespmem:s15+$0x1830 ss:$0x81] =	vst.msk $0xffff, v3  }
.Ltmp4:
0x3a: {  	_ = 	snop;
	(pc) =	sbr.rel .LBB1_4-.Ltmp4, $1  }
0x3b: {  	_ =	sdelay $0x3  }
.LBB1_6:
0x3c: {  	_ =	sfence.sel $0x180000  }
0x3d: {  	s2 =	simm.s32 $0x1;
	[bflag:$0x0] =	sbarrier.arrive $0xFFFF  }
0x3e: {  	s31 =	simm.s32 $0x2;
	[sflag:s2] =	ssyncpa.u1 $0x1  }
0x3f: {  	[sflag:s31] =	ssyncpa.u1 $0x1  }
0x40: {  	p0 =	sne.s32 s0, $0x0;
	_ =	strace $0x9000004D  }
0x41: {  	s0 =	sadd.s32 @!p0 $0x100000, s1;
	[bflag:$0x2] =	sbarrier.arrive $0xFFFF  }
0x42: {  	[sflag:s0] =	ssyncadd.tile.s32 @!p0 $0x1;
	_ =	shalt  }
.Lfunc_end1:
_tile_overlayer_lowered:
.L_overlay_start_2:
0x43: {  	(tag) =	ssettag $0x2  }
0x44: {  	s0 =	rddreg [dreg:$0x0];
	s2 =	stileid.u32  }
0x45: {  	s1 =	rddreg [dreg:$0x1];
	p0 =	sne.s32 s2, $0x0  }
0x46: {  	s3 =	rddreg [dreg:$0x2];
	[bflag:$0x3] =	sbarrier.arrive $0xFFFF;
	s2 =	simm.s32 @!p0 $0x1C01  }
0x47: {  	[timem:s3], [sflag:s2] =	dma.local @!p0 [hbm:s0], s1  }
0x48: {  	s0 =	simm.s32 @!p0 $0x1  }
0x49: {  	_ =	swait.ge @!p0 [sflag:s0], s1  }
0x4a: {  	s1 =	ssub.s32 @!p0 $0x0, s1;
	[sflag:s0] =	ssyncset.done @!p0 $0x0  }
0x4b: {  	[sflag:s0] =	ssyncadd.s32 @!p0 s1  }
0x4c: {  	[bflag:$0x3] =	sbarrier.arrive $0xFFFF  }
0x4d: {  	_ =	shalt  }

</sc_bundles>
